<compile_context>
chip_gen: v7x
topology: tpu7x:2x2x1
jax: 0.10.2.dev20260603
libtpu: 0.0.44.dev20260713+nightly
codegen_flags: <defaults>
</compile_context>

<pallas_src>
import functools

import jax
import jax.numpy as jnp
import numpy as np
from jax import lax
from jax.experimental import pallas as pl
from jax.experimental.pallas import tpu as pltpu
from jax.experimental.pallas import tpu_sc as plsc

B, T, E = 1, 2048, 768
H, D = 12, 64
NE, ES, A = 8, 256, 2

BT = 256
NT = T // BT
BP = 512
BF = jnp.bfloat16
F32 = jnp.float32


def _rope_apply(y, cos, ssin):
    d = lax.broadcasted_iota(jnp.int32, y.shape, 1) % D
    first = d < (D // 2)
    left = jnp.concatenate([y[:, D // 2:], y[:, : D // 2]], axis=1)
    right = jnp.concatenate([y[:, -(D // 2):], y[:, : -(D // 2)]], axis=1)
    partner = jnp.where(first, left, right)
    return y * cos + partner * ssin


def _heads(y):
    return jnp.stack([y[:, h * D:(h + 1) * D] for h in range(H)], axis=0)


def _proj_kernel(x_ref, w_ref, wr_ref, cos_ref, ssin_ref,
                 qf_ref, qa_ref, ka_ref, va_ref, lg_ref):
    x = x_ref[...]
    xb = x.astype(BF)
    h = lax.dot_general(xb, w_ref[...], (((1,), (1,)), ((), ())),
                        preferred_element_type=F32)
    qf_ref[...] = h[:, :E].astype(BF)
    cos = cos_ref[...]
    ssin = ssin_ref[...]
    qa_ref[...] = _heads((_rope_apply(h[:, E:2 * E], cos, ssin)
                          * 0.125).astype(BF))
    ka_ref[...] = _heads(_rope_apply(h[:, 2 * E:3 * E], cos, ssin).astype(BF))
    va_ref[...] = _heads(h[:, 3 * E:4 * E].astype(BF))
    lg_ref[...] = lax.dot_general(wr_ref[...], x, (((1,), (1,)), ((), ())),
                                  preferred_element_type=F32)


BA = 1024
BH = 1024


def _make_attn_kernel(qoff_rows):
    def _attn_kernel(q_ref, k_ref, v_ref, o_ref):
        q = q_ref[0]
        k = k_ref[0]
        s = lax.dot_general(q, k, (((1,), (1,)), ((), ())),
                            preferred_element_type=F32)
        s = jnp.clip(s, -60.0, 60.0)
        row = (qoff_rows + pl.program_id(1) * s.shape[0] +
               lax.broadcasted_iota(jnp.int32, s.shape, 0))
        ccol = lax.broadcasted_iota(jnp.int32, s.shape, 1)
        p = jnp.where(ccol <= row, jnp.exp(s), 0.0)
        l = jnp.sum(p, axis=1, keepdims=True)
        acc = jnp.dot(p.astype(BF), v_ref[0], preferred_element_type=F32)
        o_ref[0] = (acc / l).astype(BF)

    return _attn_kernel


_NC, _NS = 2, 16
_NW = _NC * _NS
_TOKW = T // _NW


def _sc_router_kernel(logits_hbm, out_hbm, lbuf, gbuf):
    wid = lax.axis_index("s") * _NC + lax.axis_index("c")
    base = wid * _TOKW
    for n in range(NE):
        pltpu.sync_copy(logits_hbm.at[pl.ds(n * T + base, _TOKW)],
                        lbuf.at[pl.ds(n * _TOKW, _TOKW)])
    for g in range(_TOKW // 16):
        l = [lbuf[pl.ds(n * _TOKW + g * 16, 16)] for n in range(NE)]
        zf = jnp.zeros((16,), dtype=F32)
        onef = jnp.full((16,), 1.0, dtype=F32)
        zi = jnp.zeros((16,), dtype=jnp.int32)
        onei = jnp.full((16,), 1, dtype=jnp.int32)
        ai = jnp.full((16,), A, dtype=jnp.int32)
        for n in range(NE):
            rank = zi
            for j in range(NE):
                if j == n:
                    continue
                cmp = (l[j] >= l[n]) if j < n else (l[j] > l[n])
                rank = rank + jnp.where(cmp, onei, zi)
            sig = onef / (onef + jnp.exp(zf - l[n]))
            gate = jnp.where(rank < ai, sig, zf)
            gbuf[pl.ds(n * _TOKW + g * 16, 16)] = gate
    for n in range(NE):
        pltpu.sync_copy(gbuf.at[pl.ds(n * _TOKW, _TOKW)],
                        out_hbm.at[pl.ds(n * T + base, _TOKW)])


_sc_router_cached = None


def _sc_router(logits_t):
    global _sc_router_cached
    if _sc_router_cached is None:
        _sc_router_cached = functools.partial(
            pl.kernel,
            mesh=plsc.VectorSubcoreMesh(core_axis_name="c",
                                        subcore_axis_name="s",
                                        num_cores=_NC, num_subcores=_NS),
            out_type=jax.ShapeDtypeStruct((NE * T,), F32),
            scratch_types=[
                pltpu.VMEM((NE * _TOKW,), F32),
                pltpu.VMEM((NE * _TOKW,), F32),
            ],
        )(_sc_router_kernel)
    return _sc_router_cached(logits_t.reshape(NE * T)).reshape(NE, T)


BM = 512
NM = T // BM


def _moe_out_kernel(qf_ref, gates_ref, alo_ref, ahi_ref, kf_ref, vf_ref,
                    w_ref, o_ref):
    is_lo = pl.program_id(0) < NM // 2
    expand = (lax.broadcasted_iota(jnp.int32, (NE, NE * ES), 0) ==
              lax.broadcasted_iota(jnp.int32, (NE, NE * ES), 1) // ES)
    ge = lax.dot_general(gates_ref[...], expand.astype(F32),
                         (((0,), (0,)), ((), ())),
                         preferred_element_type=F32)
    ffwd_cols = []
    for h in range(H):
        qh = qf_ref[:, h * D:(h + 1) * D]
        s = lax.dot_general(qh, kf_ref[h], (((1,), (1,)), ((), ())),
                            preferred_element_type=F32)
        a = 0.5 * s * (1.0 + lax.erf(s * np.float32(1.0 / np.sqrt(2.0))))
        ffwd_cols.append(jnp.dot((a * ge).astype(BF), vf_ref[h],
                                 preferred_element_type=F32))
    ffwd = jnp.concatenate(ffwd_cols, axis=1).astype(BF)
    attn = jnp.concatenate(
        [jnp.where(is_lo, alo_ref[h], ahi_ref[h]) for h in range(H)], axis=1)
    w = w_ref[...]
    out = lax.dot_general(attn, w[:, :E], (((1,), (1,)), ((), ())),
                          preferred_element_type=F32)
    out += lax.dot_general(ffwd, w[:, E:], (((1,), (1,)), ((), ())),
                           preferred_element_type=F32)
    o_ref[...] = out


@jax.jit
def kernel(x, W_in, W_out, k_ffwd, v_ffwd):
    x2 = x.reshape(T, E)
    pos = np.arange(T, dtype=np.float32)
    dh = np.arange(E) % D
    inv_freq = (1.0 / (10000.0 ** (np.arange(0, D, 2, dtype=np.float32) / D)))
    ang = pos[:, None] * inv_freq[dh % (D // 2)][None, :]
    cos_t = jnp.asarray(np.cos(ang), dtype=F32)
    ssin_t = jnp.asarray(np.sin(ang) * np.where(dh < D // 2, -1.0, 1.0),
                         dtype=F32)

    w_main = W_in[:4 * E].astype(BF)
    w_r = W_in[4 * E:]

    qf, qa3, ka3, va3, logits_t = pl.pallas_call(
        _proj_kernel,
        grid=(T // BP,),
        in_specs=[
            pl.BlockSpec((BP, E), lambda i: (i, 0)),
            pl.BlockSpec((4 * E, E), lambda i: (0, 0)),
            pl.BlockSpec((NE, E), lambda i: (0, 0)),
            pl.BlockSpec((BP, E), lambda i: (i, 0)),
            pl.BlockSpec((BP, E), lambda i: (i, 0)),
        ],
        out_specs=[
            pl.BlockSpec((BP, E), lambda i: (i, 0)),
            pl.BlockSpec((H, BP, D), lambda i: (0, i, 0)),
            pl.BlockSpec((H, BP, D), lambda i: (0, i, 0)),
            pl.BlockSpec((H, BP, D), lambda i: (0, i, 0)),
            pl.BlockSpec((NE, BP), lambda i: (0, i)),
        ],
        out_shape=[
            jax.ShapeDtypeStruct((T, E), BF),
            jax.ShapeDtypeStruct((H, T, D), BF),
            jax.ShapeDtypeStruct((H, T, D), BF),
            jax.ShapeDtypeStruct((H, T, D), BF),
            jax.ShapeDtypeStruct((NE, T), F32),
        ],
    )(x2, w_main, w_r, cos_t, ssin_t)
    gates_t = _sc_router(logits_t)

    attn_lo = pl.pallas_call(
        _make_attn_kernel(0),
        grid=(H, T // 2 // BA),
        in_specs=[
            pl.BlockSpec((1, BA, D), lambda h, qi: (h, qi, 0)),
            pl.BlockSpec((1, T // 2, D), lambda h, qi: (h, 0, 0)),
            pl.BlockSpec((1, T // 2, D), lambda h, qi: (h, 0, 0)),
        ],
        out_specs=pl.BlockSpec((1, BA, D), lambda h, qi: (h, qi, 0)),
        out_shape=jax.ShapeDtypeStruct((H, T // 2, D), BF),
    )(qa3, ka3, va3)
    attn_hi = pl.pallas_call(
        _make_attn_kernel(T // 2),
        grid=(H, T // 2 // BH),
        in_specs=[
            pl.BlockSpec((1, BH, D),
                         lambda h, qi: (h, qi + T // 2 // BH, 0)),
            pl.BlockSpec((1, T, D), lambda h, qi: (h, 0, 0)),
            pl.BlockSpec((1, T, D), lambda h, qi: (h, 0, 0)),
        ],
        out_specs=pl.BlockSpec((1, BH, D), lambda h, qi: (h, qi, 0)),
        out_shape=jax.ShapeDtypeStruct((H, T // 2, D), BF),
    )(qa3, ka3, va3)

    kf2 = k_ffwd.reshape(H, NE * ES, D).astype(BF)
    vf2 = v_ffwd.reshape(H, NE * ES, D).astype(BF)
    wout_bf = W_out.astype(BF)
    out = pl.pallas_call(
        _moe_out_kernel,
        grid=(NM,),
        in_specs=[
            pl.BlockSpec((BM, E), lambda i: (i, 0)),
            pl.BlockSpec((NE, BM), lambda i: (0, i)),
            pl.BlockSpec((H, BM, D),
                         lambda i: (0, jnp.minimum(i, NM // 2 - 1), 0)),
            pl.BlockSpec((H, BM, D),
                         lambda i: (0, jnp.maximum(i - NM // 2, 0), 0)),
            pl.BlockSpec((H, NE * ES, D), lambda i: (0, 0, 0)),
            pl.BlockSpec((H, NE * ES, D), lambda i: (0, 0, 0)),
            pl.BlockSpec((E, 2 * E), lambda i: (0, 0)),
        ],
        out_specs=pl.BlockSpec((BM, E), lambda i: (i, 0)),
        out_shape=jax.ShapeDtypeStruct((T, E), F32),
    )(qf, gates_t, attn_lo, attn_hi, kf2, vf2, wout_bf)

    return out.reshape(B, T, E)

# --- scband reference (transcript-rebuilt; emitter-appended) ---
"""Pipeline reference for scband-unified-15040975470626 (READ-ONLY COPY).

The authoritative reference and input builder live on the scoring server;
editing this copy changes nothing except your own understanding.
"""

import jax, jax.numpy as jnp
import numpy as np

B, T, E = 1, 2048, 768
H, D = 12, 64
NE, ES, A = 8, 256, 2

def _rope(t):
    Tn, Dn = t.shape[1], t.shape[3]
    pos = jnp.arange(Tn, dtype=jnp.float32)
    inv_freq = 1.0 / (10000.0 ** (jnp.arange(0, Dn, 2, dtype=jnp.float32) / Dn))
    ang = pos[:, None] * inv_freq[None, :]
    cos = jnp.cos(ang)[None, :, None, :]
    sin = jnp.sin(ang)[None, :, None, :]
    t1 = t[..., : Dn // 2]
    t2 = t[..., Dn // 2:]
    return jnp.concatenate([t1 * cos - t2 * sin, t1 * sin + t2 * cos], axis=-1)

def setup_inputs(seed: int = 0):
    key = jax.random.key(seed)
    ks = jax.random.split(key, 5)
    x = jax.random.normal(ks[0], (B, T, E), dtype=jnp.float32)
    W_in = 0.02 * jax.random.normal(ks[1], (4 * E + NE, E), dtype=jnp.float32)
    W_out = (0.02 / np.sqrt(12.0)) * jax.random.normal(ks[2], (E, 2 * E), dtype=jnp.float32)
    k_ffwd = 0.02 * jax.random.normal(ks[3], (H, NE, ES, D), dtype=jnp.float32)
    v_ffwd = 0.02 * jax.random.normal(ks[4], (H, NE, ES, D), dtype=jnp.float32)
    return {"x": x, "W_in": W_in, "W_out": W_out, "k_ffwd": k_ffwd, "v_ffwd": v_ffwd}

def reference(x, W_in, W_out, k_ffwd, v_ffwd):
    b, t, e = x.shape
    h = x @ W_in.T
    q_ffwd, q_attn, k_attn, v_attn, router_logits = jnp.split(h, [E, 2 * E, 3 * E, 4 * E], axis=-1)
    # router: top-k experts per token, sigmoid gating (router_activ = F.sigmoid)
    gate_vals, gate_idx = jax.lax.top_k(router_logits, A)
    # attention branch (causal self-attention within the batch sample, RoPE, scale 1/sqrt(d))
    q_a = _rope(q_attn.reshape(b, t, H, D))
    k_a = _rope(k_attn.reshape(b, t, H, D))
    v_a = v_attn.reshape(b, t, H, D)
    scale = 1.0 / np.sqrt(D)
    scores = jnp.einsum('bqhd,bkhd->bhqk', q_a, k_a) * scale
    mask = jnp.tril(jnp.ones((t, t), dtype=bool))
    scores = jnp.where(mask[None, None], scores, -jnp.inf)
    probs = jax.nn.softmax(scores, axis=-1)
    attn_out = jnp.einsum('bhqk,bkhd->bqhd', probs, v_a).reshape(b, t, E)
    # MoE-as-attention branch: flex_attention with score_mod log1p(gelu(s)), scale=1.0,
    # un-normalized via *exp(lse), then subtracting sum(v) over the expert block is
    # mathematically  gelu(q @ k_e^T) @ v_e  per assigned expert e.
    qf = q_ffwd.reshape(b, t, H, D)
    s = jnp.einsum('bthd,hnsd->bthns', qf, k_ffwd)
    a = jax.nn.gelu(s, approximate=False)
    oe = jnp.einsum('bthns,hnsd->bthnd', a, v_ffwd)
    gates = jnp.sum(jax.nn.one_hot(gate_idx, NE, dtype=x.dtype) * jax.nn.sigmoid(gate_vals)[..., None], axis=-2)
    ffwd_out = jnp.einsum('bthnd,btn->bthd', oe, gates).reshape(b, t, E)
    out = jnp.concatenate([attn_out, ffwd_out], axis=-1) @ W_out.T
    return out

if __name__ == "__main__":
    import jax
    _d = setup_inputs()
    print(jax.jit(kernel)(*tuple(_d.values())))

</pallas_src>

<mosaic_0001>
#map = affine_map<(d0, d1) -> (0)>
module attributes {stable_mosaic.version = 14 : i64} {
  func.func @_sc_router_kernel(%arg0: i32, %arg1: i32, %arg2: memref<16384xf32, #tpu.memory_space<hbm>>, %arg3: memref<16384xf32, #tpu.memory_space<hbm>>, %arg4: memref<512xf32, #tpu.memory_space<vmem>>, %arg5: memref<512xf32, #tpu.memory_space<vmem>>) attributes {dimension_semantics = [#tpu.dimension_semantics<core_parallel>, #tpu.dimension_semantics<subcore_parallel>], iteration_bounds = array<i64: 2, 16>, scalar_prefetch = 0 : i64, scratch_operands = 2 : i64, tpu.core_type = #tpu.core_type<sc_vector_subcore>, window_params = [{transform_indices = #map}, {transform_indices = #map}]} {
    %mul3A = arith.constant 2 : i32
    %mul3A_0 = arith.muli %arg1, %mul3A : i32
    %add3A = arith.addi %mul3A_0, %arg0 : i32
    %mul3A_1 = arith.constant 64 : i32
    %mul3A_2 = arith.muli %add3A, %mul3A_1 : i32
    %add3A_3 = arith.constant 0 : i32
    %add3A_4 = arith.addi %add3A_3, %mul3A_2 : i32
    "tpu.region"() ({
      %run_scoped3A = tpu.sem_alloc : memref<!tpu.dma_semaphore, #tpu.memory_space<semaphore_mem>>
      %dma_start3A = arith.constant 0 : i32
      %dma_start3A_1153 = tpu.memref_slice %arg4[%dma_start3A] : memref<512xf32, #tpu.memory_space<vmem>> -> memref<64xf32, #tpu.memory_space<vmem>>
      %dma_start3A_1154 = tpu.memref_slice %arg2[%add3A_4] : memref<16384xf32, #tpu.memory_space<hbm>> -> memref<64xf32, #tpu.memory_space<hbm>>
      %dma_start3A_1155 = arith.constant 0 : i32
      %dma_start3A_1156 = tpu.memref_slice %arg4[%dma_start3A_1155] : memref<512xf32, #tpu.memory_space<vmem>> -> memref<64xf32, #tpu.memory_space<vmem>>
      %dma_start3A_1157 = tpu.memref_slice %arg2[%add3A_4] : memref<16384xf32, #tpu.memory_space<hbm>> -> memref<64xf32, #tpu.memory_space<hbm>>
      tpu.enqueue_dma source(%dma_start3A_1157 : memref<64xf32, #tpu.memory_space<hbm>>) target(%dma_start3A_1156 : memref<64xf32, #tpu.memory_space<vmem>>) target_semaphore(%run_scoped3A : memref<!tpu.dma_semaphore, #tpu.memory_space<semaphore_mem>>)
      %dma_wait3A = arith.constant 0 : i32
      %dma_wait3A_1158 = tpu.memref_slice %arg4[%dma_wait3A] : memref<512xf32, #tpu.memory_space<vmem>> -> memref<64xf32, #tpu.memory_space<vmem>>
      %dma_wait3A_1159 = tpu.memref_slice %arg2[%add3A_4] : memref<16384xf32, #tpu.memory_space<hbm>> -> memref<64xf32, #tpu.memory_space<hbm>>
      %dma_wait3A_1160 = arith.constant 0 : i32
      %dma_wait3A_1161 = tpu.memref_slice %arg4[%dma_wait3A_1160] : memref<512xf32, #tpu.memory_space<vmem>> -> memref<64xf32, #tpu.memory_space<vmem>>
      %dma_wait3A_1162 = tpu.memref_slice %arg2[%add3A_4] : memref<16384xf32, #tpu.memory_space<hbm>> -> memref<64xf32, #tpu.memory_space<hbm>>
      tpu.wait_dma2 semaphore(%run_scoped3A : memref<!tpu.dma_semaphore, #tpu.memory_space<semaphore_mem>>) src(%dma_wait3A_1162 : memref<64xf32, #tpu.memory_space<hbm>>) dst(%dma_wait3A_1161 : memref<64xf32, #tpu.memory_space<vmem>>)
      tpu.yield
    }) : () -> ()
    %add3A_5 = arith.constant 2048 : i32
    %add3A_6 = arith.addi %add3A_5, %mul3A_2 : i32
    "tpu.region"() ({
      %run_scoped3A = tpu.sem_alloc : memref<!tpu.dma_semaphore, #tpu.memory_space<semaphore_mem>>
      %dma_start3A = arith.constant 64 : i32
      %dma_start3A_1153 = tpu.memref_slice %arg4[%dma_start3A] : memref<512xf32, #tpu.memory_space<vmem>> -> memref<64xf32, #tpu.memory_space<vmem>>
      %dma_start3A_1154 = tpu.memref_slice %arg2[%add3A_6] : memref<16384xf32, #tpu.memory_space<hbm>> -> memref<64xf32, #tpu.memory_space<hbm>>
      %dma_start3A_1155 = arith.constant 64 : i32
      %dma_start3A_1156 = tpu.memref_slice %arg4[%dma_start3A_1155] : memref<512xf32, #tpu.memory_space<vmem>> -> memref<64xf32, #tpu.memory_space<vmem>>
      %dma_start3A_1157 = tpu.memref_slice %arg2[%add3A_6] : memref<16384xf32, #tpu.memory_space<hbm>> -> memref<64xf32, #tpu.memory_space<hbm>>
      tpu.enqueue_dma source(%dma_start3A_1157 : memref<64xf32, #tpu.memory_space<hbm>>) target(%dma_start3A_1156 : memref<64xf32, #tpu.memory_space<vmem>>) target_semaphore(%run_scoped3A : memref<!tpu.dma_semaphore, #tpu.memory_space<semaphore_mem>>)
      %dma_wait3A = arith.constant 64 : i32
      %dma_wait3A_1158 = tpu.memref_slice %arg4[%dma_wait3A] : memref<512xf32, #tpu.memory_space<vmem>> -> memref<64xf32, #tpu.memory_space<vmem>>
      %dma_wait3A_1159 = tpu.memref_slice %arg2[%add3A_6] : memref<16384xf32, #tpu.memory_space<hbm>> -> memref<64xf32, #tpu.memory_space<hbm>>
      %dma_wait3A_1160 = arith.constant 64 : i32
      %dma_wait3A_1161 = tpu.memref_slice %arg4[%dma_wait3A_1160] : memref<512xf32, #tpu.memory_space<vmem>> -> memref<64xf32, #tpu.memory_space<vmem>>
      %dma_wait3A_1162 = tpu.memref_slice %arg2[%add3A_6] : memref<16384xf32, #tpu.memory_space<hbm>> -> memref<64xf32, #tpu.memory_space<hbm>>
      tpu.wait_dma2 semaphore(%run_scoped3A : memref<!tpu.dma_semaphore, #tpu.memory_space<semaphore_mem>>) src(%dma_wait3A_1162 : memref<64xf32, #tpu.memory_space<hbm>>) dst(%dma_wait3A_1161 : memref<64xf32, #tpu.memory_space<vmem>>)
      tpu.yield
    }) : () -> ()
    %add3A_7 = arith.constant 4096 : i32
    %add3A_8 = arith.addi %add3A_7, %mul3A_2 : i32
    "tpu.region"() ({
      %run_scoped3A = tpu.sem_alloc : memref<!tpu.dma_semaphore, #tpu.memory_space<semaphore_mem>>
      %dma_start3A = arith.constant 128 : i32
      %dma_start3A_1153 = tpu.memref_slice %arg4[%dma_start3A] : memref<512xf32, #tpu.memory_space<vmem>> -> memref<64xf32, #tpu.memory_space<vmem>>
      %dma_start3A_1154 = tpu.memref_slice %arg2[%add3A_8] : memref<16384xf32, #tpu.memory_space<hbm>> -> memref<64xf32, #tpu.memory_space<hbm>>
      %dma_start3A_1155 = arith.constant 128 : i32
      %dma_start3A_1156 = tpu.memref_slice %arg4[%dma_start3A_1155] : memref<512xf32, #tpu.memory_space<vmem>> -> memref<64xf32, #tpu.memory_space<vmem>>
      %dma_start3A_1157 = tpu.memref_slice %arg2[%add3A_8] : memref<16384xf32, #tpu.memory_space<hbm>> -> memref<64xf32, #tpu.memory_space<hbm>>
      tpu.enqueue_dma source(%dma_start3A_1157 : memref<64xf32, #tpu.memory_space<hbm>>) target(%dma_start3A_1156 : memref<64xf32, #tpu.memory_space<vmem>>) target_semaphore(%run_scoped3A : memref<!tpu.dma_semaphore, #tpu.memory_space<semaphore_mem>>)
      %dma_wait3A = arith.constant 128 : i32
      %dma_wait3A_1158 = tpu.memref_slice %arg4[%dma_wait3A] : memref<512xf32, #tpu.memory_space<vmem>> -> memref<64xf32, #tpu.memory_space<vmem>>
      %dma_wait3A_1159 = tpu.memref_slice %arg2[%add3A_8] : memref<16384xf32, #tpu.memory_space<hbm>> -> memref<64xf32, #tpu.memory_space<hbm>>
      %dma_wait3A_1160 = arith.constant 128 : i32
      %dma_wait3A_1161 = tpu.memref_slice %arg4[%dma_wait3A_1160] : memref<512xf32, #tpu.memory_space<vmem>> -> memref<64xf32, #tpu.memory_space<vmem>>
      %dma_wait3A_1162 = tpu.memref_slice %arg2[%add3A_8] : memref<16384xf32, #tpu.memory_space<hbm>> -> memref<64xf32, #tpu.memory_space<hbm>>
      tpu.wait_dma2 semaphore(%run_scoped3A : memref<!tpu.dma_semaphore, #tpu.memory_space<semaphore_mem>>) src(%dma_wait3A_1162 : memref<64xf32, #tpu.memory_space<hbm>>) dst(%dma_wait3A_1161 : memref<64xf32, #tpu.memory_space<vmem>>)
      tpu.yield
    }) : () -> ()
    %add3A_9 = arith.constant 6144 : i32
    %add3A_10 = arith.addi %add3A_9, %mul3A_2 : i32
    "tpu.region"() ({
      %run_scoped3A = tpu.sem_alloc : memref<!tpu.dma_semaphore, #tpu.memory_space<semaphore_mem>>
      %dma_start3A = arith.constant 192 : i32
      %dma_start3A_1153 = tpu.memref_slice %arg4[%dma_start3A] : memref<512xf32, #tpu.memory_space<vmem>> -> memref<64xf32, #tpu.memory_space<vmem>>
      %dma_start3A_1154 = tpu.memref_slice %arg2[%add3A_10] : memref<16384xf32, #tpu.memory_space<hbm>> -> memref<64xf32, #tpu.memory_space<hbm>>
      %dma_start3A_1155 = arith.constant 192 : i32
      %dma_start3A_1156 = tpu.memref_slice %arg4[%dma_start3A_1155] : memref<512xf32, #tpu.memory_space<vmem>> -> memref<64xf32, #tpu.memory_space<vmem>>
      %dma_start3A_1157 = tpu.memref_slice %arg2[%add3A_10] : memref<16384xf32, #tpu.memory_space<hbm>> -> memref<64xf32, #tpu.memory_space<hbm>>
      tpu.enqueue_dma source(%dma_start3A_1157 : memref<64xf32, #tpu.memory_space<hbm>>) target(%dma_start3A_1156 : memref<64xf32, #tpu.memory_space<vmem>>) target_semaphore(%run_scoped3A : memref<!tpu.dma_semaphore, #tpu.memory_space<semaphore_mem>>)
      %dma_wait3A = arith.constant 192 : i32
      %dma_wait3A_1158 = tpu.memref_slice %arg4[%dma_wait3A] : memref<512xf32, #tpu.memory_space<vmem>> -> memref<64xf32, #tpu.memory_space<vmem>>
      %dma_wait3A_1159 = tpu.memref_slice %arg2[%add3A_10] : memref<16384xf32, #tpu.memory_space<hbm>> -> memref<64xf32, #tpu.memory_space<hbm>>
      %dma_wait3A_1160 = arith.constant 192 : i32
      %dma_wait3A_1161 = tpu.memref_slice %arg4[%dma_wait3A_1160] : memref<512xf32, #tpu.memory_space<vmem>> -> memref<64xf32, #tpu.memory_space<vmem>>
      %dma_wait3A_1162 = tpu.memref_slice %arg2[%add3A_10] : memref<16384xf32, #tpu.memory_space<hbm>> -> memref<64xf32, #tpu.memory_space<hbm>>
      tpu.wait_dma2 semaphore(%run_scoped3A : memref<!tpu.dma_semaphore, #tpu.memory_space<semaphore_mem>>) src(%dma_wait3A_1162 : memref<64xf32, #tpu.memory_space<hbm>>) dst(%dma_wait3A_1161 : memref<64xf32, #tpu.memory_space<vmem>>)
      tpu.yield
    }) : () -> ()
    %add3A_11 = arith.constant 8192 : i32
    %add3A_12 = arith.addi %add3A_11, %mul3A_2 : i32
    "tpu.region"() ({
      %run_scoped3A = tpu.sem_alloc : memref<!tpu.dma_semaphore, #tpu.memory_space<semaphore_mem>>
      %dma_start3A = arith.constant 256 : i32
      %dma_start3A_1153 = tpu.memref_slice %arg4[%dma_start3A] : memref<512xf32, #tpu.memory_space<vmem>> -> memref<64xf32, #tpu.memory_space<vmem>>
      %dma_start3A_1154 = tpu.memref_slice %arg2[%add3A_12] : memref<16384xf32, #tpu.memory_space<hbm>> -> memref<64xf32, #tpu.memory_space<hbm>>
      %dma_start3A_1155 = arith.constant 256 : i32
      %dma_start3A_1156 = tpu.memref_slice %arg4[%dma_start3A_1155] : memref<512xf32, #tpu.memory_space<vmem>> -> memref<64xf32, #tpu.memory_space<vmem>>
      %dma_start3A_1157 = tpu.memref_slice %arg2[%add3A_12] : memref<16384xf32, #tpu.memory_space<hbm>> -> memref<64xf32, #tpu.memory_space<hbm>>
      tpu.enqueue_dma source(%dma_start3A_1157 : memref<64xf32, #tpu.memory_space<hbm>>) target(%dma_start3A_1156 : memref<64xf32, #tpu.memory_space<vmem>>) target_semaphore(%run_scoped3A : memref<!tpu.dma_semaphore, #tpu.memory_space<semaphore_mem>>)
      %dma_wait3A = arith.constant 256 : i32
      %dma_wait3A_1158 = tpu.memref_slice %arg4[%dma_wait3A] : memref<512xf32, #tpu.memory_space<vmem>> -> memref<64xf32, #tpu.memory_space<vmem>>
      %dma_wait3A_1159 = tpu.memref_slice %arg2[%add3A_12] : memref<16384xf32, #tpu.memory_space<hbm>> -> memref<64xf32, #tpu.memory_space<hbm>>
      %dma_wait3A_1160 = arith.constant 256 : i32
      %dma_wait3A_1161 = tpu.memref_slice %arg4[%dma_wait3A_1160] : memref<512xf32, #tpu.memory_space<vmem>> -> memref<64xf32, #tpu.memory_space<vmem>>
      %dma_wait3A_1162 = tpu.memref_slice %arg2[%add3A_12] : memref<16384xf32, #tpu.memory_space<hbm>> -> memref<64xf32, #tpu.memory_space<hbm>>
      tpu.wait_dma2 semaphore(%run_scoped3A : memref<!tpu.dma_semaphore, #tpu.memory_space<semaphore_mem>>) src(%dma_wait3A_1162 : memref<64xf32, #tpu.memory_space<hbm>>) dst(%dma_wait3A_1161 : memref<64xf32, #tpu.memory_space<vmem>>)
      tpu.yield
    }) : () -> ()
    %add3A_13 = arith.constant 10240 : i32
    %add3A_14 = arith.addi %add3A_13, %mul3A_2 : i32
    "tpu.region"() ({
      %run_scoped3A = tpu.sem_alloc : memref<!tpu.dma_semaphore, #tpu.memory_space<semaphore_mem>>
      %dma_start3A = arith.constant 320 : i32
      %dma_start3A_1153 = tpu.memref_slice %arg4[%dma_start3A] : memref<512xf32, #tpu.memory_space<vmem>> -> memref<64xf32, #tpu.memory_space<vmem>>
      %dma_start3A_1154 = tpu.memref_slice %arg2[%add3A_14] : memref<16384xf32, #tpu.memory_space<hbm>> -> memref<64xf32, #tpu.memory_space<hbm>>
      %dma_start3A_1155 = arith.constant 320 : i32
      %dma_start3A_1156 = tpu.memref_slice %arg4[%dma_start3A_1155] : memref<512xf32, #tpu.memory_space<vmem>> -> memref<64xf32, #tpu.memory_space<vmem>>
      %dma_start3A_1157 = tpu.memref_slice %arg2[%add3A_14] : memref<16384xf32, #tpu.memory_space<hbm>> -> memref<64xf32, #tpu.memory_space<hbm>>
      tpu.enqueue_dma source(%dma_start3A_1157 : memref<64xf32, #tpu.memory_space<hbm>>) target(%dma_start3A_1156 : memref<64xf32, #tpu.memory_space<vmem>>) target_semaphore(%run_scoped3A : memref<!tpu.dma_semaphore, #tpu.memory_space<semaphore_mem>>)
      %dma_wait3A = arith.constant 320 : i32
      %dma_wait3A_1158 = tpu.memref_slice %arg4[%dma_wait3A] : memref<512xf32, #tpu.memory_space<vmem>> -> memref<64xf32, #tpu.memory_space<vmem>>
      %dma_wait3A_1159 = tpu.memref_slice %arg2[%add3A_14] : memref<16384xf32, #tpu.memory_space<hbm>> -> memref<64xf32, #tpu.memory_space<hbm>>
      %dma_wait3A_1160 = arith.constant 320 : i32
      %dma_wait3A_1161 = tpu.memref_slice %arg4[%dma_wait3A_1160] : memref<512xf32, #tpu.memory_space<vmem>> -> memref<64xf32, #tpu.memory_space<vmem>>
      %dma_wait3A_1162 = tpu.memref_slice %arg2[%add3A_14] : memref<16384xf32, #tpu.memory_space<hbm>> -> memref<64xf32, #tpu.memory_space<hbm>>
      tpu.wait_dma2 semaphore(%run_scoped3A : memref<!tpu.dma_semaphore, #tpu.memory_space<semaphore_mem>>) src(%dma_wait3A_1162 : memref<64xf32, #tpu.memory_space<hbm>>) dst(%dma_wait3A_1161 : memref<64xf32, #tpu.memory_space<vmem>>)
      tpu.yield
    }) : () -> ()
    %add3A_15 = arith.constant 12288 : i32
    %add3A_16 = arith.addi %add3A_15, %mul3A_2 : i32
    "tpu.region"() ({
      %run_scoped3A = tpu.sem_alloc : memref<!tpu.dma_semaphore, #tpu.memory_space<semaphore_mem>>
      %dma_start3A = arith.constant 384 : i32
      %dma_start3A_1153 = tpu.memref_slice %arg4[%dma_start3A] : memref<512xf32, #tpu.memory_space<vmem>> -> memref<64xf32, #tpu.memory_space<vmem>>
      %dma_start3A_1154 = tpu.memref_slice %arg2[%add3A_16] : memref<16384xf32, #tpu.memory_space<hbm>> -> memref<64xf32, #tpu.memory_space<hbm>>
      %dma_start3A_1155 = arith.constant 384 : i32
      %dma_start3A_1156 = tpu.memref_slice %arg4[%dma_start3A_1155] : memref<512xf32, #tpu.memory_space<vmem>> -> memref<64xf32, #tpu.memory_space<vmem>>
      %dma_start3A_1157 = tpu.memref_slice %arg2[%add3A_16] : memref<16384xf32, #tpu.memory_space<hbm>> -> memref<64xf32, #tpu.memory_space<hbm>>
      tpu.enqueue_dma source(%dma_start3A_1157 : memref<64xf32, #tpu.memory_space<hbm>>) target(%dma_start3A_1156 : memref<64xf32, #tpu.memory_space<vmem>>) target_semaphore(%run_scoped3A : memref<!tpu.dma_semaphore, #tpu.memory_space<semaphore_mem>>)
      %dma_wait3A = arith.constant 384 : i32
      %dma_wait3A_1158 = tpu.memref_slice %arg4[%dma_wait3A] : memref<512xf32, #tpu.memory_space<vmem>> -> memref<64xf32, #tpu.memory_space<vmem>>
      %dma_wait3A_1159 = tpu.memref_slice %arg2[%add3A_16] : memref<16384xf32, #tpu.memory_space<hbm>> -> memref<64xf32, #tpu.memory_space<hbm>>
      %dma_wait3A_1160 = arith.constant 384 : i32
      %dma_wait3A_1161 = tpu.memref_slice %arg4[%dma_wait3A_1160] : memref<512xf32, #tpu.memory_space<vmem>> -> memref<64xf32, #tpu.memory_space<vmem>>
      %dma_wait3A_1162 = tpu.memref_slice %arg2[%add3A_16] : memref<16384xf32, #tpu.memory_space<hbm>> -> memref<64xf32, #tpu.memory_space<hbm>>
      tpu.wait_dma2 semaphore(%run_scoped3A : memref<!tpu.dma_semaphore, #tpu.memory_space<semaphore_mem>>) src(%dma_wait3A_1162 : memref<64xf32, #tpu.memory_space<hbm>>) dst(%dma_wait3A_1161 : memref<64xf32, #tpu.memory_space<vmem>>)
      tpu.yield
    }) : () -> ()
    %add3A_17 = arith.constant 14336 : i32
    %add3A_18 = arith.addi %add3A_17, %mul3A_2 : i32
    "tpu.region"() ({
      %run_scoped3A = tpu.sem_alloc : memref<!tpu.dma_semaphore, #tpu.memory_space<semaphore_mem>>
      %dma_start3A = arith.constant 448 : i32
      %dma_start3A_1153 = tpu.memref_slice %arg4[%dma_start3A] : memref<512xf32, #tpu.memory_space<vmem>> -> memref<64xf32, #tpu.memory_space<vmem>>
      %dma_start3A_1154 = tpu.memref_slice %arg2[%add3A_18] : memref<16384xf32, #tpu.memory_space<hbm>> -> memref<64xf32, #tpu.memory_space<hbm>>
      %dma_start3A_1155 = arith.constant 448 : i32
      %dma_start3A_1156 = tpu.memref_slice %arg4[%dma_start3A_1155] : memref<512xf32, #tpu.memory_space<vmem>> -> memref<64xf32, #tpu.memory_space<vmem>>
      %dma_start3A_1157 = tpu.memref_slice %arg2[%add3A_18] : memref<16384xf32, #tpu.memory_space<hbm>> -> memref<64xf32, #tpu.memory_space<hbm>>
      tpu.enqueue_dma source(%dma_start3A_1157 : memref<64xf32, #tpu.memory_space<hbm>>) target(%dma_start3A_1156 : memref<64xf32, #tpu.memory_space<vmem>>) target_semaphore(%run_scoped3A : memref<!tpu.dma_semaphore, #tpu.memory_space<semaphore_mem>>)
      %dma_wait3A = arith.constant 448 : i32
      %dma_wait3A_1158 = tpu.memref_slice %arg4[%dma_wait3A] : memref<512xf32, #tpu.memory_space<vmem>> -> memref<64xf32, #tpu.memory_space<vmem>>
      %dma_wait3A_1159 = tpu.memref_slice %arg2[%add3A_18] : memref<16384xf32, #tpu.memory_space<hbm>> -> memref<64xf32, #tpu.memory_space<hbm>>
      %dma_wait3A_1160 = arith.constant 448 : i32
      %dma_wait3A_1161 = tpu.memref_slice %arg4[%dma_wait3A_1160] : memref<512xf32, #tpu.memory_space<vmem>> -> memref<64xf32, #tpu.memory_space<vmem>>
      %dma_wait3A_1162 = tpu.memref_slice %arg2[%add3A_18] : memref<16384xf32, #tpu.memory_space<hbm>> -> memref<64xf32, #tpu.memory_space<hbm>>
      tpu.wait_dma2 semaphore(%run_scoped3A : memref<!tpu.dma_semaphore, #tpu.memory_space<semaphore_mem>>) src(%dma_wait3A_1162 : memref<64xf32, #tpu.memory_space<hbm>>) dst(%dma_wait3A_1161 : memref<64xf32, #tpu.memory_space<vmem>>)
      tpu.yield
    }) : () -> ()
    %get3A = arith.constant 0 : index
    %get3A_19 = tpu.vector_load %arg4[%get3A] {strides = array<i32>} : memref<512xf32, #tpu.memory_space<vmem>>, vector<16xf32>,
    %get3A_20 = vector.shape_cast %get3A_19 : vector<16xf32> to vector<16xf32>
    %get3A_21 = arith.constant 64 : index
    %get3A_22 = tpu.vector_load %arg4[%get3A_21] {strides = array<i32>} : memref<512xf32, #tpu.memory_space<vmem>>, vector<16xf32>,
    %get3A_23 = vector.shape_cast %get3A_22 : vector<16xf32> to vector<16xf32>
    %get3A_24 = arith.constant 128 : index
    %get3A_25 = tpu.vector_load %arg4[%get3A_24] {strides = array<i32>} : memref<512xf32, #tpu.memory_space<vmem>>, vector<16xf32>,
    %get3A_26 = vector.shape_cast %get3A_25 : vector<16xf32> to vector<16xf32>
    %get3A_27 = arith.constant 192 : index
    %get3A_28 = tpu.vector_load %arg4[%get3A_27] {strides = array<i32>} : memref<512xf32, #tpu.memory_space<vmem>>, vector<16xf32>,
    %get3A_29 = vector.shape_cast %get3A_28 : vector<16xf32> to vector<16xf32>
    %get3A_30 = arith.constant 256 : index
    %get3A_31 = tpu.vector_load %arg4[%get3A_30] {strides = array<i32>} : memref<512xf32, #tpu.memory_space<vmem>>, vector<16xf32>,
    %get3A_32 = vector.shape_cast %get3A_31 : vector<16xf32> to vector<16xf32>
    %get3A_33 = arith.constant 320 : index
    %get3A_34 = tpu.vector_load %arg4[%get3A_33] {strides = array<i32>} : memref<512xf32, #tpu.memory_space<vmem>>, vector<16xf32>,
    %get3A_35 = vector.shape_cast %get3A_34 : vector<16xf32> to vector<16xf32>
    %get3A_36 = arith.constant 384 : index
    %get3A_37 = tpu.vector_load %arg4[%get3A_36] {strides = array<i32>} : memref<512xf32, #tpu.memory_space<vmem>>, vector<16xf32>,
    %get3A_38 = vector.shape_cast %get3A_37 : vector<16xf32> to vector<16xf32>
    %get3A_39 = arith.constant 448 : index
    %get3A_40 = tpu.vector_load %arg4[%get3A_39] {strides = array<i32>} : memref<512xf32, #tpu.memory_space<vmem>>, vector<16xf32>,
    %get3A_41 = vector.shape_cast %get3A_40 : vector<16xf32> to vector<16xf32>
    %broadcast_in_dim3A = arith.constant 0.000000e+00 : f32
    %broadcast_in_dim3A_42 = vector.broadcast %broadcast_in_dim3A : f32 to vector<16xf32>
    %broadcast_in_dim3A_43 = arith.constant 1.000000e+00 : f32
    %broadcast_in_dim3A_44 = vector.broadcast %broadcast_in_dim3A_43 : f32 to vector<16xf32>
    %broadcast_in_dim3A_45 = arith.constant 0 : i32
    %broadcast_in_dim3A_46 = vector.broadcast %broadcast_in_dim3A_45 : i32 to vector<16xi32>
    %broadcast_in_dim3A_47 = arith.constant 1 : i32
    %broadcast_in_dim3A_48 = vector.broadcast %broadcast_in_dim3A_47 : i32 to vector<16xi32>
    %broadcast_in_dim3A_49 = arith.constant 2 : i32
    %broadcast_in_dim3A_50 = vector.broadcast %broadcast_in_dim3A_49 : i32 to vector<16xi32>
    %gt3A = arith.cmpf ogt, %get3A_23, %get3A_20 : vector<16xf32>
    %select_n3A = arith.select %gt3A, %broadcast_in_dim3A_48, %broadcast_in_dim3A_46 : vector<16xi1>, vector<16xi32>
    %add3A_51 = arith.addi %broadcast_in_dim3A_46, %select_n3A : vector<16xi32>
    %gt3A_52 = arith.cmpf ogt, %get3A_26, %get3A_20 : vector<16xf32>
    %select_n3A_53 = arith.select %gt3A_52, %broadcast_in_dim3A_48, %broadcast_in_dim3A_46 : vector<16xi1>, vector<16xi32>
    %add3A_54 = arith.addi %add3A_51, %select_n3A_53 : vector<16xi32>
    %gt3A_55 = arith.cmpf ogt, %get3A_29, %get3A_20 : vector<16xf32>
    %select_n3A_56 = arith.select %gt3A_55, %broadcast_in_dim3A_48, %broadcast_in_dim3A_46 : vector<16xi1>, vector<16xi32>
    %add3A_57 = arith.addi %add3A_54, %select_n3A_56 : vector<16xi32>
    %gt3A_58 = arith.cmpf ogt, %get3A_32, %get3A_20 : vector<16xf32>
    %select_n3A_59 = arith.select %gt3A_58, %broadcast_in_dim3A_48, %broadcast_in_dim3A_46 : vector<16xi1>, vector<16xi32>
    %add3A_60 = arith.addi %add3A_57, %select_n3A_59 : vector<16xi32>
    %gt3A_61 = arith.cmpf ogt, %get3A_35, %get3A_20 : vector<16xf32>
    %select_n3A_62 = arith.select %gt3A_61, %broadcast_in_dim3A_48, %broadcast_in_dim3A_46 : vector<16xi1>, vector<16xi32>
    %add3A_63 = arith.addi %add3A_60, %select_n3A_62 : vector<16xi32>
    %gt3A_64 = arith.cmpf ogt, %get3A_38, %get3A_20 : vector<16xf32>
    %select_n3A_65 = arith.select %gt3A_64, %broadcast_in_dim3A_48, %broadcast_in_dim3A_46 : vector<16xi1>, vector<16xi32>
    %add3A_66 = arith.addi %add3A_63, %select_n3A_65 : vector<16xi32>
    %gt3A_67 = arith.cmpf ogt, %get3A_41, %get3A_20 : vector<16xf32>
    %select_n3A_68 = arith.select %gt3A_67, %broadcast_in_dim3A_48, %broadcast_in_dim3A_46 : vector<16xi1>, vector<16xi32>
    %add3A_69 = arith.addi %add3A_66, %select_n3A_68 : vector<16xi32>
    %sub3A = arith.subf %broadcast_in_dim3A_42, %get3A_20 : vector<16xf32>
    %exp3A = math.exp %sub3A : vector<16xf32>
    %add3A_70 = arith.addf %broadcast_in_dim3A_44, %exp3A : vector<16xf32>
    %div3A = arith.divf %broadcast_in_dim3A_44, %add3A_70 : vector<16xf32>
    %lt3A = arith.cmpi slt, %add3A_69, %broadcast_in_dim3A_50 : vector<16xi32>
    %select_n3A_71 = arith.select %lt3A, %div3A, %broadcast_in_dim3A_42 : vector<16xi1>, vector<16xf32>
    %swap3A = arith.constant 0 : index
    %swap3A_72 = tpu.vector_load %arg5[%swap3A] {strides = array<i32>} : memref<512xf32, #tpu.memory_space<vmem>>, vector<16xf32>,
    %swap3A_73 = vector.shape_cast %swap3A_72 : vector<16xf32> to vector<16xf32>
    %swap3A_74 = vector.shape_cast %select_n3A_71 : vector<16xf32> to vector<16xf32>
    tpu.vector_store %arg5[%swap3A], %swap3A_74 {strides = array<i32>} : memref<512xf32, #tpu.memory_space<vmem>>, vector<16xf32>,
    %ge3A = arith.cmpf oge, %get3A_20, %get3A_23 : vector<16xf32>
    %select_n3A_75 = arith.select %ge3A, %broadcast_in_dim3A_48, %broadcast_in_dim3A_46 : vector<16xi1>, vector<16xi32>
    %add3A_76 = arith.addi %broadcast_in_dim3A_46, %select_n3A_75 : vector<16xi32>
    %gt3A_77 = arith.cmpf ogt, %get3A_26, %get3A_23 : vector<16xf32>
    %select_n3A_78 = arith.select %gt3A_77, %broadcast_in_dim3A_48, %broadcast_in_dim3A_46 : vector<16xi1>, vector<16xi32>
    %add3A_79 = arith.addi %add3A_76, %select_n3A_78 : vector<16xi32>
    %gt3A_80 = arith.cmpf ogt, %get3A_29, %get3A_23 : vector<16xf32>
    %select_n3A_81 = arith.select %gt3A_80, %broadcast_in_dim3A_48, %broadcast_in_dim3A_46 : vector<16xi1>, vector<16xi32>
    %add3A_82 = arith.addi %add3A_79, %select_n3A_81 : vector<16xi32>
    %gt3A_83 = arith.cmpf ogt, %get3A_32, %get3A_23 : vector<16xf32>
    %select_n3A_84 = arith.select %gt3A_83, %broadcast_in_dim3A_48, %broadcast_in_dim3A_46 : vector<16xi1>, vector<16xi32>
    %add3A_85 = arith.addi %add3A_82, %select_n3A_84 : vector<16xi32>
    %gt3A_86 = arith.cmpf ogt, %get3A_35, %get3A_23 : vector<16xf32>
    %select_n3A_87 = arith.select %gt3A_86, %broadcast_in_dim3A_48, %broadcast_in_dim3A_46 : vector<16xi1>, vector<16xi32>
    %add3A_88 = arith.addi %add3A_85, %select_n3A_87 : vector<16xi32>
    %gt3A_89 = arith.cmpf ogt, %get3A_38, %get3A_23 : vector<16xf32>
    %select_n3A_90 = arith.select %gt3A_89, %broadcast_in_dim3A_48, %broadcast_in_dim3A_46 : vector<16xi1>, vector<16xi32>
    %add3A_91 = arith.addi %add3A_88, %select_n3A_90 : vector<16xi32>
    %gt3A_92 = arith.cmpf ogt, %get3A_41, %get3A_23 : vector<16xf32>
    %select_n3A_93 = arith.select %gt3A_92, %broadcast_in_dim3A_48, %broadcast_in_dim3A_46 : vector<16xi1>, vector<16xi32>
    %add3A_94 = arith.addi %add3A_91, %select_n3A_93 : vector<16xi32>
    %sub3A_95 = arith.subf %broadcast_in_dim3A_42, %get3A_23 : vector<16xf32>
    %exp3A_96 = math.exp %sub3A_95 : vector<16xf32>
    %add3A_97 = arith.addf %broadcast_in_dim3A_44, %exp3A_96 : vector<16xf32>
    %div3A_98 = arith.divf %broadcast_in_dim3A_44, %add3A_97 : vector<16xf32>
    %lt3A_99 = arith.cmpi slt, %add3A_94, %broadcast_in_dim3A_50 : vector<16xi32>
    %select_n3A_100 = arith.select %lt3A_99, %div3A_98, %broadcast_in_dim3A_42 : vector<16xi1>, vector<16xf32>
    %swap3A_101 = arith.constant 64 : index
    %swap3A_102 = tpu.vector_load %arg5[%swap3A_101] {strides = array<i32>} : memref<512xf32, #tpu.memory_space<vmem>>, vector<16xf32>,
    %swap3A_103 = vector.shape_cast %swap3A_102 : vector<16xf32> to vector<16xf32>
    %swap3A_104 = vector.shape_cast %select_n3A_100 : vector<16xf32> to vector<16xf32>
    tpu.vector_store %arg5[%swap3A_101], %swap3A_104 {strides = array<i32>} : memref<512xf32, #tpu.memory_space<vmem>>, vector<16xf32>,
    %ge3A_105 = arith.cmpf oge, %get3A_20, %get3A_26 : vector<16xf32>
    %select_n3A_106 = arith.select %ge3A_105, %broadcast_in_dim3A_48, %broadcast_in_dim3A_46 : vector<16xi1>, vector<16xi32>
    %add3A_107 = arith.addi %broadcast_in_dim3A_46, %select_n3A_106 : vector<16xi32>
    %ge3A_108 = arith.cmpf oge, %get3A_23, %get3A_26 : vector<16xf32>
    %select_n3A_109 = arith.select %ge3A_108, %broadcast_in_dim3A_48, %broadcast_in_dim3A_46 : vector<16xi1>, vector<16xi32>
    %add3A_110 = arith.addi %add3A_107, %select_n3A_109 : vector<16xi32>
    %gt3A_111 = arith.cmpf ogt, %get3A_29, %get3A_26 : vector<16xf32>
    %select_n3A_112 = arith.select %gt3A_111, %broadcast_in_dim3A_48, %broadcast_in_dim3A_46 : vector<16xi1>, vector<16xi32>
    %add3A_113 = arith.addi %add3A_110, %select_n3A_112 : vector<16xi32>
    %gt3A_114 = arith.cmpf ogt, %get3A_32, %get3A_26 : vector<16xf32>
    %select_n3A_115 = arith.select %gt3A_114, %broadcast_in_dim3A_48, %broadcast_in_dim3A_46 : vector<16xi1>, vector<16xi32>
    %add3A_116 = arith.addi %add3A_113, %select_n3A_115 : vector<16xi32>
    %gt3A_117 = arith.cmpf ogt, %get3A_35, %get3A_26 : vector<16xf32>
    %select_n3A_118 = arith.select %gt3A_117, %broadcast_in_dim3A_48, %broadcast_in_dim3A_46 : vector<16xi1>, vector<16xi32>
    %add3A_119 = arith.addi %add3A_116, %select_n3A_118 : vector<16xi32>
    %gt3A_120 = arith.cmpf ogt, %get3A_38, %get3A_26 : vector<16xf32>
    %select_n3A_121 = arith.select %gt3A_120, %broadcast_in_dim3A_48, %broadcast_in_dim3A_46 : vector<16xi1>, vector<16xi32>
    %add3A_122 = arith.addi %add3A_119, %select_n3A_121 : vector<16xi32>
    %gt3A_123 = arith.cmpf ogt, %get3A_41, %get3A_26 : vector<16xf32>
    %select_n3A_124 = arith.select %gt3A_123, %broadcast_in_dim3A_48, %broadcast_in_dim3A_46 : vector<16xi1>, vector<16xi32>
    %add3A_125 = arith.addi %add3A_122, %select_n3A_124 : vector<16xi32>
    %sub3A_126 = arith.subf %broadcast_in_dim3A_42, %get3A_26 : vector<16xf32>
    %exp3A_127 = math.exp %sub3A_126 : vector<16xf32>
    %add3A_128 = arith.addf %broadcast_in_dim3A_44, %exp3A_127 : vector<16xf32>
    %div3A_129 = arith.divf %broadcast_in_dim3A_44, %add3A_128 : vector<16xf32>
    %lt3A_130 = arith.cmpi slt, %add3A_125, %broadcast_in_dim3A_50 : vector<16xi32>
    %select_n3A_131 = arith.select %lt3A_130, %div3A_129, %broadcast_in_dim3A_42 : vector<16xi1>, vector<16xf32>
    %swap3A_132 = arith.constant 128 : index
    %swap3A_133 = tpu.vector_load %arg5[%swap3A_132] {strides = array<i32>} : memref<512xf32, #tpu.memory_space<vmem>>, vector<16xf32>,
    %swap3A_134 = vector.shape_cast %swap3A_133 : vector<16xf32> to vector<16xf32>
    %swap3A_135 = vector.shape_cast %select_n3A_131 : vector<16xf32> to vector<16xf32>
    tpu.vector_store %arg5[%swap3A_132], %swap3A_135 {strides = array<i32>} : memref<512xf32, #tpu.memory_space<vmem>>, vector<16xf32>,
    %ge3A_136 = arith.cmpf oge, %get3A_20, %get3A_29 : vector<16xf32>
    %select_n3A_137 = arith.select %ge3A_136, %broadcast_in_dim3A_48, %broadcast_in_dim3A_46 : vector<16xi1>, vector<16xi32>
    %add3A_138 = arith.addi %broadcast_in_dim3A_46, %select_n3A_137 : vector<16xi32>
    %ge3A_139 = arith.cmpf oge, %get3A_23, %get3A_29 : vector<16xf32>
    %select_n3A_140 = arith.select %ge3A_139, %broadcast_in_dim3A_48, %broadcast_in_dim3A_46 : vector<16xi1>, vector<16xi32>
    %add3A_141 = arith.addi %add3A_138, %select_n3A_140 : vector<16xi32>
    %ge3A_142 = arith.cmpf oge, %get3A_26, %get3A_29 : vector<16xf32>
    %select_n3A_143 = arith.select %ge3A_142, %broadcast_in_dim3A_48, %broadcast_in_dim3A_46 : vector<16xi1>, vector<16xi32>
    %add3A_144 = arith.addi %add3A_141, %select_n3A_143 : vector<16xi32>
    %gt3A_145 = arith.cmpf ogt, %get3A_32, %get3A_29 : vector<16xf32>
    %select_n3A_146 = arith.select %gt3A_145, %broadcast_in_dim3A_48, %broadcast_in_dim3A_46 : vector<16xi1>, vector<16xi32>
    %add3A_147 = arith.addi %add3A_144, %select_n3A_146 : vector<16xi32>
    %gt3A_148 = arith.cmpf ogt, %get3A_35, %get3A_29 : vector<16xf32>
    %select_n3A_149 = arith.select %gt3A_148, %broadcast_in_dim3A_48, %broadcast_in_dim3A_46 : vector<16xi1>, vector<16xi32>
    %add3A_150 = arith.addi %add3A_147, %select_n3A_149 : vector<16xi32>
    %gt3A_151 = arith.cmpf ogt, %get3A_38, %get3A_29 : vector<16xf32>
    %select_n3A_152 = arith.select %gt3A_151, %broadcast_in_dim3A_48, %broadcast_in_dim3A_46 : vector<16xi1>, vector<16xi32>
    %add3A_153 = arith.addi %add3A_150, %select_n3A_152 : vector<16xi32>
    %gt3A_154 = arith.cmpf ogt, %get3A_41, %get3A_29 : vector<16xf32>
    %select_n3A_155 = arith.select %gt3A_154, %broadcast_in_dim3A_48, %broadcast_in_dim3A_46 : vector<16xi1>, vector<16xi32>
    %add3A_156 = arith.addi %add3A_153, %select_n3A_155 : vector<16xi32>
    %sub3A_157 = arith.subf %broadcast_in_dim3A_42, %get3A_29 : vector<16xf32>
    %exp3A_158 = math.exp %sub3A_157 : vector<16xf32>
    %add3A_159 = arith.addf %broadcast_in_dim3A_44, %exp3A_158 : vector<16xf32>
    %div3A_160 = arith.divf %broadcast_in_dim3A_44, %add3A_159 : vector<16xf32>
    %lt3A_161 = arith.cmpi slt, %add3A_156, %broadcast_in_dim3A_50 : vector<16xi32>
    %select_n3A_162 = arith.select %lt3A_161, %div3A_160, %broadcast_in_dim3A_42 : vector<16xi1>, vector<16xf32>
    %swap3A_163 = arith.constant 192 : index
    %swap3A_164 = tpu.vector_load %arg5[%swap3A_163] {strides = array<i32>} : memref<512xf32, #tpu.memory_space<vmem>>, vector<16xf32>,
    %swap3A_165 = vector.shape_cast %swap3A_164 : vector<16xf32> to vector<16xf32>
    %swap3A_166 = vector.shape_cast %select_n3A_162 : vector<16xf32> to vector<16xf32>
    tpu.vector_store %arg5[%swap3A_163], %swap3A_166 {strides = array<i32>} : memref<512xf32, #tpu.memory_space<vmem>>, vector<16xf32>,
    %ge3A_167 = arith.cmpf oge, %get3A_20, %get3A_32 : vector<16xf32>
    %select_n3A_168 = arith.select %ge3A_167, %broadcast_in_dim3A_48, %broadcast_in_dim3A_46 : vector<16xi1>, vector<16xi32>
    %add3A_169 = arith.addi %broadcast_in_dim3A_46, %select_n3A_168 : vector<16xi32>
    %ge3A_170 = arith.cmpf oge, %get3A_23, %get3A_32 : vector<16xf32>
    %select_n3A_171 = arith.select %ge3A_170, %broadcast_in_dim3A_48, %broadcast_in_dim3A_46 : vector<16xi1>, vector<16xi32>
    %add3A_172 = arith.addi %add3A_169, %select_n3A_171 : vector<16xi32>
    %ge3A_173 = arith.cmpf oge, %get3A_26, %get3A_32 : vector<16xf32>
    %select_n3A_174 = arith.select %ge3A_173, %broadcast_in_dim3A_48, %broadcast_in_dim3A_46 : vector<16xi1>, vector<16xi32>
    %add3A_175 = arith.addi %add3A_172, %select_n3A_174 : vector<16xi32>
    %ge3A_176 = arith.cmpf oge, %get3A_29, %get3A_32 : vector<16xf32>
    %select_n3A_177 = arith.select %ge3A_176, %broadcast_in_dim3A_48, %broadcast_in_dim3A_46 : vector<16xi1>, vector<16xi32>
    %add3A_178 = arith.addi %add3A_175, %select_n3A_177 : vector<16xi32>
    %gt3A_179 = arith.cmpf ogt, %get3A_35, %get3A_32 : vector<16xf32>
    %select_n3A_180 = arith.select %gt3A_179, %broadcast_in_dim3A_48, %broadcast_in_dim3A_46 : vector<16xi1>, vector<16xi32>
    %add3A_181 = arith.addi %add3A_178, %select_n3A_180 : vector<16xi32>
    %gt3A_182 = arith.cmpf ogt, %get3A_38, %get3A_32 : vector<16xf32>
    %select_n3A_183 = arith.select %gt3A_182, %broadcast_in_dim3A_48, %broadcast_in_dim3A_46 : vector<16xi1>, vector<16xi32>
    %add3A_184 = arith.addi %add3A_181, %select_n3A_183 : vector<16xi32>
    %gt3A_185 = arith.cmpf ogt, %get3A_41, %get3A_32 : vector<16xf32>
    %select_n3A_186 = arith.select %gt3A_185, %broadcast_in_dim3A_48, %broadcast_in_dim3A_46 : vector<16xi1>, vector<16xi32>
    %add3A_187 = arith.addi %add3A_184, %select_n3A_186 : vector<16xi32>
    %sub3A_188 = arith.subf %broadcast_in_dim3A_42, %get3A_32 : vector<16xf32>
    %exp3A_189 = math.exp %sub3A_188 : vector<16xf32>
    %add3A_190 = arith.addf %broadcast_in_dim3A_44, %exp3A_189 : vector<16xf32>
    %div3A_191 = arith.divf %broadcast_in_dim3A_44, %add3A_190 : vector<16xf32>
    %lt3A_192 = arith.cmpi slt, %add3A_187, %broadcast_in_dim3A_50 : vector<16xi32>
    %select_n3A_193 = arith.select %lt3A_192, %div3A_191, %broadcast_in_dim3A_42 : vector<16xi1>, vector<16xf32>
    %swap3A_194 = arith.constant 256 : index
    %swap3A_195 = tpu.vector_load %arg5[%swap3A_194] {strides = array<i32>} : memref<512xf32, #tpu.memory_space<vmem>>, vector<16xf32>,
    %swap3A_196 = vector.shape_cast %swap3A_195 : vector<16xf32> to vector<16xf32>
    %swap3A_197 = vector.shape_cast %select_n3A_193 : vector<16xf32> to vector<16xf32>
    tpu.vector_store %arg5[%swap3A_194], %swap3A_197 {strides = array<i32>} : memref<512xf32, #tpu.memory_space<vmem>>, vector<16xf32>,
    %ge3A_198 = arith.cmpf oge, %get3A_20, %get3A_35 : vector<16xf32>
    %select_n3A_199 = arith.select %ge3A_198, %broadcast_in_dim3A_48, %broadcast_in_dim3A_46 : vector<16xi1>, vector<16xi32>
    %add3A_200 = arith.addi %broadcast_in_dim3A_46, %select_n3A_199 : vector<16xi32>
    %ge3A_201 = arith.cmpf oge, %get3A_23, %get3A_35 : vector<16xf32>
    %select_n3A_202 = arith.select %ge3A_201, %broadcast_in_dim3A_48, %broadcast_in_dim3A_46 : vector<16xi1>, vector<16xi32>
    %add3A_203 = arith.addi %add3A_200, %select_n3A_202 : vector<16xi32>
    %ge3A_204 = arith.cmpf oge, %get3A_26, %get3A_35 : vector<16xf32>
    %select_n3A_205 = arith.select %ge3A_204, %broadcast_in_dim3A_48, %broadcast_in_dim3A_46 : vector<16xi1>, vector<16xi32>
    %add3A_206 = arith.addi %add3A_203, %select_n3A_205 : vector<16xi32>
    %ge3A_207 = arith.cmpf oge, %get3A_29, %get3A_35 : vector<16xf32>
    %select_n3A_208 = arith.select %ge3A_207, %broadcast_in_dim3A_48, %broadcast_in_dim3A_46 : vector<16xi1>, vector<16xi32>
    %add3A_209 = arith.addi %add3A_206, %select_n3A_208 : vector<16xi32>
    %ge3A_210 = arith.cmpf oge, %get3A_32, %get3A_35 : vector<16xf32>
    %select_n3A_211 = arith.select %ge3A_210, %broadcast_in_dim3A_48, %broadcast_in_dim3A_46 : vector<16xi1>, vector<16xi32>
    %add3A_212 = arith.addi %add3A_209, %select_n3A_211 : vector<16xi32>
    %gt3A_213 = arith.cmpf ogt, %get3A_38, %get3A_35 : vector<16xf32>
    %select_n3A_214 = arith.select %gt3A_213, %broadcast_in_dim3A_48, %broadcast_in_dim3A_46 : vector<16xi1>, vector<16xi32>
    %add3A_215 = arith.addi %add3A_212, %select_n3A_214 : vector<16xi32>
    %gt3A_216 = arith.cmpf ogt, %get3A_41, %get3A_35 : vector<16xf32>
    %select_n3A_217 = arith.select %gt3A_216, %broadcast_in_dim3A_48, %broadcast_in_dim3A_46 : vector<16xi1>, vector<16xi32>
    %add3A_218 = arith.addi %add3A_215, %select_n3A_217 : vector<16xi32>
    %sub3A_219 = arith.subf %broadcast_in_dim3A_42, %get3A_35 : vector<16xf32>
    %exp3A_220 = math.exp %sub3A_219 : vector<16xf32>
    %add3A_221 = arith.addf %broadcast_in_dim3A_44, %exp3A_220 : vector<16xf32>
    %div3A_222 = arith.divf %broadcast_in_dim3A_44, %add3A_221 : vector<16xf32>
    %lt3A_223 = arith.cmpi slt, %add3A_218, %broadcast_in_dim3A_50 : vector<16xi32>
    %select_n3A_224 = arith.select %lt3A_223, %div3A_222, %broadcast_in_dim3A_42 : vector<16xi1>, vector<16xf32>
    %swap3A_225 = arith.constant 320 : index
    %swap3A_226 = tpu.vector_load %arg5[%swap3A_225] {strides = array<i32>} : memref<512xf32, #tpu.memory_space<vmem>>, vector<16xf32>,
    %swap3A_227 = vector.shape_cast %swap3A_226 : vector<16xf32> to vector<16xf32>
    %swap3A_228 = vector.shape_cast %select_n3A_224 : vector<16xf32> to vector<16xf32>
    tpu.vector_store %arg5[%swap3A_225], %swap3A_228 {strides = array<i32>} : memref<512xf32, #tpu.memory_space<vmem>>, vector<16xf32>,
    %ge3A_229 = arith.cmpf oge, %get3A_20, %get3A_38 : vector<16xf32>
    %select_n3A_230 = arith.select %ge3A_229, %broadcast_in_dim3A_48, %broadcast_in_dim3A_46 : vector<16xi1>, vector<16xi32>
    %add3A_231 = arith.addi %broadcast_in_dim3A_46, %select_n3A_230 : vector<16xi32>
    %ge3A_232 = arith.cmpf oge, %get3A_23, %get3A_38 : vector<16xf32>
    %select_n3A_233 = arith.select %ge3A_232, %broadcast_in_dim3A_48, %broadcast_in_dim3A_46 : vector<16xi1>, vector<16xi32>
    %add3A_234 = arith.addi %add3A_231, %select_n3A_233 : vector<16xi32>
    %ge3A_235 = arith.cmpf oge, %get3A_26, %get3A_38 : vector<16xf32>
    %select_n3A_236 = arith.select %ge3A_235, %broadcast_in_dim3A_48, %broadcast_in_dim3A_46 : vector<16xi1>, vector<16xi32>
    %add3A_237 = arith.addi %add3A_234, %select_n3A_236 : vector<16xi32>
    %ge3A_238 = arith.cmpf oge, %get3A_29, %get3A_38 : vector<16xf32>
    %select_n3A_239 = arith.select %ge3A_238, %broadcast_in_dim3A_48, %broadcast_in_dim3A_46 : vector<16xi1>, vector<16xi32>
    %add3A_240 = arith.addi %add3A_237, %select_n3A_239 : vector<16xi32>
    %ge3A_241 = arith.cmpf oge, %get3A_32, %get3A_38 : vector<16xf32>
    %select_n3A_242 = arith.select %ge3A_241, %broadcast_in_dim3A_48, %broadcast_in_dim3A_46 : vector<16xi1>, vector<16xi32>
    %add3A_243 = arith.addi %add3A_240, %select_n3A_242 : vector<16xi32>
    %ge3A_244 = arith.cmpf oge, %get3A_35, %get3A_38 : vector<16xf32>
    %select_n3A_245 = arith.select %ge3A_244, %broadcast_in_dim3A_48, %broadcast_in_dim3A_46 : vector<16xi1>, vector<16xi32>
    %add3A_246 = arith.addi %add3A_243, %select_n3A_245 : vector<16xi32>
    %gt3A_247 = arith.cmpf ogt, %get3A_41, %get3A_38 : vector<16xf32>
    %select_n3A_248 = arith.select %gt3A_247, %broadcast_in_dim3A_48, %broadcast_in_dim3A_46 : vector<16xi1>, vector<16xi32>
    %add3A_249 = arith.addi %add3A_246, %select_n3A_248 : vector<16xi32>
    %sub3A_250 = arith.subf %broadcast_in_dim3A_42, %get3A_38 : vector<16xf32>
    %exp3A_251 = math.exp %sub3A_250 : vector<16xf32>
    %add3A_252 = arith.addf %broadcast_in_dim3A_44, %exp3A_251 : vector<16xf32>
    %div3A_253 = arith.divf %broadcast_in_dim3A_44, %add3A_252 : vector<16xf32>
    %lt3A_254 = arith.cmpi slt, %add3A_249, %broadcast_in_dim3A_50 : vector<16xi32>
    %select_n3A_255 = arith.select %lt3A_254, %div3A_253, %broadcast_in_dim3A_42 : vector<16xi1>, vector<16xf32>
    %swap3A_256 = arith.constant 384 : index
    %swap3A_257 = tpu.vector_load %arg5[%swap3A_256] {strides = array<i32>} : memref<512xf32, #tpu.memory_space<vmem>>, vector<16xf32>,
    %swap3A_258 = vector.shape_cast %swap3A_257 : vector<16xf32> to vector<16xf32>
    %swap3A_259 = vector.shape_cast %select_n3A_255 : vector<16xf32> to vector<16xf32>
    tpu.vector_store %arg5[%swap3A_256], %swap3A_259 {strides = array<i32>} : memref<512xf32, #tpu.memory_space<vmem>>, vector<16xf32>,
    %ge3A_260 = arith.cmpf oge, %get3A_20, %get3A_41 : vector<16xf32>
    %select_n3A_261 = arith.select %ge3A_260, %broadcast_in_dim3A_48, %broadcast_in_dim3A_46 : vector<16xi1>, vector<16xi32>
    %add3A_262 = arith.addi %broadcast_in_dim3A_46, %select_n3A_261 : vector<16xi32>
    %ge3A_263 = arith.cmpf oge, %get3A_23, %get3A_41 : vector<16xf32>
    %select_n3A_264 = arith.select %ge3A_263, %broadcast_in_dim3A_48, %broadcast_in_dim3A_46 : vector<16xi1>, vector<16xi32>
    %add3A_265 = arith.addi %add3A_262, %select_n3A_264 : vector<16xi32>
    %ge3A_266 = arith.cmpf oge, %get3A_26, %get3A_41 : vector<16xf32>
    %select_n3A_267 = arith.select %ge3A_266, %broadcast_in_dim3A_48, %broadcast_in_dim3A_46 : vector<16xi1>, vector<16xi32>
    %add3A_268 = arith.addi %add3A_265, %select_n3A_267 : vector<16xi32>
    %ge3A_269 = arith.cmpf oge, %get3A_29, %get3A_41 : vector<16xf32>
    %select_n3A_270 = arith.select %ge3A_269, %broadcast_in_dim3A_48, %broadcast_in_dim3A_46 : vector<16xi1>, vector<16xi32>
    %add3A_271 = arith.addi %add3A_268, %select_n3A_270 : vector<16xi32>
    %ge3A_272 = arith.cmpf oge, %get3A_32, %get3A_41 : vector<16xf32>
    %select_n3A_273 = arith.select %ge3A_272, %broadcast_in_dim3A_48, %broadcast_in_dim3A_46 : vector<16xi1>, vector<16xi32>
    %add3A_274 = arith.addi %add3A_271, %select_n3A_273 : vector<16xi32>
    %ge3A_275 = arith.cmpf oge, %get3A_35, %get3A_41 : vector<16xf32>
    %select_n3A_276 = arith.select %ge3A_275, %broadcast_in_dim3A_48, %broadcast_in_dim3A_46 : vector<16xi1>, vector<16xi32>
    %add3A_277 = arith.addi %add3A_274, %select_n3A_276 : vector<16xi32>
    %ge3A_278 = arith.cmpf oge, %get3A_38, %get3A_41 : vector<16xf32>
    %select_n3A_279 = arith.select %ge3A_278, %broadcast_in_dim3A_48, %broadcast_in_dim3A_46 : vector<16xi1>, vector<16xi32>
    %add3A_280 = arith.addi %add3A_277, %select_n3A_279 : vector<16xi32>
    %sub3A_281 = arith.subf %broadcast_in_dim3A_42, %get3A_41 : vector<16xf32>
    %exp3A_282 = math.exp %sub3A_281 : vector<16xf32>
    %add3A_283 = arith.addf %broadcast_in_dim3A_44, %exp3A_282 : vector<16xf32>
    %div3A_284 = arith.divf %broadcast_in_dim3A_44, %add3A_283 : vector<16xf32>
    %lt3A_285 = arith.cmpi slt, %add3A_280, %broadcast_in_dim3A_50 : vector<16xi32>
    %select_n3A_286 = arith.select %lt3A_285, %div3A_284, %broadcast_in_dim3A_42 : vector<16xi1>, vector<16xf32>
    %swap3A_287 = arith.constant 448 : index
    %swap3A_288 = tpu.vector_load %arg5[%swap3A_287] {strides = array<i32>} : memref<512xf32, #tpu.memory_space<vmem>>, vector<16xf32>,
    %swap3A_289 = vector.shape_cast %swap3A_288 : vector<16xf32> to vector<16xf32>
    %swap3A_290 = vector.shape_cast %select_n3A_286 : vector<16xf32> to vector<16xf32>
    tpu.vector_store %arg5[%swap3A_287], %swap3A_290 {strides = array<i32>} : memref<512xf32, #tpu.memory_space<vmem>>, vector<16xf32>,
    %get3A_291 = arith.constant 16 : index
    %get3A_292 = tpu.vector_load %arg4[%get3A_291] {strides = array<i32>} : memref<512xf32, #tpu.memory_space<vmem>>, vector<16xf32>,
    %get3A_293 = vector.shape_cast %get3A_292 : vector<16xf32> to vector<16xf32>
    %get3A_294 = arith.constant 80 : index
    %get3A_295 = tpu.vector_load %arg4[%get3A_294] {strides = array<i32>} : memref<512xf32, #tpu.memory_space<vmem>>, vector<16xf32>,
    %get3A_296 = vector.shape_cast %get3A_295 : vector<16xf32> to vector<16xf32>
    %get3A_297 = arith.constant 144 : index
    %get3A_298 = tpu.vector_load %arg4[%get3A_297] {strides = array<i32>} : memref<512xf32, #tpu.memory_space<vmem>>, vector<16xf32>,
    %get3A_299 = vector.shape_cast %get3A_298 : vector<16xf32> to vector<16xf32>
    %get3A_300 = arith.constant 208 : index
    %get3A_301 = tpu.vector_load %arg4[%get3A_300] {strides = array<i32>} : memref<512xf32, #tpu.memory_space<vmem>>, vector<16xf32>,
    %get3A_302 = vector.shape_cast %get3A_301 : vector<16xf32> to vector<16xf32>
    %get3A_303 = arith.constant 272 : index
    %get3A_304 = tpu.vector_load %arg4[%get3A_303] {strides = array<i32>} : memref<512xf32, #tpu.memory_space<vmem>>, vector<16xf32>,
    %get3A_305 = vector.shape_cast %get3A_304 : vector<16xf32> to vector<16xf32>
    %get3A_306 = arith.constant 336 : index
    %get3A_307 = tpu.vector_load %arg4[%get3A_306] {strides = array<i32>} : memref<512xf32, #tpu.memory_space<vmem>>, vector<16xf32>,
    %get3A_308 = vector.shape_cast %get3A_307 : vector<16xf32> to vector<16xf32>
    %get3A_309 = arith.constant 400 : index
    %get3A_310 = tpu.vector_load %arg4[%get3A_309] {strides = array<i32>} : memref<512xf32, #tpu.memory_space<vmem>>, vector<16xf32>,
    %get3A_311 = vector.shape_cast %get3A_310 : vector<16xf32> to vector<16xf32>
    %get3A_312 = arith.constant 464 : index
    %get3A_313 = tpu.vector_load %arg4[%get3A_312] {strides = array<i32>} : memref<512xf32, #tpu.memory_space<vmem>>, vector<16xf32>,
    %get3A_314 = vector.shape_cast %get3A_313 : vector<16xf32> to vector<16xf32>
    %broadcast_in_dim3A_315 = arith.constant 0.000000e+00 : f32
    %broadcast_in_dim3A_316 = vector.broadcast %broadcast_in_dim3A_315 : f32 to vector<16xf32>
    %broadcast_in_dim3A_317 = arith.constant 1.000000e+00 : f32
    %broadcast_in_dim3A_318 = vector.broadcast %broadcast_in_dim3A_317 : f32 to vector<16xf32>
    %broadcast_in_dim3A_319 = arith.constant 0 : i32
    %broadcast_in_dim3A_320 = vector.broadcast %broadcast_in_dim3A_319 : i32 to vector<16xi32>
    %broadcast_in_dim3A_321 = arith.constant 1 : i32
    %broadcast_in_dim3A_322 = vector.broadcast %broadcast_in_dim3A_321 : i32 to vector<16xi32>
    %broadcast_in_dim3A_323 = arith.constant 2 : i32
    %broadcast_in_dim3A_324 = vector.broadcast %broadcast_in_dim3A_323 : i32 to vector<16xi32>
    %gt3A_325 = arith.cmpf ogt, %get3A_296, %get3A_293 : vector<16xf32>
    %select_n3A_326 = arith.select %gt3A_325, %broadcast_in_dim3A_322, %broadcast_in_dim3A_320 : vector<16xi1>, vector<16xi32>
    %add3A_327 = arith.addi %broadcast_in_dim3A_320, %select_n3A_326 : vector<16xi32>
    %gt3A_328 = arith.cmpf ogt, %get3A_299, %get3A_293 : vector<16xf32>
    %select_n3A_329 = arith.select %gt3A_328, %broadcast_in_dim3A_322, %broadcast_in_dim3A_320 : vector<16xi1>, vector<16xi32>
    %add3A_330 = arith.addi %add3A_327, %select_n3A_329 : vector<16xi32>
    %gt3A_331 = arith.cmpf ogt, %get3A_302, %get3A_293 : vector<16xf32>
    %select_n3A_332 = arith.select %gt3A_331, %broadcast_in_dim3A_322, %broadcast_in_dim3A_320 : vector<16xi1>, vector<16xi32>
    %add3A_333 = arith.addi %add3A_330, %select_n3A_332 : vector<16xi32>
    %gt3A_334 = arith.cmpf ogt, %get3A_305, %get3A_293 : vector<16xf32>
    %select_n3A_335 = arith.select %gt3A_334, %broadcast_in_dim3A_322, %broadcast_in_dim3A_320 : vector<16xi1>, vector<16xi32>
    %add3A_336 = arith.addi %add3A_333, %select_n3A_335 : vector<16xi32>
    %gt3A_337 = arith.cmpf ogt, %get3A_308, %get3A_293 : vector<16xf32>
    %select_n3A_338 = arith.select %gt3A_337, %broadcast_in_dim3A_322, %broadcast_in_dim3A_320 : vector<16xi1>, vector<16xi32>
    %add3A_339 = arith.addi %add3A_336, %select_n3A_338 : vector<16xi32>
    %gt3A_340 = arith.cmpf ogt, %get3A_311, %get3A_293 : vector<16xf32>
    %select_n3A_341 = arith.select %gt3A_340, %broadcast_in_dim3A_322, %broadcast_in_dim3A_320 : vector<16xi1>, vector<16xi32>
    %add3A_342 = arith.addi %add3A_339, %select_n3A_341 : vector<16xi32>
    %gt3A_343 = arith.cmpf ogt, %get3A_314, %get3A_293 : vector<16xf32>
    %select_n3A_344 = arith.select %gt3A_343, %broadcast_in_dim3A_322, %broadcast_in_dim3A_320 : vector<16xi1>, vector<16xi32>
    %add3A_345 = arith.addi %add3A_342, %select_n3A_344 : vector<16xi32>
    %sub3A_346 = arith.subf %broadcast_in_dim3A_316, %get3A_293 : vector<16xf32>
    %exp3A_347 = math.exp %sub3A_346 : vector<16xf32>
    %add3A_348 = arith.addf %broadcast_in_dim3A_318, %exp3A_347 : vector<16xf32>
    %div3A_349 = arith.divf %broadcast_in_dim3A_318, %add3A_348 : vector<16xf32>
    %lt3A_350 = arith.cmpi slt, %add3A_345, %broadcast_in_dim3A_324 : vector<16xi32>
    %select_n3A_351 = arith.select %lt3A_350, %div3A_349, %broadcast_in_dim3A_316 : vector<16xi1>, vector<16xf32>
    %swap3A_352 = arith.constant 16 : index
    %swap3A_353 = tpu.vector_load %arg5[%swap3A_352] {strides = array<i32>} : memref<512xf32, #tpu.memory_space<vmem>>, vector<16xf32>,
    %swap3A_354 = vector.shape_cast %swap3A_353 : vector<16xf32> to vector<16xf32>
    %swap3A_355 = vector.shape_cast %select_n3A_351 : vector<16xf32> to vector<16xf32>
    tpu.vector_store %arg5[%swap3A_352], %swap3A_355 {strides = array<i32>} : memref<512xf32, #tpu.memory_space<vmem>>, vector<16xf32>,
    %ge3A_356 = arith.cmpf oge, %get3A_293, %get3A_296 : vector<16xf32>
    %select_n3A_357 = arith.select %ge3A_356, %broadcast_in_dim3A_322, %broadcast_in_dim3A_320 : vector<16xi1>, vector<16xi32>
    %add3A_358 = arith.addi %broadcast_in_dim3A_320, %select_n3A_357 : vector<16xi32>
    %gt3A_359 = arith.cmpf ogt, %get3A_299, %get3A_296 : vector<16xf32>
    %select_n3A_360 = arith.select %gt3A_359, %broadcast_in_dim3A_322, %broadcast_in_dim3A_320 : vector<16xi1>, vector<16xi32>
    %add3A_361 = arith.addi %add3A_358, %select_n3A_360 : vector<16xi32>
    %gt3A_362 = arith.cmpf ogt, %get3A_302, %get3A_296 : vector<16xf32>
    %select_n3A_363 = arith.select %gt3A_362, %broadcast_in_dim3A_322, %broadcast_in_dim3A_320 : vector<16xi1>, vector<16xi32>
    %add3A_364 = arith.addi %add3A_361, %select_n3A_363 : vector<16xi32>
    %gt3A_365 = arith.cmpf ogt, %get3A_305, %get3A_296 : vector<16xf32>
    %select_n3A_366 = arith.select %gt3A_365, %broadcast_in_dim3A_322, %broadcast_in_dim3A_320 : vector<16xi1>, vector<16xi32>
    %add3A_367 = arith.addi %add3A_364, %select_n3A_366 : vector<16xi32>
    %gt3A_368 = arith.cmpf ogt, %get3A_308, %get3A_296 : vector<16xf32>
    %select_n3A_369 = arith.select %gt3A_368, %broadcast_in_dim3A_322, %broadcast_in_dim3A_320 : vector<16xi1>, vector<16xi32>
    %add3A_370 = arith.addi %add3A_367, %select_n3A_369 : vector<16xi32>
    %gt3A_371 = arith.cmpf ogt, %get3A_311, %get3A_296 : vector<16xf32>
    %select_n3A_372 = arith.select %gt3A_371, %broadcast_in_dim3A_322, %broadcast_in_dim3A_320 : vector<16xi1>, vector<16xi32>
    %add3A_373 = arith.addi %add3A_370, %select_n3A_372 : vector<16xi32>
    %gt3A_374 = arith.cmpf ogt, %get3A_314, %get3A_296 : vector<16xf32>
    %select_n3A_375 = arith.select %gt3A_374, %broadcast_in_dim3A_322, %broadcast_in_dim3A_320 : vector<16xi1>, vector<16xi32>
    %add3A_376 = arith.addi %add3A_373, %select_n3A_375 : vector<16xi32>
    %sub3A_377 = arith.subf %broadcast_in_dim3A_316, %get3A_296 : vector<16xf32>
    %exp3A_378 = math.exp %sub3A_377 : vector<16xf32>
    %add3A_379 = arith.addf %broadcast_in_dim3A_318, %exp3A_378 : vector<16xf32>
    %div3A_380 = arith.divf %broadcast_in_dim3A_318, %add3A_379 : vector<16xf32>
    %lt3A_381 = arith.cmpi slt, %add3A_376, %broadcast_in_dim3A_324 : vector<16xi32>
    %select_n3A_382 = arith.select %lt3A_381, %div3A_380, %broadcast_in_dim3A_316 : vector<16xi1>, vector<16xf32>
    %swap3A_383 = arith.constant 80 : index
    %swap3A_384 = tpu.vector_load %arg5[%swap3A_383] {strides = array<i32>} : memref<512xf32, #tpu.memory_space<vmem>>, vector<16xf32>,
    %swap3A_385 = vector.shape_cast %swap3A_384 : vector<16xf32> to vector<16xf32>
    %swap3A_386 = vector.shape_cast %select_n3A_382 : vector<16xf32> to vector<16xf32>
    tpu.vector_store %arg5[%swap3A_383], %swap3A_386 {strides = array<i32>} : memref<512xf32, #tpu.memory_space<vmem>>, vector<16xf32>,
    %ge3A_387 = arith.cmpf oge, %get3A_293, %get3A_299 : vector<16xf32>
    %select_n3A_388 = arith.select %ge3A_387, %broadcast_in_dim3A_322, %broadcast_in_dim3A_320 : vector<16xi1>, vector<16xi32>
    %add3A_389 = arith.addi %broadcast_in_dim3A_320, %select_n3A_388 : vector<16xi32>
    %ge3A_390 = arith.cmpf oge, %get3A_296, %get3A_299 : vector<16xf32>
    %select_n3A_391 = arith.select %ge3A_390, %broadcast_in_dim3A_322, %broadcast_in_dim3A_320 : vector<16xi1>, vector<16xi32>
    %add3A_392 = arith.addi %add3A_389, %select_n3A_391 : vector<16xi32>
    %gt3A_393 = arith.cmpf ogt, %get3A_302, %get3A_299 : vector<16xf32>
    %select_n3A_394 = arith.select %gt3A_393, %broadcast_in_dim3A_322, %broadcast_in_dim3A_320 : vector<16xi1>, vector<16xi32>
    %add3A_395 = arith.addi %add3A_392, %select_n3A_394 : vector<16xi32>
    %gt3A_396 = arith.cmpf ogt, %get3A_305, %get3A_299 : vector<16xf32>
    %select_n3A_397 = arith.select %gt3A_396, %broadcast_in_dim3A_322, %broadcast_in_dim3A_320 : vector<16xi1>, vector<16xi32>
    %add3A_398 = arith.addi %add3A_395, %select_n3A_397 : vector<16xi32>
    %gt3A_399 = arith.cmpf ogt, %get3A_308, %get3A_299 : vector<16xf32>
    %select_n3A_400 = arith.select %gt3A_399, %broadcast_in_dim3A_322, %broadcast_in_dim3A_320 : vector<16xi1>, vector<16xi32>
    %add3A_401 = arith.addi %add3A_398, %select_n3A_400 : vector<16xi32>
    %gt3A_402 = arith.cmpf ogt, %get3A_311, %get3A_299 : vector<16xf32>
    %select_n3A_403 = arith.select %gt3A_402, %broadcast_in_dim3A_322, %broadcast_in_dim3A_320 : vector<16xi1>, vector<16xi32>
    %add3A_404 = arith.addi %add3A_401, %select_n3A_403 : vector<16xi32>
    %gt3A_405 = arith.cmpf ogt, %get3A_314, %get3A_299 : vector<16xf32>
    %select_n3A_406 = arith.select %gt3A_405, %broadcast_in_dim3A_322, %broadcast_in_dim3A_320 : vector<16xi1>, vector<16xi32>
    %add3A_407 = arith.addi %add3A_404, %select_n3A_406 : vector<16xi32>
    %sub3A_408 = arith.subf %broadcast_in_dim3A_316, %get3A_299 : vector<16xf32>
    %exp3A_409 = math.exp %sub3A_408 : vector<16xf32>
    %add3A_410 = arith.addf %broadcast_in_dim3A_318, %exp3A_409 : vector<16xf32>
    %div3A_411 = arith.divf %broadcast_in_dim3A_318, %add3A_410 : vector<16xf32>
    %lt3A_412 = arith.cmpi slt, %add3A_407, %broadcast_in_dim3A_324 : vector<16xi32>
    %select_n3A_413 = arith.select %lt3A_412, %div3A_411, %broadcast_in_dim3A_316 : vector<16xi1>, vector<16xf32>
    %swap3A_414 = arith.constant 144 : index
    %swap3A_415 = tpu.vector_load %arg5[%swap3A_414] {strides = array<i32>} : memref<512xf32, #tpu.memory_space<vmem>>, vector<16xf32>,
    %swap3A_416 = vector.shape_cast %swap3A_415 : vector<16xf32> to vector<16xf32>
    %swap3A_417 = vector.shape_cast %select_n3A_413 : vector<16xf32> to vector<16xf32>
    tpu.vector_store %arg5[%swap3A_414], %swap3A_417 {strides = array<i32>} : memref<512xf32, #tpu.memory_space<vmem>>, vector<16xf32>,
    %ge3A_418 = arith.cmpf oge, %get3A_293, %get3A_302 : vector<16xf32>
    %select_n3A_419 = arith.select %ge3A_418, %broadcast_in_dim3A_322, %broadcast_in_dim3A_320 : vector<16xi1>, vector<16xi32>
    %add3A_420 = arith.addi %broadcast_in_dim3A_320, %select_n3A_419 : vector<16xi32>
    %ge3A_421 = arith.cmpf oge, %get3A_296, %get3A_302 : vector<16xf32>
    %select_n3A_422 = arith.select %ge3A_421, %broadcast_in_dim3A_322, %broadcast_in_dim3A_320 : vector<16xi1>, vector<16xi32>
    %add3A_423 = arith.addi %add3A_420, %select_n3A_422 : vector<16xi32>
    %ge3A_424 = arith.cmpf oge, %get3A_299, %get3A_302 : vector<16xf32>
    %select_n3A_425 = arith.select %ge3A_424, %broadcast_in_dim3A_322, %broadcast_in_dim3A_320 : vector<16xi1>, vector<16xi32>
    %add3A_426 = arith.addi %add3A_423, %select_n3A_425 : vector<16xi32>
    %gt3A_427 = arith.cmpf ogt, %get3A_305, %get3A_302 : vector<16xf32>
    %select_n3A_428 = arith.select %gt3A_427, %broadcast_in_dim3A_322, %broadcast_in_dim3A_320 : vector<16xi1>, vector<16xi32>
    %add3A_429 = arith.addi %add3A_426, %select_n3A_428 : vector<16xi32>
    %gt3A_430 = arith.cmpf ogt, %get3A_308, %get3A_302 : vector<16xf32>
    %select_n3A_431 = arith.select %gt3A_430, %broadcast_in_dim3A_322, %broadcast_in_dim3A_320 : vector<16xi1>, vector<16xi32>
    %add3A_432 = arith.addi %add3A_429, %select_n3A_431 : vector<16xi32>
    %gt3A_433 = arith.cmpf ogt, %get3A_311, %get3A_302 : vector<16xf32>
    %select_n3A_434 = arith.select %gt3A_433, %broadcast_in_dim3A_322, %broadcast_in_dim3A_320 : vector<16xi1>, vector<16xi32>
    %add3A_435 = arith.addi %add3A_432, %select_n3A_434 : vector<16xi32>
    %gt3A_436 = arith.cmpf ogt, %get3A_314, %get3A_302 : vector<16xf32>
    %select_n3A_437 = arith.select %gt3A_436, %broadcast_in_dim3A_322, %broadcast_in_dim3A_320 : vector<16xi1>, vector<16xi32>
    %add3A_438 = arith.addi %add3A_435, %select_n3A_437 : vector<16xi32>
    %sub3A_439 = arith.subf %broadcast_in_dim3A_316, %get3A_302 : vector<16xf32>
    %exp3A_440 = math.exp %sub3A_439 : vector<16xf32>
    %add3A_441 = arith.addf %broadcast_in_dim3A_318, %exp3A_440 : vector<16xf32>
    %div3A_442 = arith.divf %broadcast_in_dim3A_318, %add3A_441 : vector<16xf32>
    %lt3A_443 = arith.cmpi slt, %add3A_438, %broadcast_in_dim3A_324 : vector<16xi32>
    %select_n3A_444 = arith.select %lt3A_443, %div3A_442, %broadcast_in_dim3A_316 : vector<16xi1>, vector<16xf32>
    %swap3A_445 = arith.constant 208 : index
    %swap3A_446 = tpu.vector_load %arg5[%swap3A_445] {strides = array<i32>} : memref<512xf32, #tpu.memory_space<vmem>>, vector<16xf32>,
    %swap3A_447 = vector.shape_cast %swap3A_446 : vector<16xf32> to vector<16xf32>
    %swap3A_448 = vector.shape_cast %select_n3A_444 : vector<16xf32> to vector<16xf32>
    tpu.vector_store %arg5[%swap3A_445], %swap3A_448 {strides = array<i32>} : memref<512xf32, #tpu.memory_space<vmem>>, vector<16xf32>,
    %ge3A_449 = arith.cmpf oge, %get3A_293, %get3A_305 : vector<16xf32>
    %select_n3A_450 = arith.select %ge3A_449, %broadcast_in_dim3A_322, %broadcast_in_dim3A_320 : vector<16xi1>, vector<16xi32>
    %add3A_451 = arith.addi %broadcast_in_dim3A_320, %select_n3A_450 : vector<16xi32>
    %ge3A_452 = arith.cmpf oge, %get3A_296, %get3A_305 : vector<16xf32>
    %select_n3A_453 = arith.select %ge3A_452, %broadcast_in_dim3A_322, %broadcast_in_dim3A_320 : vector<16xi1>, vector<16xi32>
    %add3A_454 = arith.addi %add3A_451, %select_n3A_453 : vector<16xi32>
    %ge3A_455 = arith.cmpf oge, %get3A_299, %get3A_305 : vector<16xf32>
    %select_n3A_456 = arith.select %ge3A_455, %broadcast_in_dim3A_322, %broadcast_in_dim3A_320 : vector<16xi1>, vector<16xi32>
    %add3A_457 = arith.addi %add3A_454, %select_n3A_456 : vector<16xi32>
    %ge3A_458 = arith.cmpf oge, %get3A_302, %get3A_305 : vector<16xf32>
    %select_n3A_459 = arith.select %ge3A_458, %broadcast_in_dim3A_322, %broadcast_in_dim3A_320 : vector<16xi1>, vector<16xi32>
    %add3A_460 = arith.addi %add3A_457, %select_n3A_459 : vector<16xi32>
    %gt3A_461 = arith.cmpf ogt, %get3A_308, %get3A_305 : vector<16xf32>
    %select_n3A_462 = arith.select %gt3A_461, %broadcast_in_dim3A_322, %broadcast_in_dim3A_320 : vector<16xi1>, vector<16xi32>
    %add3A_463 = arith.addi %add3A_460, %select_n3A_462 : vector<16xi32>
    %gt3A_464 = arith.cmpf ogt, %get3A_311, %get3A_305 : vector<16xf32>
    %select_n3A_465 = arith.select %gt3A_464, %broadcast_in_dim3A_322, %broadcast_in_dim3A_320 : vector<16xi1>, vector<16xi32>
    %add3A_466 = arith.addi %add3A_463, %select_n3A_465 : vector<16xi32>
    %gt3A_467 = arith.cmpf ogt, %get3A_314, %get3A_305 : vector<16xf32>
    %select_n3A_468 = arith.select %gt3A_467, %broadcast_in_dim3A_322, %broadcast_in_dim3A_320 : vector<16xi1>, vector<16xi32>
    %add3A_469 = arith.addi %add3A_466, %select_n3A_468 : vector<16xi32>
    %sub3A_470 = arith.subf %broadcast_in_dim3A_316, %get3A_305 : vector<16xf32>
    %exp3A_471 = math.exp %sub3A_470 : vector<16xf32>
    %add3A_472 = arith.addf %broadcast_in_dim3A_318, %exp3A_471 : vector<16xf32>
    %div3A_473 = arith.divf %broadcast_in_dim3A_318, %add3A_472 : vector<16xf32>
    %lt3A_474 = arith.cmpi slt, %add3A_469, %broadcast_in_dim3A_324 : vector<16xi32>
    %select_n3A_475 = arith.select %lt3A_474, %div3A_473, %broadcast_in_dim3A_316 : vector<16xi1>, vector<16xf32>
    %swap3A_476 = arith.constant 272 : index
    %swap3A_477 = tpu.vector_load %arg5[%swap3A_476] {strides = array<i32>} : memref<512xf32, #tpu.memory_space<vmem>>, vector<16xf32>,
    %swap3A_478 = vector.shape_cast %swap3A_477 : vector<16xf32> to vector<16xf32>
    %swap3A_479 = vector.shape_cast %select_n3A_475 : vector<16xf32> to vector<16xf32>
    tpu.vector_store %arg5[%swap3A_476], %swap3A_479 {strides = array<i32>} : memref<512xf32, #tpu.memory_space<vmem>>, vector<16xf32>,
    %ge3A_480 = arith.cmpf oge, %get3A_293, %get3A_308 : vector<16xf32>
    %select_n3A_481 = arith.select %ge3A_480, %broadcast_in_dim3A_322, %broadcast_in_dim3A_320 : vector<16xi1>, vector<16xi32>
    %add3A_482 = arith.addi %broadcast_in_dim3A_320, %select_n3A_481 : vector<16xi32>
    %ge3A_483 = arith.cmpf oge, %get3A_296, %get3A_308 : vector<16xf32>
    %select_n3A_484 = arith.select %ge3A_483, %broadcast_in_dim3A_322, %broadcast_in_dim3A_320 : vector<16xi1>, vector<16xi32>
    %add3A_485 = arith.addi %add3A_482, %select_n3A_484 : vector<16xi32>
    %ge3A_486 = arith.cmpf oge, %get3A_299, %get3A_308 : vector<16xf32>
    %select_n3A_487 = arith.select %ge3A_486, %broadcast_in_dim3A_322, %broadcast_in_dim3A_320 : vector<16xi1>, vector<16xi32>
    %add3A_488 = arith.addi %add3A_485, %select_n3A_487 : vector<16xi32>
    %ge3A_489 = arith.cmpf oge, %get3A_302, %get3A_308 : vector<16xf32>
    %select_n3A_490 = arith.select %ge3A_489, %broadcast_in_dim3A_322, %broadcast_in_dim3A_320 : vector<16xi1>, vector<16xi32>
    %add3A_491 = arith.addi %add3A_488, %select_n3A_490 : vector<16xi32>
    %ge3A_492 = arith.cmpf oge, %get3A_305, %get3A_308 : vector<16xf32>
    %select_n3A_493 = arith.select %ge3A_492, %broadcast_in_dim3A_322, %broadcast_in_dim3A_320 : vector<16xi1>, vector<16xi32>
    %add3A_494 = arith.addi %add3A_491, %select_n3A_493 : vector<16xi32>
    %gt3A_495 = arith.cmpf ogt, %get3A_311, %get3A_308 : vector<16xf32>
    %select_n3A_496 = arith.select %gt3A_495, %broadcast_in_dim3A_322, %broadcast_in_dim3A_320 : vector<16xi1>, vector<16xi32>
    %add3A_497 = arith.addi %add3A_494, %select_n3A_496 : vector<16xi32>
    %gt3A_498 = arith.cmpf ogt, %get3A_314, %get3A_308 : vector<16xf32>
    %select_n3A_499 = arith.select %gt3A_498, %broadcast_in_dim3A_322, %broadcast_in_dim3A_320 : vector<16xi1>, vector<16xi32>
    %add3A_500 = arith.addi %add3A_497, %select_n3A_499 : vector<16xi32>
    %sub3A_501 = arith.subf %broadcast_in_dim3A_316, %get3A_308 : vector<16xf32>
    %exp3A_502 = math.exp %sub3A_501 : vector<16xf32>
    %add3A_503 = arith.addf %broadcast_in_dim3A_318, %exp3A_502 : vector<16xf32>
    %div3A_504 = arith.divf %broadcast_in_dim3A_318, %add3A_503 : vector<16xf32>
    %lt3A_505 = arith.cmpi slt, %add3A_500, %broadcast_in_dim3A_324 : vector<16xi32>
    %select_n3A_506 = arith.select %lt3A_505, %div3A_504, %broadcast_in_dim3A_316 : vector<16xi1>, vector<16xf32>
    %swap3A_507 = arith.constant 336 : index
    %swap3A_508 = tpu.vector_load %arg5[%swap3A_507] {strides = array<i32>} : memref<512xf32, #tpu.memory_space<vmem>>, vector<16xf32>,
    %swap3A_509 = vector.shape_cast %swap3A_508 : vector<16xf32> to vector<16xf32>
    %swap3A_510 = vector.shape_cast %select_n3A_506 : vector<16xf32> to vector<16xf32>
    tpu.vector_store %arg5[%swap3A_507], %swap3A_510 {strides = array<i32>} : memref<512xf32, #tpu.memory_space<vmem>>, vector<16xf32>,
    %ge3A_511 = arith.cmpf oge, %get3A_293, %get3A_311 : vector<16xf32>
    %select_n3A_512 = arith.select %ge3A_511, %broadcast_in_dim3A_322, %broadcast_in_dim3A_320 : vector<16xi1>, vector<16xi32>
    %add3A_513 = arith.addi %broadcast_in_dim3A_320, %select_n3A_512 : vector<16xi32>
    %ge3A_514 = arith.cmpf oge, %get3A_296, %get3A_311 : vector<16xf32>
    %select_n3A_515 = arith.select %ge3A_514, %broadcast_in_dim3A_322, %broadcast_in_dim3A_320 : vector<16xi1>, vector<16xi32>
    %add3A_516 = arith.addi %add3A_513, %select_n3A_515 : vector<16xi32>
    %ge3A_517 = arith.cmpf oge, %get3A_299, %get3A_311 : vector<16xf32>
    %select_n3A_518 = arith.select %ge3A_517, %broadcast_in_dim3A_322, %broadcast_in_dim3A_320 : vector<16xi1>, vector<16xi32>
    %add3A_519 = arith.addi %add3A_516, %select_n3A_518 : vector<16xi32>
    %ge3A_520 = arith.cmpf oge, %get3A_302, %get3A_311 : vector<16xf32>
    %select_n3A_521 = arith.select %ge3A_520, %broadcast_in_dim3A_322, %broadcast_in_dim3A_320 : vector<16xi1>, vector<16xi32>
    %add3A_522 = arith.addi %add3A_519, %select_n3A_521 : vector<16xi32>
    %ge3A_523 = arith.cmpf oge, %get3A_305, %get3A_311 : vector<16xf32>
    %select_n3A_524 = arith.select %ge3A_523, %broadcast_in_dim3A_322, %broadcast_in_dim3A_320 : vector<16xi1>, vector<16xi32>
    %add3A_525 = arith.addi %add3A_522, %select_n3A_524 : vector<16xi32>
    %ge3A_526 = arith.cmpf oge, %get3A_308, %get3A_311 : vector<16xf32>
    %select_n3A_527 = arith.select %ge3A_526, %broadcast_in_dim3A_322, %broadcast_in_dim3A_320 : vector<16xi1>, vector<16xi32>
    %add3A_528 = arith.addi %add3A_525, %select_n3A_527 : vector<16xi32>
    %gt3A_529 = arith.cmpf ogt, %get3A_314, %get3A_311 : vector<16xf32>
    %select_n3A_530 = arith.select %gt3A_529, %broadcast_in_dim3A_322, %broadcast_in_dim3A_320 : vector<16xi1>, vector<16xi32>
    %add3A_531 = arith.addi %add3A_528, %select_n3A_530 : vector<16xi32>
    %sub3A_532 = arith.subf %broadcast_in_dim3A_316, %get3A_311 : vector<16xf32>
    %exp3A_533 = math.exp %sub3A_532 : vector<16xf32>
    %add3A_534 = arith.addf %broadcast_in_dim3A_318, %exp3A_533 : vector<16xf32>
    %div3A_535 = arith.divf %broadcast_in_dim3A_318, %add3A_534 : vector<16xf32>
    %lt3A_536 = arith.cmpi slt, %add3A_531, %broadcast_in_dim3A_324 : vector<16xi32>
    %select_n3A_537 = arith.select %lt3A_536, %div3A_535, %broadcast_in_dim3A_316 : vector<16xi1>, vector<16xf32>
    %swap3A_538 = arith.constant 400 : index
    %swap3A_539 = tpu.vector_load %arg5[%swap3A_538] {strides = array<i32>} : memref<512xf32, #tpu.memory_space<vmem>>, vector<16xf32>,
    %swap3A_540 = vector.shape_cast %swap3A_539 : vector<16xf32> to vector<16xf32>
    %swap3A_541 = vector.shape_cast %select_n3A_537 : vector<16xf32> to vector<16xf32>
    tpu.vector_store %arg5[%swap3A_538], %swap3A_541 {strides = array<i32>} : memref<512xf32, #tpu.memory_space<vmem>>, vector<16xf32>,
    %ge3A_542 = arith.cmpf oge, %get3A_293, %get3A_314 : vector<16xf32>
    %select_n3A_543 = arith.select %ge3A_542, %broadcast_in_dim3A_322, %broadcast_in_dim3A_320 : vector<16xi1>, vector<16xi32>
    %add3A_544 = arith.addi %broadcast_in_dim3A_320, %select_n3A_543 : vector<16xi32>
    %ge3A_545 = arith.cmpf oge, %get3A_296, %get3A_314 : vector<16xf32>
    %select_n3A_546 = arith.select %ge3A_545, %broadcast_in_dim3A_322, %broadcast_in_dim3A_320 : vector<16xi1>, vector<16xi32>
    %add3A_547 = arith.addi %add3A_544, %select_n3A_546 : vector<16xi32>
    %ge3A_548 = arith.cmpf oge, %get3A_299, %get3A_314 : vector<16xf32>
    %select_n3A_549 = arith.select %ge3A_548, %broadcast_in_dim3A_322, %broadcast_in_dim3A_320 : vector<16xi1>, vector<16xi32>
    %add3A_550 = arith.addi %add3A_547, %select_n3A_549 : vector<16xi32>
    %ge3A_551 = arith.cmpf oge, %get3A_302, %get3A_314 : vector<16xf32>
    %select_n3A_552 = arith.select %ge3A_551, %broadcast_in_dim3A_322, %broadcast_in_dim3A_320 : vector<16xi1>, vector<16xi32>
    %add3A_553 = arith.addi %add3A_550, %select_n3A_552 : vector<16xi32>
    %ge3A_554 = arith.cmpf oge, %get3A_305, %get3A_314 : vector<16xf32>
    %select_n3A_555 = arith.select %ge3A_554, %broadcast_in_dim3A_322, %broadcast_in_dim3A_320 : vector<16xi1>, vector<16xi32>
    %add3A_556 = arith.addi %add3A_553, %select_n3A_555 : vector<16xi32>
    %ge3A_557 = arith.cmpf oge, %get3A_308, %get3A_314 : vector<16xf32>
    %select_n3A_558 = arith.select %ge3A_557, %broadcast_in_dim3A_322, %broadcast_in_dim3A_320 : vector<16xi1>, vector<16xi32>
    %add3A_559 = arith.addi %add3A_556, %select_n3A_558 : vector<16xi32>
    %ge3A_560 = arith.cmpf oge, %get3A_311, %get3A_314 : vector<16xf32>
    %select_n3A_561 = arith.select %ge3A_560, %broadcast_in_dim3A_322, %broadcast_in_dim3A_320 : vector<16xi1>, vector<16xi32>
    %add3A_562 = arith.addi %add3A_559, %select_n3A_561 : vector<16xi32>
    %sub3A_563 = arith.subf %broadcast_in_dim3A_316, %get3A_314 : vector<16xf32>
    %exp3A_564 = math.exp %sub3A_563 : vector<16xf32>
    %add3A_565 = arith.addf %broadcast_in_dim3A_318, %exp3A_564 : vector<16xf32>
    %div3A_566 = arith.divf %broadcast_in_dim3A_318, %add3A_565 : vector<16xf32>
    %lt3A_567 = arith.cmpi slt, %add3A_562, %broadcast_in_dim3A_324 : vector<16xi32>
    %select_n3A_568 = arith.select %lt3A_567, %div3A_566, %broadcast_in_dim3A_316 : vector<16xi1>, vector<16xf32>
    %swap3A_569 = arith.constant 464 : index
    %swap3A_570 = tpu.vector_load %arg5[%swap3A_569] {strides = array<i32>} : memref<512xf32, #tpu.memory_space<vmem>>, vector<16xf32>,
    %swap3A_571 = vector.shape_cast %swap3A_570 : vector<16xf32> to vector<16xf32>
    %swap3A_572 = vector.shape_cast %select_n3A_568 : vector<16xf32> to vector<16xf32>
    tpu.vector_store %arg5[%swap3A_569], %swap3A_572 {strides = array<i32>} : memref<512xf32, #tpu.memory_space<vmem>>, vector<16xf32>,
    %get3A_573 = arith.constant 32 : index
    %get3A_574 = tpu.vector_load %arg4[%get3A_573] {strides = array<i32>} : memref<512xf32, #tpu.memory_space<vmem>>, vector<16xf32>,
    %get3A_575 = vector.shape_cast %get3A_574 : vector<16xf32> to vector<16xf32>
    %get3A_576 = arith.constant 96 : index
    %get3A_577 = tpu.vector_load %arg4[%get3A_576] {strides = array<i32>} : memref<512xf32, #tpu.memory_space<vmem>>, vector<16xf32>,
    %get3A_578 = vector.shape_cast %get3A_577 : vector<16xf32> to vector<16xf32>
    %get3A_579 = arith.constant 160 : index
    %get3A_580 = tpu.vector_load %arg4[%get3A_579] {strides = array<i32>} : memref<512xf32, #tpu.memory_space<vmem>>, vector<16xf32>,
    %get3A_581 = vector.shape_cast %get3A_580 : vector<16xf32> to vector<16xf32>
    %get3A_582 = arith.constant 224 : index
    %get3A_583 = tpu.vector_load %arg4[%get3A_582] {strides = array<i32>} : memref<512xf32, #tpu.memory_space<vmem>>, vector<16xf32>,
    %get3A_584 = vector.shape_cast %get3A_583 : vector<16xf32> to vector<16xf32>
    %get3A_585 = arith.constant 288 : index
    %get3A_586 = tpu.vector_load %arg4[%get3A_585] {strides = array<i32>} : memref<512xf32, #tpu.memory_space<vmem>>, vector<16xf32>,
    %get3A_587 = vector.shape_cast %get3A_586 : vector<16xf32> to vector<16xf32>
    %get3A_588 = arith.constant 352 : index
    %get3A_589 = tpu.vector_load %arg4[%get3A_588] {strides = array<i32>} : memref<512xf32, #tpu.memory_space<vmem>>, vector<16xf32>,
    %get3A_590 = vector.shape_cast %get3A_589 : vector<16xf32> to vector<16xf32>
    %get3A_591 = arith.constant 416 : index
    %get3A_592 = tpu.vector_load %arg4[%get3A_591] {strides = array<i32>} : memref<512xf32, #tpu.memory_space<vmem>>, vector<16xf32>,
    %get3A_593 = vector.shape_cast %get3A_592 : vector<16xf32> to vector<16xf32>
    %get3A_594 = arith.constant 480 : index
    %get3A_595 = tpu.vector_load %arg4[%get3A_594] {strides = array<i32>} : memref<512xf32, #tpu.memory_space<vmem>>, vector<16xf32>,
    %get3A_596 = vector.shape_cast %get3A_595 : vector<16xf32> to vector<16xf32>
    %broadcast_in_dim3A_597 = arith.constant 0.000000e+00 : f32
    %broadcast_in_dim3A_598 = vector.broadcast %broadcast_in_dim3A_597 : f32 to vector<16xf32>
    %broadcast_in_dim3A_599 = arith.constant 1.000000e+00 : f32
    %broadcast_in_dim3A_600 = vector.broadcast %broadcast_in_dim3A_599 : f32 to vector<16xf32>
    %broadcast_in_dim3A_601 = arith.constant 0 : i32
    %broadcast_in_dim3A_602 = vector.broadcast %broadcast_in_dim3A_601 : i32 to vector<16xi32>
    %broadcast_in_dim3A_603 = arith.constant 1 : i32
    %broadcast_in_dim3A_604 = vector.broadcast %broadcast_in_dim3A_603 : i32 to vector<16xi32>
    %broadcast_in_dim3A_605 = arith.constant 2 : i32
    %broadcast_in_dim3A_606 = vector.broadcast %broadcast_in_dim3A_605 : i32 to vector<16xi32>
    %gt3A_607 = arith.cmpf ogt, %get3A_578, %get3A_575 : vector<16xf32>
    %select_n3A_608 = arith.select %gt3A_607, %broadcast_in_dim3A_604, %broadcast_in_dim3A_602 : vector<16xi1>, vector<16xi32>
    %add3A_609 = arith.addi %broadcast_in_dim3A_602, %select_n3A_608 : vector<16xi32>
    %gt3A_610 = arith.cmpf ogt, %get3A_581, %get3A_575 : vector<16xf32>
    %select_n3A_611 = arith.select %gt3A_610, %broadcast_in_dim3A_604, %broadcast_in_dim3A_602 : vector<16xi1>, vector<16xi32>
    %add3A_612 = arith.addi %add3A_609, %select_n3A_611 : vector<16xi32>
    %gt3A_613 = arith.cmpf ogt, %get3A_584, %get3A_575 : vector<16xf32>
    %select_n3A_614 = arith.select %gt3A_613, %broadcast_in_dim3A_604, %broadcast_in_dim3A_602 : vector<16xi1>, vector<16xi32>
    %add3A_615 = arith.addi %add3A_612, %select_n3A_614 : vector<16xi32>
    %gt3A_616 = arith.cmpf ogt, %get3A_587, %get3A_575 : vector<16xf32>
    %select_n3A_617 = arith.select %gt3A_616, %broadcast_in_dim3A_604, %broadcast_in_dim3A_602 : vector<16xi1>, vector<16xi32>
    %add3A_618 = arith.addi %add3A_615, %select_n3A_617 : vector<16xi32>
    %gt3A_619 = arith.cmpf ogt, %get3A_590, %get3A_575 : vector<16xf32>
    %select_n3A_620 = arith.select %gt3A_619, %broadcast_in_dim3A_604, %broadcast_in_dim3A_602 : vector<16xi1>, vector<16xi32>
    %add3A_621 = arith.addi %add3A_618, %select_n3A_620 : vector<16xi32>
    %gt3A_622 = arith.cmpf ogt, %get3A_593, %get3A_575 : vector<16xf32>
    %select_n3A_623 = arith.select %gt3A_622, %broadcast_in_dim3A_604, %broadcast_in_dim3A_602 : vector<16xi1>, vector<16xi32>
    %add3A_624 = arith.addi %add3A_621, %select_n3A_623 : vector<16xi32>
    %gt3A_625 = arith.cmpf ogt, %get3A_596, %get3A_575 : vector<16xf32>
    %select_n3A_626 = arith.select %gt3A_625, %broadcast_in_dim3A_604, %broadcast_in_dim3A_602 : vector<16xi1>, vector<16xi32>
    %add3A_627 = arith.addi %add3A_624, %select_n3A_626 : vector<16xi32>
    %sub3A_628 = arith.subf %broadcast_in_dim3A_598, %get3A_575 : vector<16xf32>
    %exp3A_629 = math.exp %sub3A_628 : vector<16xf32>
    %add3A_630 = arith.addf %broadcast_in_dim3A_600, %exp3A_629 : vector<16xf32>
    %div3A_631 = arith.divf %broadcast_in_dim3A_600, %add3A_630 : vector<16xf32>
    %lt3A_632 = arith.cmpi slt, %add3A_627, %broadcast_in_dim3A_606 : vector<16xi32>
    %select_n3A_633 = arith.select %lt3A_632, %div3A_631, %broadcast_in_dim3A_598 : vector<16xi1>, vector<16xf32>
    %swap3A_634 = arith.constant 32 : index
    %swap3A_635 = tpu.vector_load %arg5[%swap3A_634] {strides = array<i32>} : memref<512xf32, #tpu.memory_space<vmem>>, vector<16xf32>,
    %swap3A_636 = vector.shape_cast %swap3A_635 : vector<16xf32> to vector<16xf32>
    %swap3A_637 = vector.shape_cast %select_n3A_633 : vector<16xf32> to vector<16xf32>
    tpu.vector_store %arg5[%swap3A_634], %swap3A_637 {strides = array<i32>} : memref<512xf32, #tpu.memory_space<vmem>>, vector<16xf32>,
    %ge3A_638 = arith.cmpf oge, %get3A_575, %get3A_578 : vector<16xf32>
    %select_n3A_639 = arith.select %ge3A_638, %broadcast_in_dim3A_604, %broadcast_in_dim3A_602 : vector<16xi1>, vector<16xi32>
    %add3A_640 = arith.addi %broadcast_in_dim3A_602, %select_n3A_639 : vector<16xi32>
    %gt3A_641 = arith.cmpf ogt, %get3A_581, %get3A_578 : vector<16xf32>
    %select_n3A_642 = arith.select %gt3A_641, %broadcast_in_dim3A_604, %broadcast_in_dim3A_602 : vector<16xi1>, vector<16xi32>
    %add3A_643 = arith.addi %add3A_640, %select_n3A_642 : vector<16xi32>
    %gt3A_644 = arith.cmpf ogt, %get3A_584, %get3A_578 : vector<16xf32>
    %select_n3A_645 = arith.select %gt3A_644, %broadcast_in_dim3A_604, %broadcast_in_dim3A_602 : vector<16xi1>, vector<16xi32>
    %add3A_646 = arith.addi %add3A_643, %select_n3A_645 : vector<16xi32>
    %gt3A_647 = arith.cmpf ogt, %get3A_587, %get3A_578 : vector<16xf32>
    %select_n3A_648 = arith.select %gt3A_647, %broadcast_in_dim3A_604, %broadcast_in_dim3A_602 : vector<16xi1>, vector<16xi32>
    %add3A_649 = arith.addi %add3A_646, %select_n3A_648 : vector<16xi32>
    %gt3A_650 = arith.cmpf ogt, %get3A_590, %get3A_578 : vector<16xf32>
    %select_n3A_651 = arith.select %gt3A_650, %broadcast_in_dim3A_604, %broadcast_in_dim3A_602 : vector<16xi1>, vector<16xi32>
    %add3A_652 = arith.addi %add3A_649, %select_n3A_651 : vector<16xi32>
    %gt3A_653 = arith.cmpf ogt, %get3A_593, %get3A_578 : vector<16xf32>
    %select_n3A_654 = arith.select %gt3A_653, %broadcast_in_dim3A_604, %broadcast_in_dim3A_602 : vector<16xi1>, vector<16xi32>
    %add3A_655 = arith.addi %add3A_652, %select_n3A_654 : vector<16xi32>
    %gt3A_656 = arith.cmpf ogt, %get3A_596, %get3A_578 : vector<16xf32>
    %select_n3A_657 = arith.select %gt3A_656, %broadcast_in_dim3A_604, %broadcast_in_dim3A_602 : vector<16xi1>, vector<16xi32>
    %add3A_658 = arith.addi %add3A_655, %select_n3A_657 : vector<16xi32>
    %sub3A_659 = arith.subf %broadcast_in_dim3A_598, %get3A_578 : vector<16xf32>
    %exp3A_660 = math.exp %sub3A_659 : vector<16xf32>
    %add3A_661 = arith.addf %broadcast_in_dim3A_600, %exp3A_660 : vector<16xf32>
    %div3A_662 = arith.divf %broadcast_in_dim3A_600, %add3A_661 : vector<16xf32>
    %lt3A_663 = arith.cmpi slt, %add3A_658, %broadcast_in_dim3A_606 : vector<16xi32>
    %select_n3A_664 = arith.select %lt3A_663, %div3A_662, %broadcast_in_dim3A_598 : vector<16xi1>, vector<16xf32>
    %swap3A_665 = arith.constant 96 : index
    %swap3A_666 = tpu.vector_load %arg5[%swap3A_665] {strides = array<i32>} : memref<512xf32, #tpu.memory_space<vmem>>, vector<16xf32>,
    %swap3A_667 = vector.shape_cast %swap3A_666 : vector<16xf32> to vector<16xf32>
    %swap3A_668 = vector.shape_cast %select_n3A_664 : vector<16xf32> to vector<16xf32>
    tpu.vector_store %arg5[%swap3A_665], %swap3A_668 {strides = array<i32>} : memref<512xf32, #tpu.memory_space<vmem>>, vector<16xf32>,
    %ge3A_669 = arith.cmpf oge, %get3A_575, %get3A_581 : vector<16xf32>
    %select_n3A_670 = arith.select %ge3A_669, %broadcast_in_dim3A_604, %broadcast_in_dim3A_602 : vector<16xi1>, vector<16xi32>
    %add3A_671 = arith.addi %broadcast_in_dim3A_602, %select_n3A_670 : vector<16xi32>
    %ge3A_672 = arith.cmpf oge, %get3A_578, %get3A_581 : vector<16xf32>
    %select_n3A_673 = arith.select %ge3A_672, %broadcast_in_dim3A_604, %broadcast_in_dim3A_602 : vector<16xi1>, vector<16xi32>
    %add3A_674 = arith.addi %add3A_671, %select_n3A_673 : vector<16xi32>
    %gt3A_675 = arith.cmpf ogt, %get3A_584, %get3A_581 : vector<16xf32>
    %select_n3A_676 = arith.select %gt3A_675, %broadcast_in_dim3A_604, %broadcast_in_dim3A_602 : vector<16xi1>, vector<16xi32>
    %add3A_677 = arith.addi %add3A_674, %select_n3A_676 : vector<16xi32>
    %gt3A_678 = arith.cmpf ogt, %get3A_587, %get3A_581 : vector<16xf32>
    %select_n3A_679 = arith.select %gt3A_678, %broadcast_in_dim3A_604, %broadcast_in_dim3A_602 : vector<16xi1>, vector<16xi32>
    %add3A_680 = arith.addi %add3A_677, %select_n3A_679 : vector<16xi32>
    %gt3A_681 = arith.cmpf ogt, %get3A_590, %get3A_581 : vector<16xf32>
    %select_n3A_682 = arith.select %gt3A_681, %broadcast_in_dim3A_604, %broadcast_in_dim3A_602 : vector<16xi1>, vector<16xi32>
    %add3A_683 = arith.addi %add3A_680, %select_n3A_682 : vector<16xi32>
    %gt3A_684 = arith.cmpf ogt, %get3A_593, %get3A_581 : vector<16xf32>
    %select_n3A_685 = arith.select %gt3A_684, %broadcast_in_dim3A_604, %broadcast_in_dim3A_602 : vector<16xi1>, vector<16xi32>
    %add3A_686 = arith.addi %add3A_683, %select_n3A_685 : vector<16xi32>
    %gt3A_687 = arith.cmpf ogt, %get3A_596, %get3A_581 : vector<16xf32>
    %select_n3A_688 = arith.select %gt3A_687, %broadcast_in_dim3A_604, %broadcast_in_dim3A_602 : vector<16xi1>, vector<16xi32>
    %add3A_689 = arith.addi %add3A_686, %select_n3A_688 : vector<16xi32>
    %sub3A_690 = arith.subf %broadcast_in_dim3A_598, %get3A_581 : vector<16xf32>
    %exp3A_691 = math.exp %sub3A_690 : vector<16xf32>
    %add3A_692 = arith.addf %broadcast_in_dim3A_600, %exp3A_691 : vector<16xf32>
    %div3A_693 = arith.divf %broadcast_in_dim3A_600, %add3A_692 : vector<16xf32>
    %lt3A_694 = arith.cmpi slt, %add3A_689, %broadcast_in_dim3A_606 : vector<16xi32>
    %select_n3A_695 = arith.select %lt3A_694, %div3A_693, %broadcast_in_dim3A_598 : vector<16xi1>, vector<16xf32>
    %swap3A_696 = arith.constant 160 : index
    %swap3A_697 = tpu.vector_load %arg5[%swap3A_696] {strides = array<i32>} : memref<512xf32, #tpu.memory_space<vmem>>, vector<16xf32>,
    %swap3A_698 = vector.shape_cast %swap3A_697 : vector<16xf32> to vector<16xf32>
    %swap3A_699 = vector.shape_cast %select_n3A_695 : vector<16xf32> to vector<16xf32>
    tpu.vector_store %arg5[%swap3A_696], %swap3A_699 {strides = array<i32>} : memref<512xf32, #tpu.memory_space<vmem>>, vector<16xf32>,
    %ge3A_700 = arith.cmpf oge, %get3A_575, %get3A_584 : vector<16xf32>
    %select_n3A_701 = arith.select %ge3A_700, %broadcast_in_dim3A_604, %broadcast_in_dim3A_602 : vector<16xi1>, vector<16xi32>
    %add3A_702 = arith.addi %broadcast_in_dim3A_602, %select_n3A_701 : vector<16xi32>
    %ge3A_703 = arith.cmpf oge, %get3A_578, %get3A_584 : vector<16xf32>
    %select_n3A_704 = arith.select %ge3A_703, %broadcast_in_dim3A_604, %broadcast_in_dim3A_602 : vector<16xi1>, vector<16xi32>
    %add3A_705 = arith.addi %add3A_702, %select_n3A_704 : vector<16xi32>
    %ge3A_706 = arith.cmpf oge, %get3A_581, %get3A_584 : vector<16xf32>
    %select_n3A_707 = arith.select %ge3A_706, %broadcast_in_dim3A_604, %broadcast_in_dim3A_602 : vector<16xi1>, vector<16xi32>
    %add3A_708 = arith.addi %add3A_705, %select_n3A_707 : vector<16xi32>
    %gt3A_709 = arith.cmpf ogt, %get3A_587, %get3A_584 : vector<16xf32>
    %select_n3A_710 = arith.select %gt3A_709, %broadcast_in_dim3A_604, %broadcast_in_dim3A_602 : vector<16xi1>, vector<16xi32>
    %add3A_711 = arith.addi %add3A_708, %select_n3A_710 : vector<16xi32>
    %gt3A_712 = arith.cmpf ogt, %get3A_590, %get3A_584 : vector<16xf32>
    %select_n3A_713 = arith.select %gt3A_712, %broadcast_in_dim3A_604, %broadcast_in_dim3A_602 : vector<16xi1>, vector<16xi32>
    %add3A_714 = arith.addi %add3A_711, %select_n3A_713 : vector<16xi32>
    %gt3A_715 = arith.cmpf ogt, %get3A_593, %get3A_584 : vector<16xf32>
    %select_n3A_716 = arith.select %gt3A_715, %broadcast_in_dim3A_604, %broadcast_in_dim3A_602 : vector<16xi1>, vector<16xi32>
    %add3A_717 = arith.addi %add3A_714, %select_n3A_716 : vector<16xi32>
    %gt3A_718 = arith.cmpf ogt, %get3A_596, %get3A_584 : vector<16xf32>
    %select_n3A_719 = arith.select %gt3A_718, %broadcast_in_dim3A_604, %broadcast_in_dim3A_602 : vector<16xi1>, vector<16xi32>
    %add3A_720 = arith.addi %add3A_717, %select_n3A_719 : vector<16xi32>
    %sub3A_721 = arith.subf %broadcast_in_dim3A_598, %get3A_584 : vector<16xf32>
    %exp3A_722 = math.exp %sub3A_721 : vector<16xf32>
    %add3A_723 = arith.addf %broadcast_in_dim3A_600, %exp3A_722 : vector<16xf32>
    %div3A_724 = arith.divf %broadcast_in_dim3A_600, %add3A_723 : vector<16xf32>
    %lt3A_725 = arith.cmpi slt, %add3A_720, %broadcast_in_dim3A_606 : vector<16xi32>
    %select_n3A_726 = arith.select %lt3A_725, %div3A_724, %broadcast_in_dim3A_598 : vector<16xi1>, vector<16xf32>
    %swap3A_727 = arith.constant 224 : index
    %swap3A_728 = tpu.vector_load %arg5[%swap3A_727] {strides = array<i32>} : memref<512xf32, #tpu.memory_space<vmem>>, vector<16xf32>,
    %swap3A_729 = vector.shape_cast %swap3A_728 : vector<16xf32> to vector<16xf32>
    %swap3A_730 = vector.shape_cast %select_n3A_726 : vector<16xf32> to vector<16xf32>
    tpu.vector_store %arg5[%swap3A_727], %swap3A_730 {strides = array<i32>} : memref<512xf32, #tpu.memory_space<vmem>>, vector<16xf32>,
    %ge3A_731 = arith.cmpf oge, %get3A_575, %get3A_587 : vector<16xf32>
    %select_n3A_732 = arith.select %ge3A_731, %broadcast_in_dim3A_604, %broadcast_in_dim3A_602 : vector<16xi1>, vector<16xi32>
    %add3A_733 = arith.addi %broadcast_in_dim3A_602, %select_n3A_732 : vector<16xi32>
    %ge3A_734 = arith.cmpf oge, %get3A_578, %get3A_587 : vector<16xf32>
    %select_n3A_735 = arith.select %ge3A_734, %broadcast_in_dim3A_604, %broadcast_in_dim3A_602 : vector<16xi1>, vector<16xi32>
    %add3A_736 = arith.addi %add3A_733, %select_n3A_735 : vector<16xi32>
    %ge3A_737 = arith.cmpf oge, %get3A_581, %get3A_587 : vector<16xf32>
    %select_n3A_738 = arith.select %ge3A_737, %broadcast_in_dim3A_604, %broadcast_in_dim3A_602 : vector<16xi1>, vector<16xi32>
    %add3A_739 = arith.addi %add3A_736, %select_n3A_738 : vector<16xi32>
    %ge3A_740 = arith.cmpf oge, %get3A_584, %get3A_587 : vector<16xf32>
    %select_n3A_741 = arith.select %ge3A_740, %broadcast_in_dim3A_604, %broadcast_in_dim3A_602 : vector<16xi1>, vector<16xi32>
    %add3A_742 = arith.addi %add3A_739, %select_n3A_741 : vector<16xi32>
    %gt3A_743 = arith.cmpf ogt, %get3A_590, %get3A_587 : vector<16xf32>
    %select_n3A_744 = arith.select %gt3A_743, %broadcast_in_dim3A_604, %broadcast_in_dim3A_602 : vector<16xi1>, vector<16xi32>
    %add3A_745 = arith.addi %add3A_742, %select_n3A_744 : vector<16xi32>
    %gt3A_746 = arith.cmpf ogt, %get3A_593, %get3A_587 : vector<16xf32>
    %select_n3A_747 = arith.select %gt3A_746, %broadcast_in_dim3A_604, %broadcast_in_dim3A_602 : vector<16xi1>, vector<16xi32>
    %add3A_748 = arith.addi %add3A_745, %select_n3A_747 : vector<16xi32>
    %gt3A_749 = arith.cmpf ogt, %get3A_596, %get3A_587 : vector<16xf32>
    %select_n3A_750 = arith.select %gt3A_749, %broadcast_in_dim3A_604, %broadcast_in_dim3A_602 : vector<16xi1>, vector<16xi32>
    %add3A_751 = arith.addi %add3A_748, %select_n3A_750 : vector<16xi32>
    %sub3A_752 = arith.subf %broadcast_in_dim3A_598, %get3A_587 : vector<16xf32>
    %exp3A_753 = math.exp %sub3A_752 : vector<16xf32>
    %add3A_754 = arith.addf %broadcast_in_dim3A_600, %exp3A_753 : vector<16xf32>
    %div3A_755 = arith.divf %broadcast_in_dim3A_600, %add3A_754 : vector<16xf32>
    %lt3A_756 = arith.cmpi slt, %add3A_751, %broadcast_in_dim3A_606 : vector<16xi32>
    %select_n3A_757 = arith.select %lt3A_756, %div3A_755, %broadcast_in_dim3A_598 : vector<16xi1>, vector<16xf32>
    %swap3A_758 = arith.constant 288 : index
    %swap3A_759 = tpu.vector_load %arg5[%swap3A_758] {strides = array<i32>} : memref<512xf32, #tpu.memory_space<vmem>>, vector<16xf32>,
    %swap3A_760 = vector.shape_cast %swap3A_759 : vector<16xf32> to vector<16xf32>
    %swap3A_761 = vector.shape_cast %select_n3A_757 : vector<16xf32> to vector<16xf32>
    tpu.vector_store %arg5[%swap3A_758], %swap3A_761 {strides = array<i32>} : memref<512xf32, #tpu.memory_space<vmem>>, vector<16xf32>,
    %ge3A_762 = arith.cmpf oge, %get3A_575, %get3A_590 : vector<16xf32>
    %select_n3A_763 = arith.select %ge3A_762, %broadcast_in_dim3A_604, %broadcast_in_dim3A_602 : vector<16xi1>, vector<16xi32>
    %add3A_764 = arith.addi %broadcast_in_dim3A_602, %select_n3A_763 : vector<16xi32>
    %ge3A_765 = arith.cmpf oge, %get3A_578, %get3A_590 : vector<16xf32>
    %select_n3A_766 = arith.select %ge3A_765, %broadcast_in_dim3A_604, %broadcast_in_dim3A_602 : vector<16xi1>, vector<16xi32>
    %add3A_767 = arith.addi %add3A_764, %select_n3A_766 : vector<16xi32>
    %ge3A_768 = arith.cmpf oge, %get3A_581, %get3A_590 : vector<16xf32>
    %select_n3A_769 = arith.select %ge3A_768, %broadcast_in_dim3A_604, %broadcast_in_dim3A_602 : vector<16xi1>, vector<16xi32>
    %add3A_770 = arith.addi %add3A_767, %select_n3A_769 : vector<16xi32>
    %ge3A_771 = arith.cmpf oge, %get3A_584, %get3A_590 : vector<16xf32>
    %select_n3A_772 = arith.select %ge3A_771, %broadcast_in_dim3A_604, %broadcast_in_dim3A_602 : vector<16xi1>, vector<16xi32>
    %add3A_773 = arith.addi %add3A_770, %select_n3A_772 : vector<16xi32>
    %ge3A_774 = arith.cmpf oge, %get3A_587, %get3A_590 : vector<16xf32>
    %select_n3A_775 = arith.select %ge3A_774, %broadcast_in_dim3A_604, %broadcast_in_dim3A_602 : vector<16xi1>, vector<16xi32>
    %add3A_776 = arith.addi %add3A_773, %select_n3A_775 : vector<16xi32>
    %gt3A_777 = arith.cmpf ogt, %get3A_593, %get3A_590 : vector<16xf32>
    %select_n3A_778 = arith.select %gt3A_777, %broadcast_in_dim3A_604, %broadcast_in_dim3A_602 : vector<16xi1>, vector<16xi32>
    %add3A_779 = arith.addi %add3A_776, %select_n3A_778 : vector<16xi32>
    %gt3A_780 = arith.cmpf ogt, %get3A_596, %get3A_590 : vector<16xf32>
    %select_n3A_781 = arith.select %gt3A_780, %broadcast_in_dim3A_604, %broadcast_in_dim3A_602 : vector<16xi1>, vector<16xi32>
    %add3A_782 = arith.addi %add3A_779, %select_n3A_781 : vector<16xi32>
    %sub3A_783 = arith.subf %broadcast_in_dim3A_598, %get3A_590 : vector<16xf32>
    %exp3A_784 = math.exp %sub3A_783 : vector<16xf32>
    %add3A_785 = arith.addf %broadcast_in_dim3A_600, %exp3A_784 : vector<16xf32>
    %div3A_786 = arith.divf %broadcast_in_dim3A_600, %add3A_785 : vector<16xf32>
    %lt3A_787 = arith.cmpi slt, %add3A_782, %broadcast_in_dim3A_606 : vector<16xi32>
    %select_n3A_788 = arith.select %lt3A_787, %div3A_786, %broadcast_in_dim3A_598 : vector<16xi1>, vector<16xf32>
    %swap3A_789 = arith.constant 352 : index
    %swap3A_790 = tpu.vector_load %arg5[%swap3A_789] {strides = array<i32>} : memref<512xf32, #tpu.memory_space<vmem>>, vector<16xf32>,
    %swap3A_791 = vector.shape_cast %swap3A_790 : vector<16xf32> to vector<16xf32>
    %swap3A_792 = vector.shape_cast %select_n3A_788 : vector<16xf32> to vector<16xf32>
    tpu.vector_store %arg5[%swap3A_789], %swap3A_792 {strides = array<i32>} : memref<512xf32, #tpu.memory_space<vmem>>, vector<16xf32>,
    %ge3A_793 = arith.cmpf oge, %get3A_575, %get3A_593 : vector<16xf32>
    %select_n3A_794 = arith.select %ge3A_793, %broadcast_in_dim3A_604, %broadcast_in_dim3A_602 : vector<16xi1>, vector<16xi32>
    %add3A_795 = arith.addi %broadcast_in_dim3A_602, %select_n3A_794 : vector<16xi32>
    %ge3A_796 = arith.cmpf oge, %get3A_578, %get3A_593 : vector<16xf32>
    %select_n3A_797 = arith.select %ge3A_796, %broadcast_in_dim3A_604, %broadcast_in_dim3A_602 : vector<16xi1>, vector<16xi32>
    %add3A_798 = arith.addi %add3A_795, %select_n3A_797 : vector<16xi32>
    %ge3A_799 = arith.cmpf oge, %get3A_581, %get3A_593 : vector<16xf32>
    %select_n3A_800 = arith.select %ge3A_799, %broadcast_in_dim3A_604, %broadcast_in_dim3A_602 : vector<16xi1>, vector<16xi32>
    %add3A_801 = arith.addi %add3A_798, %select_n3A_800 : vector<16xi32>
    %ge3A_802 = arith.cmpf oge, %get3A_584, %get3A_593 : vector<16xf32>
    %select_n3A_803 = arith.select %ge3A_802, %broadcast_in_dim3A_604, %broadcast_in_dim3A_602 : vector<16xi1>, vector<16xi32>
    %add3A_804 = arith.addi %add3A_801, %select_n3A_803 : vector<16xi32>
    %ge3A_805 = arith.cmpf oge, %get3A_587, %get3A_593 : vector<16xf32>
    %select_n3A_806 = arith.select %ge3A_805, %broadcast_in_dim3A_604, %broadcast_in_dim3A_602 : vector<16xi1>, vector<16xi32>
    %add3A_807 = arith.addi %add3A_804, %select_n3A_806 : vector<16xi32>
    %ge3A_808 = arith.cmpf oge, %get3A_590, %get3A_593 : vector<16xf32>
    %select_n3A_809 = arith.select %ge3A_808, %broadcast_in_dim3A_604, %broadcast_in_dim3A_602 : vector<16xi1>, vector<16xi32>
    %add3A_810 = arith.addi %add3A_807, %select_n3A_809 : vector<16xi32>
    %gt3A_811 = arith.cmpf ogt, %get3A_596, %get3A_593 : vector<16xf32>
    %select_n3A_812 = arith.select %gt3A_811, %broadcast_in_dim3A_604, %broadcast_in_dim3A_602 : vector<16xi1>, vector<16xi32>
    %add3A_813 = arith.addi %add3A_810, %select_n3A_812 : vector<16xi32>
    %sub3A_814 = arith.subf %broadcast_in_dim3A_598, %get3A_593 : vector<16xf32>
    %exp3A_815 = math.exp %sub3A_814 : vector<16xf32>
    %add3A_816 = arith.addf %broadcast_in_dim3A_600, %exp3A_815 : vector<16xf32>
    %div3A_817 = arith.divf %broadcast_in_dim3A_600, %add3A_816 : vector<16xf32>
    %lt3A_818 = arith.cmpi slt, %add3A_813, %broadcast_in_dim3A_606 : vector<16xi32>
    %select_n3A_819 = arith.select %lt3A_818, %div3A_817, %broadcast_in_dim3A_598 : vector<16xi1>, vector<16xf32>
    %swap3A_820 = arith.constant 416 : index
    %swap3A_821 = tpu.vector_load %arg5[%swap3A_820] {strides = array<i32>} : memref<512xf32, #tpu.memory_space<vmem>>, vector<16xf32>,
    %swap3A_822 = vector.shape_cast %swap3A_821 : vector<16xf32> to vector<16xf32>
    %swap3A_823 = vector.shape_cast %select_n3A_819 : vector<16xf32> to vector<16xf32>
    tpu.vector_store %arg5[%swap3A_820], %swap3A_823 {strides = array<i32>} : memref<512xf32, #tpu.memory_space<vmem>>, vector<16xf32>,
    %ge3A_824 = arith.cmpf oge, %get3A_575, %get3A_596 : vector<16xf32>
    %select_n3A_825 = arith.select %ge3A_824, %broadcast_in_dim3A_604, %broadcast_in_dim3A_602 : vector<16xi1>, vector<16xi32>
    %add3A_826 = arith.addi %broadcast_in_dim3A_602, %select_n3A_825 : vector<16xi32>
    %ge3A_827 = arith.cmpf oge, %get3A_578, %get3A_596 : vector<16xf32>
    %select_n3A_828 = arith.select %ge3A_827, %broadcast_in_dim3A_604, %broadcast_in_dim3A_602 : vector<16xi1>, vector<16xi32>
    %add3A_829 = arith.addi %add3A_826, %select_n3A_828 : vector<16xi32>
    %ge3A_830 = arith.cmpf oge, %get3A_581, %get3A_596 : vector<16xf32>
    %select_n3A_831 = arith.select %ge3A_830, %broadcast_in_dim3A_604, %broadcast_in_dim3A_602 : vector<16xi1>, vector<16xi32>
    %add3A_832 = arith.addi %add3A_829, %select_n3A_831 : vector<16xi32>
    %ge3A_833 = arith.cmpf oge, %get3A_584, %get3A_596 : vector<16xf32>
    %select_n3A_834 = arith.select %ge3A_833, %broadcast_in_dim3A_604, %broadcast_in_dim3A_602 : vector<16xi1>, vector<16xi32>
    %add3A_835 = arith.addi %add3A_832, %select_n3A_834 : vector<16xi32>
    %ge3A_836 = arith.cmpf oge, %get3A_587, %get3A_596 : vector<16xf32>
    %select_n3A_837 = arith.select %ge3A_836, %broadcast_in_dim3A_604, %broadcast_in_dim3A_602 : vector<16xi1>, vector<16xi32>
    %add3A_838 = arith.addi %add3A_835, %select_n3A_837 : vector<16xi32>
    %ge3A_839 = arith.cmpf oge, %get3A_590, %get3A_596 : vector<16xf32>
    %select_n3A_840 = arith.select %ge3A_839, %broadcast_in_dim3A_604, %broadcast_in_dim3A_602 : vector<16xi1>, vector<16xi32>
    %add3A_841 = arith.addi %add3A_838, %select_n3A_840 : vector<16xi32>
    %ge3A_842 = arith.cmpf oge, %get3A_593, %get3A_596 : vector<16xf32>
    %select_n3A_843 = arith.select %ge3A_842, %broadcast_in_dim3A_604, %broadcast_in_dim3A_602 : vector<16xi1>, vector<16xi32>
    %add3A_844 = arith.addi %add3A_841, %select_n3A_843 : vector<16xi32>
    %sub3A_845 = arith.subf %broadcast_in_dim3A_598, %get3A_596 : vector<16xf32>
    %exp3A_846 = math.exp %sub3A_845 : vector<16xf32>
    %add3A_847 = arith.addf %broadcast_in_dim3A_600, %exp3A_846 : vector<16xf32>
    %div3A_848 = arith.divf %broadcast_in_dim3A_600, %add3A_847 : vector<16xf32>
    %lt3A_849 = arith.cmpi slt, %add3A_844, %broadcast_in_dim3A_606 : vector<16xi32>
    %select_n3A_850 = arith.select %lt3A_849, %div3A_848, %broadcast_in_dim3A_598 : vector<16xi1>, vector<16xf32>
    %swap3A_851 = arith.constant 480 : index
    %swap3A_852 = tpu.vector_load %arg5[%swap3A_851] {strides = array<i32>} : memref<512xf32, #tpu.memory_space<vmem>>, vector<16xf32>,
    %swap3A_853 = vector.shape_cast %swap3A_852 : vector<16xf32> to vector<16xf32>
    %swap3A_854 = vector.shape_cast %select_n3A_850 : vector<16xf32> to vector<16xf32>
    tpu.vector_store %arg5[%swap3A_851], %swap3A_854 {strides = array<i32>} : memref<512xf32, #tpu.memory_space<vmem>>, vector<16xf32>,
    %get3A_855 = arith.constant 48 : index
    %get3A_856 = tpu.vector_load %arg4[%get3A_855] {strides = array<i32>} : memref<512xf32, #tpu.memory_space<vmem>>, vector<16xf32>,
    %get3A_857 = vector.shape_cast %get3A_856 : vector<16xf32> to vector<16xf32>
    %get3A_858 = arith.constant 112 : index
    %get3A_859 = tpu.vector_load %arg4[%get3A_858] {strides = array<i32>} : memref<512xf32, #tpu.memory_space<vmem>>, vector<16xf32>,
    %get3A_860 = vector.shape_cast %get3A_859 : vector<16xf32> to vector<16xf32>
    %get3A_861 = arith.constant 176 : index
    %get3A_862 = tpu.vector_load %arg4[%get3A_861] {strides = array<i32>} : memref<512xf32, #tpu.memory_space<vmem>>, vector<16xf32>,
    %get3A_863 = vector.shape_cast %get3A_862 : vector<16xf32> to vector<16xf32>
    %get3A_864 = arith.constant 240 : index
    %get3A_865 = tpu.vector_load %arg4[%get3A_864] {strides = array<i32>} : memref<512xf32, #tpu.memory_space<vmem>>, vector<16xf32>,
    %get3A_866 = vector.shape_cast %get3A_865 : vector<16xf32> to vector<16xf32>
    %get3A_867 = arith.constant 304 : index
    %get3A_868 = tpu.vector_load %arg4[%get3A_867] {strides = array<i32>} : memref<512xf32, #tpu.memory_space<vmem>>, vector<16xf32>,
    %get3A_869 = vector.shape_cast %get3A_868 : vector<16xf32> to vector<16xf32>
    %get3A_870 = arith.constant 368 : index
    %get3A_871 = tpu.vector_load %arg4[%get3A_870] {strides = array<i32>} : memref<512xf32, #tpu.memory_space<vmem>>, vector<16xf32>,
    %get3A_872 = vector.shape_cast %get3A_871 : vector<16xf32> to vector<16xf32>
    %get3A_873 = arith.constant 432 : index
    %get3A_874 = tpu.vector_load %arg4[%get3A_873] {strides = array<i32>} : memref<512xf32, #tpu.memory_space<vmem>>, vector<16xf32>,
    %get3A_875 = vector.shape_cast %get3A_874 : vector<16xf32> to vector<16xf32>
    %get3A_876 = arith.constant 496 : index
    %get3A_877 = tpu.vector_load %arg4[%get3A_876] {strides = array<i32>} : memref<512xf32, #tpu.memory_space<vmem>>, vector<16xf32>,
    %get3A_878 = vector.shape_cast %get3A_877 : vector<16xf32> to vector<16xf32>
    %broadcast_in_dim3A_879 = arith.constant 0.000000e+00 : f32
    %broadcast_in_dim3A_880 = vector.broadcast %broadcast_in_dim3A_879 : f32 to vector<16xf32>
    %broadcast_in_dim3A_881 = arith.constant 1.000000e+00 : f32
    %broadcast_in_dim3A_882 = vector.broadcast %broadcast_in_dim3A_881 : f32 to vector<16xf32>
    %broadcast_in_dim3A_883 = arith.constant 0 : i32
    %broadcast_in_dim3A_884 = vector.broadcast %broadcast_in_dim3A_883 : i32 to vector<16xi32>
    %broadcast_in_dim3A_885 = arith.constant 1 : i32
    %broadcast_in_dim3A_886 = vector.broadcast %broadcast_in_dim3A_885 : i32 to vector<16xi32>
    %broadcast_in_dim3A_887 = arith.constant 2 : i32
    %broadcast_in_dim3A_888 = vector.broadcast %broadcast_in_dim3A_887 : i32 to vector<16xi32>
    %gt3A_889 = arith.cmpf ogt, %get3A_860, %get3A_857 : vector<16xf32>
    %select_n3A_890 = arith.select %gt3A_889, %broadcast_in_dim3A_886, %broadcast_in_dim3A_884 : vector<16xi1>, vector<16xi32>
    %add3A_891 = arith.addi %broadcast_in_dim3A_884, %select_n3A_890 : vector<16xi32>
    %gt3A_892 = arith.cmpf ogt, %get3A_863, %get3A_857 : vector<16xf32>
    %select_n3A_893 = arith.select %gt3A_892, %broadcast_in_dim3A_886, %broadcast_in_dim3A_884 : vector<16xi1>, vector<16xi32>
    %add3A_894 = arith.addi %add3A_891, %select_n3A_893 : vector<16xi32>
    %gt3A_895 = arith.cmpf ogt, %get3A_866, %get3A_857 : vector<16xf32>
    %select_n3A_896 = arith.select %gt3A_895, %broadcast_in_dim3A_886, %broadcast_in_dim3A_884 : vector<16xi1>, vector<16xi32>
    %add3A_897 = arith.addi %add3A_894, %select_n3A_896 : vector<16xi32>
    %gt3A_898 = arith.cmpf ogt, %get3A_869, %get3A_857 : vector<16xf32>
    %select_n3A_899 = arith.select %gt3A_898, %broadcast_in_dim3A_886, %broadcast_in_dim3A_884 : vector<16xi1>, vector<16xi32>
    %add3A_900 = arith.addi %add3A_897, %select_n3A_899 : vector<16xi32>
    %gt3A_901 = arith.cmpf ogt, %get3A_872, %get3A_857 : vector<16xf32>
    %select_n3A_902 = arith.select %gt3A_901, %broadcast_in_dim3A_886, %broadcast_in_dim3A_884 : vector<16xi1>, vector<16xi32>
    %add3A_903 = arith.addi %add3A_900, %select_n3A_902 : vector<16xi32>
    %gt3A_904 = arith.cmpf ogt, %get3A_875, %get3A_857 : vector<16xf32>
    %select_n3A_905 = arith.select %gt3A_904, %broadcast_in_dim3A_886, %broadcast_in_dim3A_884 : vector<16xi1>, vector<16xi32>
    %add3A_906 = arith.addi %add3A_903, %select_n3A_905 : vector<16xi32>
    %gt3A_907 = arith.cmpf ogt, %get3A_878, %get3A_857 : vector<16xf32>
    %select_n3A_908 = arith.select %gt3A_907, %broadcast_in_dim3A_886, %broadcast_in_dim3A_884 : vector<16xi1>, vector<16xi32>
    %add3A_909 = arith.addi %add3A_906, %select_n3A_908 : vector<16xi32>
    %sub3A_910 = arith.subf %broadcast_in_dim3A_880, %get3A_857 : vector<16xf32>
    %exp3A_911 = math.exp %sub3A_910 : vector<16xf32>
    %add3A_912 = arith.addf %broadcast_in_dim3A_882, %exp3A_911 : vector<16xf32>
    %div3A_913 = arith.divf %broadcast_in_dim3A_882, %add3A_912 : vector<16xf32>
    %lt3A_914 = arith.cmpi slt, %add3A_909, %broadcast_in_dim3A_888 : vector<16xi32>
    %select_n3A_915 = arith.select %lt3A_914, %div3A_913, %broadcast_in_dim3A_880 : vector<16xi1>, vector<16xf32>
    %swap3A_916 = arith.constant 48 : index
    %swap3A_917 = tpu.vector_load %arg5[%swap3A_916] {strides = array<i32>} : memref<512xf32, #tpu.memory_space<vmem>>, vector<16xf32>,
    %swap3A_918 = vector.shape_cast %swap3A_917 : vector<16xf32> to vector<16xf32>
    %swap3A_919 = vector.shape_cast %select_n3A_915 : vector<16xf32> to vector<16xf32>
    tpu.vector_store %arg5[%swap3A_916], %swap3A_919 {strides = array<i32>} : memref<512xf32, #tpu.memory_space<vmem>>, vector<16xf32>,
    %ge3A_920 = arith.cmpf oge, %get3A_857, %get3A_860 : vector<16xf32>
    %select_n3A_921 = arith.select %ge3A_920, %broadcast_in_dim3A_886, %broadcast_in_dim3A_884 : vector<16xi1>, vector<16xi32>
    %add3A_922 = arith.addi %broadcast_in_dim3A_884, %select_n3A_921 : vector<16xi32>
    %gt3A_923 = arith.cmpf ogt, %get3A_863, %get3A_860 : vector<16xf32>
    %select_n3A_924 = arith.select %gt3A_923, %broadcast_in_dim3A_886, %broadcast_in_dim3A_884 : vector<16xi1>, vector<16xi32>
    %add3A_925 = arith.addi %add3A_922, %select_n3A_924 : vector<16xi32>
    %gt3A_926 = arith.cmpf ogt, %get3A_866, %get3A_860 : vector<16xf32>
    %select_n3A_927 = arith.select %gt3A_926, %broadcast_in_dim3A_886, %broadcast_in_dim3A_884 : vector<16xi1>, vector<16xi32>
    %add3A_928 = arith.addi %add3A_925, %select_n3A_927 : vector<16xi32>
    %gt3A_929 = arith.cmpf ogt, %get3A_869, %get3A_860 : vector<16xf32>
    %select_n3A_930 = arith.select %gt3A_929, %broadcast_in_dim3A_886, %broadcast_in_dim3A_884 : vector<16xi1>, vector<16xi32>
    %add3A_931 = arith.addi %add3A_928, %select_n3A_930 : vector<16xi32>
    %gt3A_932 = arith.cmpf ogt, %get3A_872, %get3A_860 : vector<16xf32>
    %select_n3A_933 = arith.select %gt3A_932, %broadcast_in_dim3A_886, %broadcast_in_dim3A_884 : vector<16xi1>, vector<16xi32>
    %add3A_934 = arith.addi %add3A_931, %select_n3A_933 : vector<16xi32>
    %gt3A_935 = arith.cmpf ogt, %get3A_875, %get3A_860 : vector<16xf32>
    %select_n3A_936 = arith.select %gt3A_935, %broadcast_in_dim3A_886, %broadcast_in_dim3A_884 : vector<16xi1>, vector<16xi32>
    %add3A_937 = arith.addi %add3A_934, %select_n3A_936 : vector<16xi32>
    %gt3A_938 = arith.cmpf ogt, %get3A_878, %get3A_860 : vector<16xf32>
    %select_n3A_939 = arith.select %gt3A_938, %broadcast_in_dim3A_886, %broadcast_in_dim3A_884 : vector<16xi1>, vector<16xi32>
    %add3A_940 = arith.addi %add3A_937, %select_n3A_939 : vector<16xi32>
    %sub3A_941 = arith.subf %broadcast_in_dim3A_880, %get3A_860 : vector<16xf32>
    %exp3A_942 = math.exp %sub3A_941 : vector<16xf32>
    %add3A_943 = arith.addf %broadcast_in_dim3A_882, %exp3A_942 : vector<16xf32>
    %div3A_944 = arith.divf %broadcast_in_dim3A_882, %add3A_943 : vector<16xf32>
    %lt3A_945 = arith.cmpi slt, %add3A_940, %broadcast_in_dim3A_888 : vector<16xi32>
    %select_n3A_946 = arith.select %lt3A_945, %div3A_944, %broadcast_in_dim3A_880 : vector<16xi1>, vector<16xf32>
    %swap3A_947 = arith.constant 112 : index
    %swap3A_948 = tpu.vector_load %arg5[%swap3A_947] {strides = array<i32>} : memref<512xf32, #tpu.memory_space<vmem>>, vector<16xf32>,
    %swap3A_949 = vector.shape_cast %swap3A_948 : vector<16xf32> to vector<16xf32>
    %swap3A_950 = vector.shape_cast %select_n3A_946 : vector<16xf32> to vector<16xf32>
    tpu.vector_store %arg5[%swap3A_947], %swap3A_950 {strides = array<i32>} : memref<512xf32, #tpu.memory_space<vmem>>, vector<16xf32>,
    %ge3A_951 = arith.cmpf oge, %get3A_857, %get3A_863 : vector<16xf32>
    %select_n3A_952 = arith.select %ge3A_951, %broadcast_in_dim3A_886, %broadcast_in_dim3A_884 : vector<16xi1>, vector<16xi32>
    %add3A_953 = arith.addi %broadcast_in_dim3A_884, %select_n3A_952 : vector<16xi32>
    %ge3A_954 = arith.cmpf oge, %get3A_860, %get3A_863 : vector<16xf32>
    %select_n3A_955 = arith.select %ge3A_954, %broadcast_in_dim3A_886, %broadcast_in_dim3A_884 : vector<16xi1>, vector<16xi32>
    %add3A_956 = arith.addi %add3A_953, %select_n3A_955 : vector<16xi32>
    %gt3A_957 = arith.cmpf ogt, %get3A_866, %get3A_863 : vector<16xf32>
    %select_n3A_958 = arith.select %gt3A_957, %broadcast_in_dim3A_886, %broadcast_in_dim3A_884 : vector<16xi1>, vector<16xi32>
    %add3A_959 = arith.addi %add3A_956, %select_n3A_958 : vector<16xi32>
    %gt3A_960 = arith.cmpf ogt, %get3A_869, %get3A_863 : vector<16xf32>
    %select_n3A_961 = arith.select %gt3A_960, %broadcast_in_dim3A_886, %broadcast_in_dim3A_884 : vector<16xi1>, vector<16xi32>
    %add3A_962 = arith.addi %add3A_959, %select_n3A_961 : vector<16xi32>
    %gt3A_963 = arith.cmpf ogt, %get3A_872, %get3A_863 : vector<16xf32>
    %select_n3A_964 = arith.select %gt3A_963, %broadcast_in_dim3A_886, %broadcast_in_dim3A_884 : vector<16xi1>, vector<16xi32>
    %add3A_965 = arith.addi %add3A_962, %select_n3A_964 : vector<16xi32>
    %gt3A_966 = arith.cmpf ogt, %get3A_875, %get3A_863 : vector<16xf32>
    %select_n3A_967 = arith.select %gt3A_966, %broadcast_in_dim3A_886, %broadcast_in_dim3A_884 : vector<16xi1>, vector<16xi32>
    %add3A_968 = arith.addi %add3A_965, %select_n3A_967 : vector<16xi32>
    %gt3A_969 = arith.cmpf ogt, %get3A_878, %get3A_863 : vector<16xf32>
    %select_n3A_970 = arith.select %gt3A_969, %broadcast_in_dim3A_886, %broadcast_in_dim3A_884 : vector<16xi1>, vector<16xi32>
    %add3A_971 = arith.addi %add3A_968, %select_n3A_970 : vector<16xi32>
    %sub3A_972 = arith.subf %broadcast_in_dim3A_880, %get3A_863 : vector<16xf32>
    %exp3A_973 = math.exp %sub3A_972 : vector<16xf32>
    %add3A_974 = arith.addf %broadcast_in_dim3A_882, %exp3A_973 : vector<16xf32>
    %div3A_975 = arith.divf %broadcast_in_dim3A_882, %add3A_974 : vector<16xf32>
    %lt3A_976 = arith.cmpi slt, %add3A_971, %broadcast_in_dim3A_888 : vector<16xi32>
    %select_n3A_977 = arith.select %lt3A_976, %div3A_975, %broadcast_in_dim3A_880 : vector<16xi1>, vector<16xf32>
    %swap3A_978 = arith.constant 176 : index
    %swap3A_979 = tpu.vector_load %arg5[%swap3A_978] {strides = array<i32>} : memref<512xf32, #tpu.memory_space<vmem>>, vector<16xf32>,
    %swap3A_980 = vector.shape_cast %swap3A_979 : vector<16xf32> to vector<16xf32>
    %swap3A_981 = vector.shape_cast %select_n3A_977 : vector<16xf32> to vector<16xf32>
    tpu.vector_store %arg5[%swap3A_978], %swap3A_981 {strides = array<i32>} : memref<512xf32, #tpu.memory_space<vmem>>, vector<16xf32>,
    %ge3A_982 = arith.cmpf oge, %get3A_857, %get3A_866 : vector<16xf32>
    %select_n3A_983 = arith.select %ge3A_982, %broadcast_in_dim3A_886, %broadcast_in_dim3A_884 : vector<16xi1>, vector<16xi32>
    %add3A_984 = arith.addi %broadcast_in_dim3A_884, %select_n3A_983 : vector<16xi32>
    %ge3A_985 = arith.cmpf oge, %get3A_860, %get3A_866 : vector<16xf32>
    %select_n3A_986 = arith.select %ge3A_985, %broadcast_in_dim3A_886, %broadcast_in_dim3A_884 : vector<16xi1>, vector<16xi32>
    %add3A_987 = arith.addi %add3A_984, %select_n3A_986 : vector<16xi32>
    %ge3A_988 = arith.cmpf oge, %get3A_863, %get3A_866 : vector<16xf32>
    %select_n3A_989 = arith.select %ge3A_988, %broadcast_in_dim3A_886, %broadcast_in_dim3A_884 : vector<16xi1>, vector<16xi32>
    %add3A_990 = arith.addi %add3A_987, %select_n3A_989 : vector<16xi32>
    %gt3A_991 = arith.cmpf ogt, %get3A_869, %get3A_866 : vector<16xf32>
    %select_n3A_992 = arith.select %gt3A_991, %broadcast_in_dim3A_886, %broadcast_in_dim3A_884 : vector<16xi1>, vector<16xi32>
    %add3A_993 = arith.addi %add3A_990, %select_n3A_992 : vector<16xi32>
    %gt3A_994 = arith.cmpf ogt, %get3A_872, %get3A_866 : vector<16xf32>
    %select_n3A_995 = arith.select %gt3A_994, %broadcast_in_dim3A_886, %broadcast_in_dim3A_884 : vector<16xi1>, vector<16xi32>
    %add3A_996 = arith.addi %add3A_993, %select_n3A_995 : vector<16xi32>
    %gt3A_997 = arith.cmpf ogt, %get3A_875, %get3A_866 : vector<16xf32>
    %select_n3A_998 = arith.select %gt3A_997, %broadcast_in_dim3A_886, %broadcast_in_dim3A_884 : vector<16xi1>, vector<16xi32>
    %add3A_999 = arith.addi %add3A_996, %select_n3A_998 : vector<16xi32>
    %gt3A_1000 = arith.cmpf ogt, %get3A_878, %get3A_866 : vector<16xf32>
    %select_n3A_1001 = arith.select %gt3A_1000, %broadcast_in_dim3A_886, %broadcast_in_dim3A_884 : vector<16xi1>, vector<16xi32>
    %add3A_1002 = arith.addi %add3A_999, %select_n3A_1001 : vector<16xi32>
    %sub3A_1003 = arith.subf %broadcast_in_dim3A_880, %get3A_866 : vector<16xf32>
    %exp3A_1004 = math.exp %sub3A_1003 : vector<16xf32>
    %add3A_1005 = arith.addf %broadcast_in_dim3A_882, %exp3A_1004 : vector<16xf32>
    %div3A_1006 = arith.divf %broadcast_in_dim3A_882, %add3A_1005 : vector<16xf32>
    %lt3A_1007 = arith.cmpi slt, %add3A_1002, %broadcast_in_dim3A_888 : vector<16xi32>
    %select_n3A_1008 = arith.select %lt3A_1007, %div3A_1006, %broadcast_in_dim3A_880 : vector<16xi1>, vector<16xf32>
    %swap3A_1009 = arith.constant 240 : index
    %swap3A_1010 = tpu.vector_load %arg5[%swap3A_1009] {strides = array<i32>} : memref<512xf32, #tpu.memory_space<vmem>>, vector<16xf32>,
    %swap3A_1011 = vector.shape_cast %swap3A_1010 : vector<16xf32> to vector<16xf32>
    %swap3A_1012 = vector.shape_cast %select_n3A_1008 : vector<16xf32> to vector<16xf32>
    tpu.vector_store %arg5[%swap3A_1009], %swap3A_1012 {strides = array<i32>} : memref<512xf32, #tpu.memory_space<vmem>>, vector<16xf32>,
    %ge3A_1013 = arith.cmpf oge, %get3A_857, %get3A_869 : vector<16xf32>
    %select_n3A_1014 = arith.select %ge3A_1013, %broadcast_in_dim3A_886, %broadcast_in_dim3A_884 : vector<16xi1>, vector<16xi32>
    %add3A_1015 = arith.addi %broadcast_in_dim3A_884, %select_n3A_1014 : vector<16xi32>
    %ge3A_1016 = arith.cmpf oge, %get3A_860, %get3A_869 : vector<16xf32>
    %select_n3A_1017 = arith.select %ge3A_1016, %broadcast_in_dim3A_886, %broadcast_in_dim3A_884 : vector<16xi1>, vector<16xi32>
    %add3A_1018 = arith.addi %add3A_1015, %select_n3A_1017 : vector<16xi32>
    %ge3A_1019 = arith.cmpf oge, %get3A_863, %get3A_869 : vector<16xf32>
    %select_n3A_1020 = arith.select %ge3A_1019, %broadcast_in_dim3A_886, %broadcast_in_dim3A_884 : vector<16xi1>, vector<16xi32>
    %add3A_1021 = arith.addi %add3A_1018, %select_n3A_1020 : vector<16xi32>
    %ge3A_1022 = arith.cmpf oge, %get3A_866, %get3A_869 : vector<16xf32>
    %select_n3A_1023 = arith.select %ge3A_1022, %broadcast_in_dim3A_886, %broadcast_in_dim3A_884 : vector<16xi1>, vector<16xi32>
    %add3A_1024 = arith.addi %add3A_1021, %select_n3A_1023 : vector<16xi32>
    %gt3A_1025 = arith.cmpf ogt, %get3A_872, %get3A_869 : vector<16xf32>
    %select_n3A_1026 = arith.select %gt3A_1025, %broadcast_in_dim3A_886, %broadcast_in_dim3A_884 : vector<16xi1>, vector<16xi32>
    %add3A_1027 = arith.addi %add3A_1024, %select_n3A_1026 : vector<16xi32>
    %gt3A_1028 = arith.cmpf ogt, %get3A_875, %get3A_869 : vector<16xf32>
    %select_n3A_1029 = arith.select %gt3A_1028, %broadcast_in_dim3A_886, %broadcast_in_dim3A_884 : vector<16xi1>, vector<16xi32>
    %add3A_1030 = arith.addi %add3A_1027, %select_n3A_1029 : vector<16xi32>
    %gt3A_1031 = arith.cmpf ogt, %get3A_878, %get3A_869 : vector<16xf32>
    %select_n3A_1032 = arith.select %gt3A_1031, %broadcast_in_dim3A_886, %broadcast_in_dim3A_884 : vector<16xi1>, vector<16xi32>
    %add3A_1033 = arith.addi %add3A_1030, %select_n3A_1032 : vector<16xi32>
    %sub3A_1034 = arith.subf %broadcast_in_dim3A_880, %get3A_869 : vector<16xf32>
    %exp3A_1035 = math.exp %sub3A_1034 : vector<16xf32>
    %add3A_1036 = arith.addf %broadcast_in_dim3A_882, %exp3A_1035 : vector<16xf32>
    %div3A_1037 = arith.divf %broadcast_in_dim3A_882, %add3A_1036 : vector<16xf32>
    %lt3A_1038 = arith.cmpi slt, %add3A_1033, %broadcast_in_dim3A_888 : vector<16xi32>
    %select_n3A_1039 = arith.select %lt3A_1038, %div3A_1037, %broadcast_in_dim3A_880 : vector<16xi1>, vector<16xf32>
    %swap3A_1040 = arith.constant 304 : index
    %swap3A_1041 = tpu.vector_load %arg5[%swap3A_1040] {strides = array<i32>} : memref<512xf32, #tpu.memory_space<vmem>>, vector<16xf32>,
    %swap3A_1042 = vector.shape_cast %swap3A_1041 : vector<16xf32> to vector<16xf32>
    %swap3A_1043 = vector.shape_cast %select_n3A_1039 : vector<16xf32> to vector<16xf32>
    tpu.vector_store %arg5[%swap3A_1040], %swap3A_1043 {strides = array<i32>} : memref<512xf32, #tpu.memory_space<vmem>>, vector<16xf32>,
    %ge3A_1044 = arith.cmpf oge, %get3A_857, %get3A_872 : vector<16xf32>
    %select_n3A_1045 = arith.select %ge3A_1044, %broadcast_in_dim3A_886, %broadcast_in_dim3A_884 : vector<16xi1>, vector<16xi32>
    %add3A_1046 = arith.addi %broadcast_in_dim3A_884, %select_n3A_1045 : vector<16xi32>
    %ge3A_1047 = arith.cmpf oge, %get3A_860, %get3A_872 : vector<16xf32>
    %select_n3A_1048 = arith.select %ge3A_1047, %broadcast_in_dim3A_886, %broadcast_in_dim3A_884 : vector<16xi1>, vector<16xi32>
    %add3A_1049 = arith.addi %add3A_1046, %select_n3A_1048 : vector<16xi32>
    %ge3A_1050 = arith.cmpf oge, %get3A_863, %get3A_872 : vector<16xf32>
    %select_n3A_1051 = arith.select %ge3A_1050, %broadcast_in_dim3A_886, %broadcast_in_dim3A_884 : vector<16xi1>, vector<16xi32>
    %add3A_1052 = arith.addi %add3A_1049, %select_n3A_1051 : vector<16xi32>
    %ge3A_1053 = arith.cmpf oge, %get3A_866, %get3A_872 : vector<16xf32>
    %select_n3A_1054 = arith.select %ge3A_1053, %broadcast_in_dim3A_886, %broadcast_in_dim3A_884 : vector<16xi1>, vector<16xi32>
    %add3A_1055 = arith.addi %add3A_1052, %select_n3A_1054 : vector<16xi32>
    %ge3A_1056 = arith.cmpf oge, %get3A_869, %get3A_872 : vector<16xf32>
    %select_n3A_1057 = arith.select %ge3A_1056, %broadcast_in_dim3A_886, %broadcast_in_dim3A_884 : vector<16xi1>, vector<16xi32>
    %add3A_1058 = arith.addi %add3A_1055, %select_n3A_1057 : vector<16xi32>
    %gt3A_1059 = arith.cmpf ogt, %get3A_875, %get3A_872 : vector<16xf32>
    %select_n3A_1060 = arith.select %gt3A_1059, %broadcast_in_dim3A_886, %broadcast_in_dim3A_884 : vector<16xi1>, vector<16xi32>
    %add3A_1061 = arith.addi %add3A_1058, %select_n3A_1060 : vector<16xi32>
    %gt3A_1062 = arith.cmpf ogt, %get3A_878, %get3A_872 : vector<16xf32>
    %select_n3A_1063 = arith.select %gt3A_1062, %broadcast_in_dim3A_886, %broadcast_in_dim3A_884 : vector<16xi1>, vector<16xi32>
    %add3A_1064 = arith.addi %add3A_1061, %select_n3A_1063 : vector<16xi32>
    %sub3A_1065 = arith.subf %broadcast_in_dim3A_880, %get3A_872 : vector<16xf32>
    %exp3A_1066 = math.exp %sub3A_1065 : vector<16xf32>
    %add3A_1067 = arith.addf %broadcast_in_dim3A_882, %exp3A_1066 : vector<16xf32>
    %div3A_1068 = arith.divf %broadcast_in_dim3A_882, %add3A_1067 : vector<16xf32>
    %lt3A_1069 = arith.cmpi slt, %add3A_1064, %broadcast_in_dim3A_888 : vector<16xi32>
    %select_n3A_1070 = arith.select %lt3A_1069, %div3A_1068, %broadcast_in_dim3A_880 : vector<16xi1>, vector<16xf32>
    %swap3A_1071 = arith.constant 368 : index
    %swap3A_1072 = tpu.vector_load %arg5[%swap3A_1071] {strides = array<i32>} : memref<512xf32, #tpu.memory_space<vmem>>, vector<16xf32>,
    %swap3A_1073 = vector.shape_cast %swap3A_1072 : vector<16xf32> to vector<16xf32>
    %swap3A_1074 = vector.shape_cast %select_n3A_1070 : vector<16xf32> to vector<16xf32>
    tpu.vector_store %arg5[%swap3A_1071], %swap3A_1074 {strides = array<i32>} : memref<512xf32, #tpu.memory_space<vmem>>, vector<16xf32>,
    %ge3A_1075 = arith.cmpf oge, %get3A_857, %get3A_875 : vector<16xf32>
    %select_n3A_1076 = arith.select %ge3A_1075, %broadcast_in_dim3A_886, %broadcast_in_dim3A_884 : vector<16xi1>, vector<16xi32>
    %add3A_1077 = arith.addi %broadcast_in_dim3A_884, %select_n3A_1076 : vector<16xi32>
    %ge3A_1078 = arith.cmpf oge, %get3A_860, %get3A_875 : vector<16xf32>
    %select_n3A_1079 = arith.select %ge3A_1078, %broadcast_in_dim3A_886, %broadcast_in_dim3A_884 : vector<16xi1>, vector<16xi32>
    %add3A_1080 = arith.addi %add3A_1077, %select_n3A_1079 : vector<16xi32>
    %ge3A_1081 = arith.cmpf oge, %get3A_863, %get3A_875 : vector<16xf32>
    %select_n3A_1082 = arith.select %ge3A_1081, %broadcast_in_dim3A_886, %broadcast_in_dim3A_884 : vector<16xi1>, vector<16xi32>
    %add3A_1083 = arith.addi %add3A_1080, %select_n3A_1082 : vector<16xi32>
    %ge3A_1084 = arith.cmpf oge, %get3A_866, %get3A_875 : vector<16xf32>
    %select_n3A_1085 = arith.select %ge3A_1084, %broadcast_in_dim3A_886, %broadcast_in_dim3A_884 : vector<16xi1>, vector<16xi32>
    %add3A_1086 = arith.addi %add3A_1083, %select_n3A_1085 : vector<16xi32>
    %ge3A_1087 = arith.cmpf oge, %get3A_869, %get3A_875 : vector<16xf32>
    %select_n3A_1088 = arith.select %ge3A_1087, %broadcast_in_dim3A_886, %broadcast_in_dim3A_884 : vector<16xi1>, vector<16xi32>
    %add3A_1089 = arith.addi %add3A_1086, %select_n3A_1088 : vector<16xi32>
    %ge3A_1090 = arith.cmpf oge, %get3A_872, %get3A_875 : vector<16xf32>
    %select_n3A_1091 = arith.select %ge3A_1090, %broadcast_in_dim3A_886, %broadcast_in_dim3A_884 : vector<16xi1>, vector<16xi32>
    %add3A_1092 = arith.addi %add3A_1089, %select_n3A_1091 : vector<16xi32>
    %gt3A_1093 = arith.cmpf ogt, %get3A_878, %get3A_875 : vector<16xf32>
    %select_n3A_1094 = arith.select %gt3A_1093, %broadcast_in_dim3A_886, %broadcast_in_dim3A_884 : vector<16xi1>, vector<16xi32>
    %add3A_1095 = arith.addi %add3A_1092, %select_n3A_1094 : vector<16xi32>
    %sub3A_1096 = arith.subf %broadcast_in_dim3A_880, %get3A_875 : vector<16xf32>
    %exp3A_1097 = math.exp %sub3A_1096 : vector<16xf32>
    %add3A_1098 = arith.addf %broadcast_in_dim3A_882, %exp3A_1097 : vector<16xf32>
    %div3A_1099 = arith.divf %broadcast_in_dim3A_882, %add3A_1098 : vector<16xf32>
    %lt3A_1100 = arith.cmpi slt, %add3A_1095, %broadcast_in_dim3A_888 : vector<16xi32>
    %select_n3A_1101 = arith.select %lt3A_1100, %div3A_1099, %broadcast_in_dim3A_880 : vector<16xi1>, vector<16xf32>
    %swap3A_1102 = arith.constant 432 : index
    %swap3A_1103 = tpu.vector_load %arg5[%swap3A_1102] {strides = array<i32>} : memref<512xf32, #tpu.memory_space<vmem>>, vector<16xf32>,
    %swap3A_1104 = vector.shape_cast %swap3A_1103 : vector<16xf32> to vector<16xf32>
    %swap3A_1105 = vector.shape_cast %select_n3A_1101 : vector<16xf32> to vector<16xf32>
    tpu.vector_store %arg5[%swap3A_1102], %swap3A_1105 {strides = array<i32>} : memref<512xf32, #tpu.memory_space<vmem>>, vector<16xf32>,
    %ge3A_1106 = arith.cmpf oge, %get3A_857, %get3A_878 : vector<16xf32>
    %select_n3A_1107 = arith.select %ge3A_1106, %broadcast_in_dim3A_886, %broadcast_in_dim3A_884 : vector<16xi1>, vector<16xi32>
    %add3A_1108 = arith.addi %broadcast_in_dim3A_884, %select_n3A_1107 : vector<16xi32>
    %ge3A_1109 = arith.cmpf oge, %get3A_860, %get3A_878 : vector<16xf32>
    %select_n3A_1110 = arith.select %ge3A_1109, %broadcast_in_dim3A_886, %broadcast_in_dim3A_884 : vector<16xi1>, vector<16xi32>
    %add3A_1111 = arith.addi %add3A_1108, %select_n3A_1110 : vector<16xi32>
    %ge3A_1112 = arith.cmpf oge, %get3A_863, %get3A_878 : vector<16xf32>
    %select_n3A_1113 = arith.select %ge3A_1112, %broadcast_in_dim3A_886, %broadcast_in_dim3A_884 : vector<16xi1>, vector<16xi32>
    %add3A_1114 = arith.addi %add3A_1111, %select_n3A_1113 : vector<16xi32>
    %ge3A_1115 = arith.cmpf oge, %get3A_866, %get3A_878 : vector<16xf32>
    %select_n3A_1116 = arith.select %ge3A_1115, %broadcast_in_dim3A_886, %broadcast_in_dim3A_884 : vector<16xi1>, vector<16xi32>
    %add3A_1117 = arith.addi %add3A_1114, %select_n3A_1116 : vector<16xi32>
    %ge3A_1118 = arith.cmpf oge, %get3A_869, %get3A_878 : vector<16xf32>
    %select_n3A_1119 = arith.select %ge3A_1118, %broadcast_in_dim3A_886, %broadcast_in_dim3A_884 : vector<16xi1>, vector<16xi32>
    %add3A_1120 = arith.addi %add3A_1117, %select_n3A_1119 : vector<16xi32>
    %ge3A_1121 = arith.cmpf oge, %get3A_872, %get3A_878 : vector<16xf32>
    %select_n3A_1122 = arith.select %ge3A_1121, %broadcast_in_dim3A_886, %broadcast_in_dim3A_884 : vector<16xi1>, vector<16xi32>
    %add3A_1123 = arith.addi %add3A_1120, %select_n3A_1122 : vector<16xi32>
    %ge3A_1124 = arith.cmpf oge, %get3A_875, %get3A_878 : vector<16xf32>
    %select_n3A_1125 = arith.select %ge3A_1124, %broadcast_in_dim3A_886, %broadcast_in_dim3A_884 : vector<16xi1>, vector<16xi32>
    %add3A_1126 = arith.addi %add3A_1123, %select_n3A_1125 : vector<16xi32>
    %sub3A_1127 = arith.subf %broadcast_in_dim3A_880, %get3A_878 : vector<16xf32>
    %exp3A_1128 = math.exp %sub3A_1127 : vector<16xf32>
    %add3A_1129 = arith.addf %broadcast_in_dim3A_882, %exp3A_1128 : vector<16xf32>
    %div3A_1130 = arith.divf %broadcast_in_dim3A_882, %add3A_1129 : vector<16xf32>
    %lt3A_1131 = arith.cmpi slt, %add3A_1126, %broadcast_in_dim3A_888 : vector<16xi32>
    %select_n3A_1132 = arith.select %lt3A_1131, %div3A_1130, %broadcast_in_dim3A_880 : vector<16xi1>, vector<16xf32>
    %swap3A_1133 = arith.constant 496 : index
    %swap3A_1134 = tpu.vector_load %arg5[%swap3A_1133] {strides = array<i32>} : memref<512xf32, #tpu.memory_space<vmem>>, vector<16xf32>,
    %swap3A_1135 = vector.shape_cast %swap3A_1134 : vector<16xf32> to vector<16xf32>
    %swap3A_1136 = vector.shape_cast %select_n3A_1132 : vector<16xf32> to vector<16xf32>
    tpu.vector_store %arg5[%swap3A_1133], %swap3A_1136 {strides = array<i32>} : memref<512xf32, #tpu.memory_space<vmem>>, vector<16xf32>,
    %add3A_1137 = arith.constant 0 : i32
    %add3A_1138 = arith.addi %add3A_1137, %mul3A_2 : i32
    "tpu.region"() ({
      %run_scoped3A = tpu.sem_alloc : memref<!tpu.dma_semaphore, #tpu.memory_space<semaphore_mem>>
      %dma_start3A = arith.constant 0 : i32
      %dma_start3A_1153 = tpu.memref_slice %arg5[%dma_start3A] : memref<512xf32, #tpu.memory_space<vmem>> -> memref<64xf32, #tpu.memory_space<vmem>>
      %dma_start3A_1154 = tpu.memref_slice %arg3[%add3A_1138] : memref<16384xf32, #tpu.memory_space<hbm>> -> memref<64xf32, #tpu.memory_space<hbm>>
      %dma_start3A_1155 = tpu.memref_slice %arg3[%add3A_1138] : memref<16384xf32, #tpu.memory_space<hbm>> -> memref<64xf32, #tpu.memory_space<hbm>>
      %dma_start3A_1156 = arith.constant 0 : i32
      %dma_start3A_1157 = tpu.memref_slice %arg5[%dma_start3A_1156] : memref<512xf32, #tpu.memory_space<vmem>> -> memref<64xf32, #tpu.memory_space<vmem>>
      tpu.enqueue_dma source(%dma_start3A_1157 : memref<64xf32, #tpu.memory_space<vmem>>) target(%dma_start3A_1155 : memref<64xf32, #tpu.memory_space<hbm>>) target_semaphore(%run_scoped3A : memref<!tpu.dma_semaphore, #tpu.memory_space<semaphore_mem>>)
      %dma_wait3A = arith.constant 0 : i32
      %dma_wait3A_1158 = tpu.memref_slice %arg5[%dma_wait3A] : memref<512xf32, #tpu.memory_space<vmem>> -> memref<64xf32, #tpu.memory_space<vmem>>
      %dma_wait3A_1159 = tpu.memref_slice %arg3[%add3A_1138] : memref<16384xf32, #tpu.memory_space<hbm>> -> memref<64xf32, #tpu.memory_space<hbm>>
      %dma_wait3A_1160 = tpu.memref_slice %arg3[%add3A_1138] : memref<16384xf32, #tpu.memory_space<hbm>> -> memref<64xf32, #tpu.memory_space<hbm>>
      %dma_wait3A_1161 = arith.constant 0 : i32
      %dma_wait3A_1162 = tpu.memref_slice %arg5[%dma_wait3A_1161] : memref<512xf32, #tpu.memory_space<vmem>> -> memref<64xf32, #tpu.memory_space<vmem>>
      tpu.wait_dma2 semaphore(%run_scoped3A : memref<!tpu.dma_semaphore, #tpu.memory_space<semaphore_mem>>) src(%dma_wait3A_1162 : memref<64xf32, #tpu.memory_space<vmem>>) dst(%dma_wait3A_1160 : memref<64xf32, #tpu.memory_space<hbm>>)
      tpu.yield
    }) : () -> ()
    %add3A_1139 = arith.constant 2048 : i32
    %add3A_1140 = arith.addi %add3A_1139, %mul3A_2 : i32
    "tpu.region"() ({
      %run_scoped3A = tpu.sem_alloc : memref<!tpu.dma_semaphore, #tpu.memory_space<semaphore_mem>>
      %dma_start3A = arith.constant 64 : i32
      %dma_start3A_1153 = tpu.memref_slice %arg5[%dma_start3A] : memref<512xf32, #tpu.memory_space<vmem>> -> memref<64xf32, #tpu.memory_space<vmem>>
      %dma_start3A_1154 = tpu.memref_slice %arg3[%add3A_1140] : memref<16384xf32, #tpu.memory_space<hbm>> -> memref<64xf32, #tpu.memory_space<hbm>>
      %dma_start3A_1155 = tpu.memref_slice %arg3[%add3A_1140] : memref<16384xf32, #tpu.memory_space<hbm>> -> memref<64xf32, #tpu.memory_space<hbm>>
      %dma_start3A_1156 = arith.constant 64 : i32
      %dma_start3A_1157 = tpu.memref_slice %arg5[%dma_start3A_1156] : memref<512xf32, #tpu.memory_space<vmem>> -> memref<64xf32, #tpu.memory_space<vmem>>
      tpu.enqueue_dma source(%dma_start3A_1157 : memref<64xf32, #tpu.memory_space<vmem>>) target(%dma_start3A_1155 : memref<64xf32, #tpu.memory_space<hbm>>) target_semaphore(%run_scoped3A : memref<!tpu.dma_semaphore, #tpu.memory_space<semaphore_mem>>)
      %dma_wait3A = arith.constant 64 : i32
      %dma_wait3A_1158 = tpu.memref_slice %arg5[%dma_wait3A] : memref<512xf32, #tpu.memory_space<vmem>> -> memref<64xf32, #tpu.memory_space<vmem>>
      %dma_wait3A_1159 = tpu.memref_slice %arg3[%add3A_1140] : memref<16384xf32, #tpu.memory_space<hbm>> -> memref<64xf32, #tpu.memory_space<hbm>>
      %dma_wait3A_1160 = tpu.memref_slice %arg3[%add3A_1140] : memref<16384xf32, #tpu.memory_space<hbm>> -> memref<64xf32, #tpu.memory_space<hbm>>
      %dma_wait3A_1161 = arith.constant 64 : i32
      %dma_wait3A_1162 = tpu.memref_slice %arg5[%dma_wait3A_1161] : memref<512xf32, #tpu.memory_space<vmem>> -> memref<64xf32, #tpu.memory_space<vmem>>
      tpu.wait_dma2 semaphore(%run_scoped3A : memref<!tpu.dma_semaphore, #tpu.memory_space<semaphore_mem>>) src(%dma_wait3A_1162 : memref<64xf32, #tpu.memory_space<vmem>>) dst(%dma_wait3A_1160 : memref<64xf32, #tpu.memory_space<hbm>>)
      tpu.yield
    }) : () -> ()
    %add3A_1141 = arith.constant 4096 : i32
    %add3A_1142 = arith.addi %add3A_1141, %mul3A_2 : i32
    "tpu.region"() ({
      %run_scoped3A = tpu.sem_alloc : memref<!tpu.dma_semaphore, #tpu.memory_space<semaphore_mem>>
      %dma_start3A = arith.constant 128 : i32
      %dma_start3A_1153 = tpu.memref_slice %arg5[%dma_start3A] : memref<512xf32, #tpu.memory_space<vmem>> -> memref<64xf32, #tpu.memory_space<vmem>>
      %dma_start3A_1154 = tpu.memref_slice %arg3[%add3A_1142] : memref<16384xf32, #tpu.memory_space<hbm>> -> memref<64xf32, #tpu.memory_space<hbm>>
      %dma_start3A_1155 = tpu.memref_slice %arg3[%add3A_1142] : memref<16384xf32, #tpu.memory_space<hbm>> -> memref<64xf32, #tpu.memory_space<hbm>>
      %dma_start3A_1156 = arith.constant 128 : i32
      %dma_start3A_1157 = tpu.memref_slice %arg5[%dma_start3A_1156] : memref<512xf32, #tpu.memory_space<vmem>> -> memref<64xf32, #tpu.memory_space<vmem>>
      tpu.enqueue_dma source(%dma_start3A_1157 : memref<64xf32, #tpu.memory_space<vmem>>) target(%dma_start3A_1155 : memref<64xf32, #tpu.memory_space<hbm>>) target_semaphore(%run_scoped3A : memref<!tpu.dma_semaphore, #tpu.memory_space<semaphore_mem>>)
      %dma_wait3A = arith.constant 128 : i32
      %dma_wait3A_1158 = tpu.memref_slice %arg5[%dma_wait3A] : memref<512xf32, #tpu.memory_space<vmem>> -> memref<64xf32, #tpu.memory_space<vmem>>
      %dma_wait3A_1159 = tpu.memref_slice %arg3[%add3A_1142] : memref<16384xf32, #tpu.memory_space<hbm>> -> memref<64xf32, #tpu.memory_space<hbm>>
      %dma_wait3A_1160 = tpu.memref_slice %arg3[%add3A_1142] : memref<16384xf32, #tpu.memory_space<hbm>> -> memref<64xf32, #tpu.memory_space<hbm>>
      %dma_wait3A_1161 = arith.constant 128 : i32
      %dma_wait3A_1162 = tpu.memref_slice %arg5[%dma_wait3A_1161] : memref<512xf32, #tpu.memory_space<vmem>> -> memref<64xf32, #tpu.memory_space<vmem>>
      tpu.wait_dma2 semaphore(%run_scoped3A : memref<!tpu.dma_semaphore, #tpu.memory_space<semaphore_mem>>) src(%dma_wait3A_1162 : memref<64xf32, #tpu.memory_space<vmem>>) dst(%dma_wait3A_1160 : memref<64xf32, #tpu.memory_space<hbm>>)
      tpu.yield
    }) : () -> ()
    %add3A_1143 = arith.constant 6144 : i32
    %add3A_1144 = arith.addi %add3A_1143, %mul3A_2 : i32
    "tpu.region"() ({
      %run_scoped3A = tpu.sem_alloc : memref<!tpu.dma_semaphore, #tpu.memory_space<semaphore_mem>>
      %dma_start3A = arith.constant 192 : i32
      %dma_start3A_1153 = tpu.memref_slice %arg5[%dma_start3A] : memref<512xf32, #tpu.memory_space<vmem>> -> memref<64xf32, #tpu.memory_space<vmem>>
      %dma_start3A_1154 = tpu.memref_slice %arg3[%add3A_1144] : memref<16384xf32, #tpu.memory_space<hbm>> -> memref<64xf32, #tpu.memory_space<hbm>>
      %dma_start3A_1155 = tpu.memref_slice %arg3[%add3A_1144] : memref<16384xf32, #tpu.memory_space<hbm>> -> memref<64xf32, #tpu.memory_space<hbm>>
      %dma_start3A_1156 = arith.constant 192 : i32
      %dma_start3A_1157 = tpu.memref_slice %arg5[%dma_start3A_1156] : memref<512xf32, #tpu.memory_space<vmem>> -> memref<64xf32, #tpu.memory_space<vmem>>
      tpu.enqueue_dma source(%dma_start3A_1157 : memref<64xf32, #tpu.memory_space<vmem>>) target(%dma_start3A_1155 : memref<64xf32, #tpu.memory_space<hbm>>) target_semaphore(%run_scoped3A : memref<!tpu.dma_semaphore, #tpu.memory_space<semaphore_mem>>)
      %dma_wait3A = arith.constant 192 : i32
      %dma_wait3A_1158 = tpu.memref_slice %arg5[%dma_wait3A] : memref<512xf32, #tpu.memory_space<vmem>> -> memref<64xf32, #tpu.memory_space<vmem>>
      %dma_wait3A_1159 = tpu.memref_slice %arg3[%add3A_1144] : memref<16384xf32, #tpu.memory_space<hbm>> -> memref<64xf32, #tpu.memory_space<hbm>>
      %dma_wait3A_1160 = tpu.memref_slice %arg3[%add3A_1144] : memref<16384xf32, #tpu.memory_space<hbm>> -> memref<64xf32, #tpu.memory_space<hbm>>
      %dma_wait3A_1161 = arith.constant 192 : i32
      %dma_wait3A_1162 = tpu.memref_slice %arg5[%dma_wait3A_1161] : memref<512xf32, #tpu.memory_space<vmem>> -> memref<64xf32, #tpu.memory_space<vmem>>
      tpu.wait_dma2 semaphore(%run_scoped3A : memref<!tpu.dma_semaphore, #tpu.memory_space<semaphore_mem>>) src(%dma_wait3A_1162 : memref<64xf32, #tpu.memory_space<vmem>>) dst(%dma_wait3A_1160 : memref<64xf32, #tpu.memory_space<hbm>>)
      tpu.yield
    }) : () -> ()
    %add3A_1145 = arith.constant 8192 : i32
    %add3A_1146 = arith.addi %add3A_1145, %mul3A_2 : i32
    "tpu.region"() ({
      %run_scoped3A = tpu.sem_alloc : memref<!tpu.dma_semaphore, #tpu.memory_space<semaphore_mem>>
      %dma_start3A = arith.constant 256 : i32
      %dma_start3A_1153 = tpu.memref_slice %arg5[%dma_start3A] : memref<512xf32, #tpu.memory_space<vmem>> -> memref<64xf32, #tpu.memory_space<vmem>>
      %dma_start3A_1154 = tpu.memref_slice %arg3[%add3A_1146] : memref<16384xf32, #tpu.memory_space<hbm>> -> memref<64xf32, #tpu.memory_space<hbm>>
      %dma_start3A_1155 = tpu.memref_slice %arg3[%add3A_1146] : memref<16384xf32, #tpu.memory_space<hbm>> -> memref<64xf32, #tpu.memory_space<hbm>>
      %dma_start3A_1156 = arith.constant 256 : i32
      %dma_start3A_1157 = tpu.memref_slice %arg5[%dma_start3A_1156] : memref<512xf32, #tpu.memory_space<vmem>> -> memref<64xf32, #tpu.memory_space<vmem>>
      tpu.enqueue_dma source(%dma_start3A_1157 : memref<64xf32, #tpu.memory_space<vmem>>) target(%dma_start3A_1155 : memref<64xf32, #tpu.memory_space<hbm>>) target_semaphore(%run_scoped3A : memref<!tpu.dma_semaphore, #tpu.memory_space<semaphore_mem>>)
      %dma_wait3A = arith.constant 256 : i32
      %dma_wait3A_1158 = tpu.memref_slice %arg5[%dma_wait3A] : memref<512xf32, #tpu.memory_space<vmem>> -> memref<64xf32, #tpu.memory_space<vmem>>
      %dma_wait3A_1159 = tpu.memref_slice %arg3[%add3A_1146] : memref<16384xf32, #tpu.memory_space<hbm>> -> memref<64xf32, #tpu.memory_space<hbm>>
      %dma_wait3A_1160 = tpu.memref_slice %arg3[%add3A_1146] : memref<16384xf32, #tpu.memory_space<hbm>> -> memref<64xf32, #tpu.memory_space<hbm>>
      %dma_wait3A_1161 = arith.constant 256 : i32
      %dma_wait3A_1162 = tpu.memref_slice %arg5[%dma_wait3A_1161] : memref<512xf32, #tpu.memory_space<vmem>> -> memref<64xf32, #tpu.memory_space<vmem>>
      tpu.wait_dma2 semaphore(%run_scoped3A : memref<!tpu.dma_semaphore, #tpu.memory_space<semaphore_mem>>) src(%dma_wait3A_1162 : memref<64xf32, #tpu.memory_space<vmem>>) dst(%dma_wait3A_1160 : memref<64xf32, #tpu.memory_space<hbm>>)
      tpu.yield
    }) : () -> ()
    %add3A_1147 = arith.constant 10240 : i32
    %add3A_1148 = arith.addi %add3A_1147, %mul3A_2 : i32
    "tpu.region"() ({
      %run_scoped3A = tpu.sem_alloc : memref<!tpu.dma_semaphore, #tpu.memory_space<semaphore_mem>>
      %dma_start3A = arith.constant 320 : i32
      %dma_start3A_1153 = tpu.memref_slice %arg5[%dma_start3A] : memref<512xf32, #tpu.memory_space<vmem>> -> memref<64xf32, #tpu.memory_space<vmem>>
      %dma_start3A_1154 = tpu.memref_slice %arg3[%add3A_1148] : memref<16384xf32, #tpu.memory_space<hbm>> -> memref<64xf32, #tpu.memory_space<hbm>>
      %dma_start3A_1155 = tpu.memref_slice %arg3[%add3A_1148] : memref<16384xf32, #tpu.memory_space<hbm>> -> memref<64xf32, #tpu.memory_space<hbm>>
      %dma_start3A_1156 = arith.constant 320 : i32
      %dma_start3A_1157 = tpu.memref_slice %arg5[%dma_start3A_1156] : memref<512xf32, #tpu.memory_space<vmem>> -> memref<64xf32, #tpu.memory_space<vmem>>
      tpu.enqueue_dma source(%dma_start3A_1157 : memref<64xf32, #tpu.memory_space<vmem>>) target(%dma_start3A_1155 : memref<64xf32, #tpu.memory_space<hbm>>) target_semaphore(%run_scoped3A : memref<!tpu.dma_semaphore, #tpu.memory_space<semaphore_mem>>)
      %dma_wait3A = arith.constant 320 : i32
      %dma_wait3A_1158 = tpu.memref_slice %arg5[%dma_wait3A] : memref<512xf32, #tpu.memory_space<vmem>> -> memref<64xf32, #tpu.memory_space<vmem>>
      %dma_wait3A_1159 = tpu.memref_slice %arg3[%add3A_1148] : memref<16384xf32, #tpu.memory_space<hbm>> -> memref<64xf32, #tpu.memory_space<hbm>>
      %dma_wait3A_1160 = tpu.memref_slice %arg3[%add3A_1148] : memref<16384xf32, #tpu.memory_space<hbm>> -> memref<64xf32, #tpu.memory_space<hbm>>
      %dma_wait3A_1161 = arith.constant 320 : i32
      %dma_wait3A_1162 = tpu.memref_slice %arg5[%dma_wait3A_1161] : memref<512xf32, #tpu.memory_space<vmem>> -> memref<64xf32, #tpu.memory_space<vmem>>
      tpu.wait_dma2 semaphore(%run_scoped3A : memref<!tpu.dma_semaphore, #tpu.memory_space<semaphore_mem>>) src(%dma_wait3A_1162 : memref<64xf32, #tpu.memory_space<vmem>>) dst(%dma_wait3A_1160 : memref<64xf32, #tpu.memory_space<hbm>>)
      tpu.yield
    }) : () -> ()
    %add3A_1149 = arith.constant 12288 : i32
    %add3A_1150 = arith.addi %add3A_1149, %mul3A_2 : i32
    "tpu.region"() ({
      %run_scoped3A = tpu.sem_alloc : memref<!tpu.dma_semaphore, #tpu.memory_space<semaphore_mem>>
      %dma_start3A = arith.constant 384 : i32
      %dma_start3A_1153 = tpu.memref_slice %arg5[%dma_start3A] : memref<512xf32, #tpu.memory_space<vmem>> -> memref<64xf32, #tpu.memory_space<vmem>>
      %dma_start3A_1154 = tpu.memref_slice %arg3[%add3A_1150] : memref<16384xf32, #tpu.memory_space<hbm>> -> memref<64xf32, #tpu.memory_space<hbm>>
      %dma_start3A_1155 = tpu.memref_slice %arg3[%add3A_1150] : memref<16384xf32, #tpu.memory_space<hbm>> -> memref<64xf32, #tpu.memory_space<hbm>>
      %dma_start3A_1156 = arith.constant 384 : i32
      %dma_start3A_1157 = tpu.memref_slice %arg5[%dma_start3A_1156] : memref<512xf32, #tpu.memory_space<vmem>> -> memref<64xf32, #tpu.memory_space<vmem>>
      tpu.enqueue_dma source(%dma_start3A_1157 : memref<64xf32, #tpu.memory_space<vmem>>) target(%dma_start3A_1155 : memref<64xf32, #tpu.memory_space<hbm>>) target_semaphore(%run_scoped3A : memref<!tpu.dma_semaphore, #tpu.memory_space<semaphore_mem>>)
      %dma_wait3A = arith.constant 384 : i32
      %dma_wait3A_1158 = tpu.memref_slice %arg5[%dma_wait3A] : memref<512xf32, #tpu.memory_space<vmem>> -> memref<64xf32, #tpu.memory_space<vmem>>
      %dma_wait3A_1159 = tpu.memref_slice %arg3[%add3A_1150] : memref<16384xf32, #tpu.memory_space<hbm>> -> memref<64xf32, #tpu.memory_space<hbm>>
      %dma_wait3A_1160 = tpu.memref_slice %arg3[%add3A_1150] : memref<16384xf32, #tpu.memory_space<hbm>> -> memref<64xf32, #tpu.memory_space<hbm>>
      %dma_wait3A_1161 = arith.constant 384 : i32
      %dma_wait3A_1162 = tpu.memref_slice %arg5[%dma_wait3A_1161] : memref<512xf32, #tpu.memory_space<vmem>> -> memref<64xf32, #tpu.memory_space<vmem>>
      tpu.wait_dma2 semaphore(%run_scoped3A : memref<!tpu.dma_semaphore, #tpu.memory_space<semaphore_mem>>) src(%dma_wait3A_1162 : memref<64xf32, #tpu.memory_space<vmem>>) dst(%dma_wait3A_1160 : memref<64xf32, #tpu.memory_space<hbm>>)
      tpu.yield
    }) : () -> ()
    %add3A_1151 = arith.constant 14336 : i32
    %add3A_1152 = arith.addi %add3A_1151, %mul3A_2 : i32
    "tpu.region"() ({
      %run_scoped3A = tpu.sem_alloc : memref<!tpu.dma_semaphore, #tpu.memory_space<semaphore_mem>>
      %dma_start3A = arith.constant 448 : i32
      %dma_start3A_1153 = tpu.memref_slice %arg5[%dma_start3A] : memref<512xf32, #tpu.memory_space<vmem>> -> memref<64xf32, #tpu.memory_space<vmem>>
      %dma_start3A_1154 = tpu.memref_slice %arg3[%add3A_1152] : memref<16384xf32, #tpu.memory_space<hbm>> -> memref<64xf32, #tpu.memory_space<hbm>>
      %dma_start3A_1155 = tpu.memref_slice %arg3[%add3A_1152] : memref<16384xf32, #tpu.memory_space<hbm>> -> memref<64xf32, #tpu.memory_space<hbm>>
      %dma_start3A_1156 = arith.constant 448 : i32
      %dma_start3A_1157 = tpu.memref_slice %arg5[%dma_start3A_1156] : memref<512xf32, #tpu.memory_space<vmem>> -> memref<64xf32, #tpu.memory_space<vmem>>
      tpu.enqueue_dma source(%dma_start3A_1157 : memref<64xf32, #tpu.memory_space<vmem>>) target(%dma_start3A_1155 : memref<64xf32, #tpu.memory_space<hbm>>) target_semaphore(%run_scoped3A : memref<!tpu.dma_semaphore, #tpu.memory_space<semaphore_mem>>)
      %dma_wait3A = arith.constant 448 : i32
      %dma_wait3A_1158 = tpu.memref_slice %arg5[%dma_wait3A] : memref<512xf32, #tpu.memory_space<vmem>> -> memref<64xf32, #tpu.memory_space<vmem>>
      %dma_wait3A_1159 = tpu.memref_slice %arg3[%add3A_1152] : memref<16384xf32, #tpu.memory_space<hbm>> -> memref<64xf32, #tpu.memory_space<hbm>>
      %dma_wait3A_1160 = tpu.memref_slice %arg3[%add3A_1152] : memref<16384xf32, #tpu.memory_space<hbm>> -> memref<64xf32, #tpu.memory_space<hbm>>
      %dma_wait3A_1161 = arith.constant 448 : i32
      %dma_wait3A_1162 = tpu.memref_slice %arg5[%dma_wait3A_1161] : memref<512xf32, #tpu.memory_space<vmem>> -> memref<64xf32, #tpu.memory_space<vmem>>
      tpu.wait_dma2 semaphore(%run_scoped3A : memref<!tpu.dma_semaphore, #tpu.memory_space<semaphore_mem>>) src(%dma_wait3A_1162 : memref<64xf32, #tpu.memory_space<vmem>>) dst(%dma_wait3A_1160 : memref<64xf32, #tpu.memory_space<hbm>>)
      tpu.yield
    }) : () -> ()
    return
  }
}

module attributes {stable_mosaic.version = 14 : i64} {
  func.func @_attn_kernel(%arg0: i32, %arg1: i32, %arg2: memref<1x1024x64xbf16, #tpu.memory_space<vmem>>, %arg3: memref<1x2048x64xbf16, #tpu.memory_space<vmem>>, %arg4: memref<1x2048x64xbf16, #tpu.memory_space<vmem>>, %arg5: memref<1x1024x64xbf16, #tpu.memory_space<vmem>>) attributes {dimension_semantics = [#tpu.dimension_semantics<arbitrary>, #tpu.dimension_semantics<arbitrary>], iteration_bounds = array<i64: 12, 1>, scalar_prefetch = 0 : i64, scratch_operands = 0 : i64, tpu.core_type = #tpu.core_type<tc>, window_params = [{transform_indices = @transform_0, window_bounds = array<i64: 1, 1024, 64>}, {transform_indices = @transform_1, window_bounds = array<i64: 1, 2048, 64>}, {transform_indices = @transform_2, window_bounds = array<i64: 1, 2048, 64>}, {transform_indices = @transform_3, window_bounds = array<i64: 1, 1024, 64>}]} {
    %get3A = arith.constant 0 : index
    %get3A_0 = arith.constant 0 : index
    %get3A_1 = arith.constant 0 : index
    %get3A_2 = vector.load %arg2[%get3A, %get3A_0, %get3A_1] : memref<1x1024x64xbf16, #tpu.memory_space<vmem>>, vector<1x1024x64xbf16>
    %get3A_3 = vector.shape_cast %get3A_2 : vector<1x1024x64xbf16> to vector<1024x64xbf16>
    %get3A_4 = arith.constant 0 : index
    %get3A_5 = arith.constant 0 : index
    %get3A_6 = arith.constant 0 : index
    %get3A_7 = vector.load %arg3[%get3A_4, %get3A_5, %get3A_6] : memref<1x2048x64xbf16, #tpu.memory_space<vmem>>, vector<1x2048x64xbf16>
    %get3A_8 = vector.shape_cast %get3A_7 : vector<1x2048x64xbf16> to vector<2048x64xbf16>
    %dot_general3A = arith.constant dense<0.000000e+00> : vector<1024x2048xf32>
    %dot_general3A_9 = tpu.matmul %get3A_3, %get3A_8, %dot_general3A {dimension_numbers = #tpu.dot_dimension_numbers<[1], [1], [0], [0], [0, 0, 1, 0], [], []>, transpose_lhs_hint = false} : vector<1024x64xbf16>, vector<2048x64xbf16>, vector<1024x2048xf32> -> vector<1024x2048xf32>
    %jit3A = arith.constant -6.000000e+01 : f32
    %jit3A_10 = arith.constant 6.000000e+01 : f32
    %max3A = vector.broadcast %jit3A : f32 to vector<1024x2048xf32>
    %max3A_11 = arith.maximumf %max3A, %dot_general3A_9 : vector<1024x2048xf32>
    %min3A = vector.broadcast %jit3A_10 : f32 to vector<1024x2048xf32>
    %min3A_12 = arith.minimumf %min3A, %max3A_11 : vector<1024x2048xf32>
    %mul3A = arith.constant 1024 : i32
    %mul3A_13 = arith.muli %arg1, %mul3A : i32
    %add3A = arith.constant 1024 : i32
    %add3A_14 = arith.addi %add3A, %mul3A_13 : i32
    %iota3A = tpu.iota {dimensions = array<i32: 0>} : vector<1024x2048xi32>
    %add3A_15 = vector.broadcast %add3A_14 : i32 to vector<1024x2048xi32>
    %add3A_16 = arith.addi %add3A_15, %iota3A : vector<1024x2048xi32>
    %iota3A_17 = tpu.iota {dimensions = array<i32: 1>} : vector<1024x2048xi32>
    %le3A = arith.cmpi sle, %iota3A_17, %add3A_16 : vector<1024x2048xi32>
    %exp3A = math.exp %min3A_12 : vector<1024x2048xf32>
    %jit3A_18 = arith.constant 0.000000e+00 : f32
    %broadcast_in_dim3A = vector.broadcast %jit3A_18 : f32 to vector<1024x2048xf32>
    %select_n3A = arith.select %le3A, %exp3A, %broadcast_in_dim3A : vector<1024x2048xi1>, vector<1024x2048xf32>
    %reduce_sum3A = arith.constant dense<0.000000e+00> : vector<1024xf32>
    %reduce_sum3A_19 = vector.multi_reduction <add>, %select_n3A, %reduce_sum3A [1] : vector<1024x2048xf32> to vector<1024xf32>
    %broadcast_in_dim3A_20 = vector.shape_cast %reduce_sum3A_19 : vector<1024xf32> to vector<1024x1xf32>
    %convert_element_type3A = arith.truncf %select_n3A : vector<1024x2048xf32> to vector<1024x2048xbf16>
    %get3A_21 = arith.constant 0 : index
    %get3A_22 = arith.constant 0 : index
    %get3A_23 = arith.constant 0 : index
    %get3A_24 = vector.load %arg4[%get3A_21, %get3A_22, %get3A_23] : memref<1x2048x64xbf16, #tpu.memory_space<vmem>>, vector<1x2048x64xbf16>
    %get3A_25 = vector.shape_cast %get3A_24 : vector<1x2048x64xbf16> to vector<2048x64xbf16>
    %dot_general3A_26 = arith.constant dense<0.000000e+00> : vector<1024x64xf32>
    %dot_general3A_27 = tpu.matmul %convert_element_type3A, %get3A_25, %dot_general3A_26 {dimension_numbers = #tpu.dot_dimension_numbers<[1], [0], [0], [1], [0, 0, 1, 1], [], []>, transpose_lhs_hint = false} : vector<1024x2048xbf16>, vector<2048x64xbf16>, vector<1024x64xf32> -> vector<1024x64xf32>
    %div3A = vector.broadcast %broadcast_in_dim3A_20 : vector<1024x1xf32> to vector<1024x64xf32>
    %div3A_28 = arith.divf %dot_general3A_27, %div3A : vector<1024x64xf32>
    %convert_element_type3A_29 = arith.truncf %div3A_28 : vector<1024x64xf32> to vector<1024x64xbf16>
    %swap3A = arith.constant 0 : index
    %swap3A_30 = arith.constant 0 : index
    %swap3A_31 = arith.constant 0 : index
    %swap3A_32 = vector.load %arg5[%swap3A, %swap3A_30, %swap3A_31] : memref<1x1024x64xbf16, #tpu.memory_space<vmem>>, vector<1x1024x64xbf16>
    %swap3A_33 = vector.shape_cast %swap3A_32 : vector<1x1024x64xbf16> to vector<1024x64xbf16>
    %swap3A_34 = vector.shape_cast %convert_element_type3A_29 : vector<1024x64xbf16> to vector<1x1024x64xbf16>
    tpu.vector_store %arg5[%swap3A, %swap3A_30, %swap3A_31], %swap3A_34 {strides = array<i32>} : memref<1x1024x64xbf16, #tpu.memory_space<vmem>>, vector<1x1024x64xbf16>,
    return
  }
  func.func @transform_0(%arg0: i32, %arg1: i32) -> (i32, i32, i32) {
    %add3A = arith.constant 1 : i32
    %add3A_0 = arith.addi %arg1, %add3A : i32
    %c0_i32 = arith.constant 0 : i32
    %c0_i32_1 = arith.constant 0 : i32
    return %arg0, %add3A_0, %c0_i32 : i32, i32, i32
  }
  func.func @transform_1(%arg0: i32, %arg1: i32) -> (i32, i32, i32) {
    %c0_i32 = arith.constant 0 : i32
    %c0_i32_0 = arith.constant 0 : i32
    %c0_i32_1 = arith.constant 0 : i32
    return %arg0, %c0_i32, %c0_i32_0 : i32, i32, i32
  }
  func.func @transform_2(%arg0: i32, %arg1: i32) -> (i32, i32, i32) {
    %c0_i32 = arith.constant 0 : i32
    %c0_i32_0 = arith.constant 0 : i32
    %c0_i32_1 = arith.constant 0 : i32
    return %arg0, %c0_i32, %c0_i32_0 : i32, i32, i32
  }
  func.func @transform_3(%arg0: i32, %arg1: i32) -> (i32, i32, i32) {
    %c0_i32 = arith.constant 0 : i32
    %c0_i32_0 = arith.constant 0 : i32
    return %arg0, %arg1, %c0_i32 : i32, i32, i32
  }
}

module attributes {stable_mosaic.version = 14 : i64} {
  func.func @_proj_kernel(%arg0: i32, %arg1: memref<512x768xf32, #tpu.memory_space<vmem>>, %arg2: memref<3072x768xbf16, #tpu.memory_space<vmem>>, %arg3: memref<8x768xf32, #tpu.memory_space<vmem>>, %arg4: memref<512x768xf32, #tpu.memory_space<vmem>>, %arg5: memref<512x768xf32, #tpu.memory_space<vmem>>, %arg6: memref<512x768xbf16, #tpu.memory_space<vmem>>, %arg7: memref<12x512x64xbf16, #tpu.memory_space<vmem>>, %arg8: memref<12x512x64xbf16, #tpu.memory_space<vmem>>, %arg9: memref<12x512x64xbf16, #tpu.memory_space<vmem>>, %arg10: memref<8x512xf32, #tpu.memory_space<vmem>>) attributes {dimension_semantics = [#tpu.dimension_semantics<arbitrary>], iteration_bounds = array<i64: 4>, scalar_prefetch = 0 : i64, scratch_operands = 0 : i64, tpu.core_type = #tpu.core_type<tc>, window_params = [{transform_indices = @transform_0, window_bounds = array<i64: 512, 768>}, {pipeline_mode = #tpu.pipeline_mode<synchronous>, transform_indices = @transform_1, window_bounds = array<i64: 3072, 768>}, {pipeline_mode = #tpu.pipeline_mode<synchronous>, transform_indices = @transform_2, window_bounds = array<i64: 8, 768>}, {transform_indices = @transform_3, window_bounds = array<i64: 512, 768>}, {transform_indices = @transform_4, window_bounds = array<i64: 512, 768>}, {transform_indices = @transform_5, window_bounds = array<i64: 512, 768>}, {transform_indices = @transform_6, window_bounds = array<i64: 12, 512, 64>}, {transform_indices = @transform_7, window_bounds = array<i64: 12, 512, 64>}, {transform_indices = @transform_8, window_bounds = array<i64: 12, 512, 64>}, {transform_indices = @transform_9, window_bounds = array<i64: 8, 512>}]} {
    %get3A = arith.constant 0 : index
    %get3A_0 = arith.constant 0 : index
    %get3A_1 = vector.load %arg1[%get3A, %get3A_0] : memref<512x768xf32, #tpu.memory_space<vmem>>, vector<512x768xf32>
    %convert_element_type3A = arith.truncf %get3A_1 : vector<512x768xf32> to vector<512x768xbf16>
    %get3A_2 = arith.constant 0 : index
    %get3A_3 = arith.constant 0 : index
    %get3A_4 = vector.load %arg2[%get3A_2, %get3A_3] : memref<3072x768xbf16, #tpu.memory_space<vmem>>, vector<3072x768xbf16>
    %dot_general3A = arith.constant dense<0.000000e+00> : vector<512x3072xf32>
    %dot_general3A_5 = tpu.matmul %convert_element_type3A, %get3A_4, %dot_general3A {dimension_numbers = #tpu.dot_dimension_numbers<[1], [1], [0], [0], [0, 0, 1, 0], [], []>, transpose_lhs_hint = false} : vector<512x768xbf16>, vector<3072x768xbf16>, vector<512x3072xf32> -> vector<512x3072xf32>
    %slice3A = vector.extract_strided_slice %dot_general3A_5 {offsets = [0, 0], sizes = [512, 768], strides = [1, 1]} : vector<512x3072xf32> to vector<512x768xf32>
    %convert_element_type3A_6 = arith.truncf %slice3A : vector<512x768xf32> to vector<512x768xbf16>
    %swap3A = arith.constant 0 : index
    %swap3A_7 = arith.constant 0 : index
    %swap3A_8 = vector.load %arg6[%swap3A, %swap3A_7] : memref<512x768xbf16, #tpu.memory_space<vmem>>, vector<512x768xbf16>
    tpu.vector_store %arg6[%swap3A, %swap3A_7], %convert_element_type3A_6 {strides = array<i32>} : memref<512x768xbf16, #tpu.memory_space<vmem>>, vector<512x768xbf16>,
    %get3A_9 = arith.constant 0 : index
    %get3A_10 = arith.constant 0 : index
    %get3A_11 = vector.load %arg4[%get3A_9, %get3A_10] : memref<512x768xf32, #tpu.memory_space<vmem>>, vector<512x768xf32>
    %get3A_12 = arith.constant 0 : index
    %get3A_13 = arith.constant 0 : index
    %get3A_14 = vector.load %arg5[%get3A_12, %get3A_13] : memref<512x768xf32, #tpu.memory_space<vmem>>, vector<512x768xf32>
    %slice3A_15 = vector.extract_strided_slice %dot_general3A_5 {offsets = [0, 768], sizes = [512, 768], strides = [1, 1]} : vector<512x3072xf32> to vector<512x768xf32>
    %iota3A = tpu.iota {dimensions = array<i32: 1>} : vector<512x768xi32>
    %jit3A = arith.constant 64 : i32
    %eq3A = arith.constant 0 : i32
    %eq3A_16 = arith.cmpi eq, %jit3A, %eq3A : i32
    %jit3A_17 = arith.constant 1 : i32
    %select_n3A = arith.select %eq3A_16, %jit3A_17, %jit3A : i32
    %rem3A = vector.broadcast %select_n3A : i32 to vector<512x768xi32>
    %rem3A_18 = arith.remsi %iota3A, %rem3A : vector<512x768xi32>
    %ne3A = arith.constant 0 : i32
    %ne3A_19 = vector.broadcast %ne3A : i32 to vector<512x768xi32>
    %ne3A_20 = arith.cmpi ne, %rem3A_18, %ne3A_19 : vector<512x768xi32>
    %lt3A = arith.constant 0 : i32
    %lt3A_21 = vector.broadcast %lt3A : i32 to vector<512x768xi32>
    %lt3A_22 = arith.cmpi slt, %rem3A_18, %lt3A_21 : vector<512x768xi32>
    %lt3A_23 = arith.constant 0 : i32
    %lt3A_24 = arith.cmpi slt, %select_n3A, %lt3A_23 : i32
    %ne3A_25 = vector.broadcast %lt3A_24 : i1 to vector<512x768xi1>
    %ne3A_26 = vector.broadcast %ne3A_25 : vector<512x768xi1> to vector<512x768xi1>
    %ne3A_27 = arith.xori %lt3A_22, %ne3A_26 : vector<512x768xi1>
    %and3A = arith.andi %ne3A_27, %ne3A_20 : vector<512x768xi1>
    %add3A = vector.broadcast %select_n3A : i32 to vector<512x768xi32>
    %add3A_28 = arith.addi %rem3A_18, %add3A : vector<512x768xi32>
    %select_n3A_29 = arith.select %and3A, %add3A_28, %rem3A_18 : vector<512x768xi1>, vector<512x768xi32>
    %lt3A_30 = arith.constant 32 : i32
    %lt3A_31 = vector.broadcast %lt3A_30 : i32 to vector<512x768xi32>
    %lt3A_32 = arith.cmpi slt, %select_n3A_29, %lt3A_31 : vector<512x768xi32>
    %slice3A_33 = vector.extract_strided_slice %slice3A_15 {offsets = [0, 32], sizes = [512, 736], strides = [1, 1]} : vector<512x768xf32> to vector<512x736xf32>
    %slice3A_34 = vector.extract_strided_slice %slice3A_15 {offsets = [0, 0], sizes = [512, 32], strides = [1, 1]} : vector<512x768xf32> to vector<512x32xf32>
    %concatenate3A = tpu.concatenate %slice3A_33, %slice3A_34 in 1 : vector<512x736xf32>, vector<512x32xf32> -> vector<512x768xf32>
    %slice3A_35 = vector.extract_strided_slice %slice3A_15 {offsets = [0, 736], sizes = [512, 32], strides = [1, 1]} : vector<512x768xf32> to vector<512x32xf32>
    %slice3A_36 = vector.extract_strided_slice %slice3A_15 {offsets = [0, 0], sizes = [512, 736], strides = [1, 1]} : vector<512x768xf32> to vector<512x736xf32>
    %concatenate3A_37 = tpu.concatenate %slice3A_35, %slice3A_36 in 1 : vector<512x32xf32>, vector<512x736xf32> -> vector<512x768xf32>
    %select_n3A_38 = arith.select %lt3A_32, %concatenate3A, %concatenate3A_37 : vector<512x768xi1>, vector<512x768xf32>
    %mul3A = arith.mulf %slice3A_15, %get3A_11 : vector<512x768xf32>
    %mul3A_39 = arith.mulf %select_n3A_38, %get3A_14 : vector<512x768xf32>
    %add3A_40 = arith.addf %mul3A, %mul3A_39 : vector<512x768xf32>
    %mul3A_41 = arith.constant 1.250000e-01 : f32
    %mul3A_42 = vector.broadcast %mul3A_41 : f32 to vector<512x768xf32>
    %mul3A_43 = arith.mulf %add3A_40, %mul3A_42 : vector<512x768xf32>
    %convert_element_type3A_44 = arith.truncf %mul3A_43 : vector<512x768xf32> to vector<512x768xbf16>
    %slice3A_45 = vector.extract_strided_slice %convert_element_type3A_44 {offsets = [0, 0], sizes = [512, 64], strides = [1, 1]} : vector<512x768xbf16> to vector<512x64xbf16>
    %slice3A_46 = vector.extract_strided_slice %convert_element_type3A_44 {offsets = [0, 64], sizes = [512, 64], strides = [1, 1]} : vector<512x768xbf16> to vector<512x64xbf16>
    %slice3A_47 = vector.extract_strided_slice %convert_element_type3A_44 {offsets = [0, 128], sizes = [512, 64], strides = [1, 1]} : vector<512x768xbf16> to vector<512x64xbf16>
    %slice3A_48 = vector.extract_strided_slice %convert_element_type3A_44 {offsets = [0, 192], sizes = [512, 64], strides = [1, 1]} : vector<512x768xbf16> to vector<512x64xbf16>
    %slice3A_49 = vector.extract_strided_slice %convert_element_type3A_44 {offsets = [0, 256], sizes = [512, 64], strides = [1, 1]} : vector<512x768xbf16> to vector<512x64xbf16>
    %slice3A_50 = vector.extract_strided_slice %convert_element_type3A_44 {offsets = [0, 320], sizes = [512, 64], strides = [1, 1]} : vector<512x768xbf16> to vector<512x64xbf16>
    %slice3A_51 = vector.extract_strided_slice %convert_element_type3A_44 {offsets = [0, 384], sizes = [512, 64], strides = [1, 1]} : vector<512x768xbf16> to vector<512x64xbf16>
    %slice3A_52 = vector.extract_strided_slice %convert_element_type3A_44 {offsets = [0, 448], sizes = [512, 64], strides = [1, 1]} : vector<512x768xbf16> to vector<512x64xbf16>
    %slice3A_53 = vector.extract_strided_slice %convert_element_type3A_44 {offsets = [0, 512], sizes = [512, 64], strides = [1, 1]} : vector<512x768xbf16> to vector<512x64xbf16>
    %slice3A_54 = vector.extract_strided_slice %convert_element_type3A_44 {offsets = [0, 576], sizes = [512, 64], strides = [1, 1]} : vector<512x768xbf16> to vector<512x64xbf16>
    %slice3A_55 = vector.extract_strided_slice %convert_element_type3A_44 {offsets = [0, 640], sizes = [512, 64], strides = [1, 1]} : vector<512x768xbf16> to vector<512x64xbf16>
    %slice3A_56 = vector.extract_strided_slice %convert_element_type3A_44 {offsets = [0, 704], sizes = [512, 64], strides = [1, 1]} : vector<512x768xbf16> to vector<512x64xbf16>
    %stack3A = vector.shape_cast %slice3A_45 : vector<512x64xbf16> to vector<1x512x64xbf16>
    %stack3A_57 = vector.shape_cast %slice3A_46 : vector<512x64xbf16> to vector<1x512x64xbf16>
    %stack3A_58 = vector.shape_cast %slice3A_47 : vector<512x64xbf16> to vector<1x512x64xbf16>
    %stack3A_59 = vector.shape_cast %slice3A_48 : vector<512x64xbf16> to vector<1x512x64xbf16>
    %stack3A_60 = vector.shape_cast %slice3A_49 : vector<512x64xbf16> to vector<1x512x64xbf16>
    %stack3A_61 = vector.shape_cast %slice3A_50 : vector<512x64xbf16> to vector<1x512x64xbf16>
    %stack3A_62 = vector.shape_cast %slice3A_51 : vector<512x64xbf16> to vector<1x512x64xbf16>
    %stack3A_63 = vector.shape_cast %slice3A_52 : vector<512x64xbf16> to vector<1x512x64xbf16>
    %stack3A_64 = vector.shape_cast %slice3A_53 : vector<512x64xbf16> to vector<1x512x64xbf16>
    %stack3A_65 = vector.shape_cast %slice3A_54 : vector<512x64xbf16> to vector<1x512x64xbf16>
    %stack3A_66 = vector.shape_cast %slice3A_55 : vector<512x64xbf16> to vector<1x512x64xbf16>
    %stack3A_67 = vector.shape_cast %slice3A_56 : vector<512x64xbf16> to vector<1x512x64xbf16>
    %stack3A_68 = tpu.concatenate %stack3A, %stack3A_57, %stack3A_58, %stack3A_59, %stack3A_60, %stack3A_61, %stack3A_62, %stack3A_63, %stack3A_64, %stack3A_65, %stack3A_66, %stack3A_67 in 0 : vector<1x512x64xbf16>, vector<1x512x64xbf16>, vector<1x512x64xbf16>, vector<1x512x64xbf16>, vector<1x512x64xbf16>, vector<1x512x64xbf16>, vector<1x512x64xbf16>, vector<1x512x64xbf16>, vector<1x512x64xbf16>, vector<1x512x64xbf16>, vector<1x512x64xbf16>, vector<1x512x64xbf16> -> vector<12x512x64xbf16>
    %swap3A_69 = arith.constant 0 : index
    %swap3A_70 = arith.constant 0 : index
    %swap3A_71 = arith.constant 0 : index
    %swap3A_72 = vector.load %arg7[%swap3A_69, %swap3A_70, %swap3A_71] : memref<12x512x64xbf16, #tpu.memory_space<vmem>>, vector<12x512x64xbf16>
    tpu.vector_store %arg7[%swap3A_69, %swap3A_70, %swap3A_71], %stack3A_68 {strides = array<i32>} : memref<12x512x64xbf16, #tpu.memory_space<vmem>>, vector<12x512x64xbf16>,
    %slice3A_73 = vector.extract_strided_slice %dot_general3A_5 {offsets = [0, 1536], sizes = [512, 768], strides = [1, 1]} : vector<512x3072xf32> to vector<512x768xf32>
    %iota3A_74 = tpu.iota {dimensions = array<i32: 1>} : vector<512x768xi32>
    %jit3A_75 = arith.constant 64 : i32
    %eq3A_76 = arith.constant 0 : i32
    %eq3A_77 = arith.cmpi eq, %jit3A_75, %eq3A_76 : i32
    %jit3A_78 = arith.constant 1 : i32
    %select_n3A_79 = arith.select %eq3A_77, %jit3A_78, %jit3A_75 : i32
    %rem3A_80 = vector.broadcast %select_n3A_79 : i32 to vector<512x768xi32>
    %rem3A_81 = arith.remsi %iota3A_74, %rem3A_80 : vector<512x768xi32>
    %ne3A_82 = arith.constant 0 : i32
    %ne3A_83 = vector.broadcast %ne3A_82 : i32 to vector<512x768xi32>
    %ne3A_84 = arith.cmpi ne, %rem3A_81, %ne3A_83 : vector<512x768xi32>
    %lt3A_85 = arith.constant 0 : i32
    %lt3A_86 = vector.broadcast %lt3A_85 : i32 to vector<512x768xi32>
    %lt3A_87 = arith.cmpi slt, %rem3A_81, %lt3A_86 : vector<512x768xi32>
    %lt3A_88 = arith.constant 0 : i32
    %lt3A_89 = arith.cmpi slt, %select_n3A_79, %lt3A_88 : i32
    %ne3A_90 = vector.broadcast %lt3A_89 : i1 to vector<512x768xi1>
    %ne3A_91 = vector.broadcast %ne3A_90 : vector<512x768xi1> to vector<512x768xi1>
    %ne3A_92 = arith.xori %lt3A_87, %ne3A_91 : vector<512x768xi1>
    %and3A_93 = arith.andi %ne3A_92, %ne3A_84 : vector<512x768xi1>
    %add3A_94 = vector.broadcast %select_n3A_79 : i32 to vector<512x768xi32>
    %add3A_95 = arith.addi %rem3A_81, %add3A_94 : vector<512x768xi32>
    %select_n3A_96 = arith.select %and3A_93, %add3A_95, %rem3A_81 : vector<512x768xi1>, vector<512x768xi32>
    %lt3A_97 = arith.constant 32 : i32
    %lt3A_98 = vector.broadcast %lt3A_97 : i32 to vector<512x768xi32>
    %lt3A_99 = arith.cmpi slt, %select_n3A_96, %lt3A_98 : vector<512x768xi32>
    %slice3A_100 = vector.extract_strided_slice %slice3A_73 {offsets = [0, 32], sizes = [512, 736], strides = [1, 1]} : vector<512x768xf32> to vector<512x736xf32>
    %slice3A_101 = vector.extract_strided_slice %slice3A_73 {offsets = [0, 0], sizes = [512, 32], strides = [1, 1]} : vector<512x768xf32> to vector<512x32xf32>
    %concatenate3A_102 = tpu.concatenate %slice3A_100, %slice3A_101 in 1 : vector<512x736xf32>, vector<512x32xf32> -> vector<512x768xf32>
    %slice3A_103 = vector.extract_strided_slice %slice3A_73 {offsets = [0, 736], sizes = [512, 32], strides = [1, 1]} : vector<512x768xf32> to vector<512x32xf32>
    %slice3A_104 = vector.extract_strided_slice %slice3A_73 {offsets = [0, 0], sizes = [512, 736], strides = [1, 1]} : vector<512x768xf32> to vector<512x736xf32>
    %concatenate3A_105 = tpu.concatenate %slice3A_103, %slice3A_104 in 1 : vector<512x32xf32>, vector<512x736xf32> -> vector<512x768xf32>
    %select_n3A_106 = arith.select %lt3A_99, %concatenate3A_102, %concatenate3A_105 : vector<512x768xi1>, vector<512x768xf32>
    %mul3A_107 = arith.mulf %slice3A_73, %get3A_11 : vector<512x768xf32>
    %mul3A_108 = arith.mulf %select_n3A_106, %get3A_14 : vector<512x768xf32>
    %add3A_109 = arith.addf %mul3A_107, %mul3A_108 : vector<512x768xf32>
    %convert_element_type3A_110 = arith.truncf %add3A_109 : vector<512x768xf32> to vector<512x768xbf16>
    %slice3A_111 = vector.extract_strided_slice %convert_element_type3A_110 {offsets = [0, 0], sizes = [512, 64], strides = [1, 1]} : vector<512x768xbf16> to vector<512x64xbf16>
    %slice3A_112 = vector.extract_strided_slice %convert_element_type3A_110 {offsets = [0, 64], sizes = [512, 64], strides = [1, 1]} : vector<512x768xbf16> to vector<512x64xbf16>
    %slice3A_113 = vector.extract_strided_slice %convert_element_type3A_110 {offsets = [0, 128], sizes = [512, 64], strides = [1, 1]} : vector<512x768xbf16> to vector<512x64xbf16>
    %slice3A_114 = vector.extract_strided_slice %convert_element_type3A_110 {offsets = [0, 192], sizes = [512, 64], strides = [1, 1]} : vector<512x768xbf16> to vector<512x64xbf16>
    %slice3A_115 = vector.extract_strided_slice %convert_element_type3A_110 {offsets = [0, 256], sizes = [512, 64], strides = [1, 1]} : vector<512x768xbf16> to vector<512x64xbf16>
    %slice3A_116 = vector.extract_strided_slice %convert_element_type3A_110 {offsets = [0, 320], sizes = [512, 64], strides = [1, 1]} : vector<512x768xbf16> to vector<512x64xbf16>
    %slice3A_117 = vector.extract_strided_slice %convert_element_type3A_110 {offsets = [0, 384], sizes = [512, 64], strides = [1, 1]} : vector<512x768xbf16> to vector<512x64xbf16>
    %slice3A_118 = vector.extract_strided_slice %convert_element_type3A_110 {offsets = [0, 448], sizes = [512, 64], strides = [1, 1]} : vector<512x768xbf16> to vector<512x64xbf16>
    %slice3A_119 = vector.extract_strided_slice %convert_element_type3A_110 {offsets = [0, 512], sizes = [512, 64], strides = [1, 1]} : vector<512x768xbf16> to vector<512x64xbf16>
    %slice3A_120 = vector.extract_strided_slice %convert_element_type3A_110 {offsets = [0, 576], sizes = [512, 64], strides = [1, 1]} : vector<512x768xbf16> to vector<512x64xbf16>
    %slice3A_121 = vector.extract_strided_slice %convert_element_type3A_110 {offsets = [0, 640], sizes = [512, 64], strides = [1, 1]} : vector<512x768xbf16> to vector<512x64xbf16>
    %slice3A_122 = vector.extract_strided_slice %convert_element_type3A_110 {offsets = [0, 704], sizes = [512, 64], strides = [1, 1]} : vector<512x768xbf16> to vector<512x64xbf16>
    %stack3A_123 = vector.shape_cast %slice3A_111 : vector<512x64xbf16> to vector<1x512x64xbf16>
    %stack3A_124 = vector.shape_cast %slice3A_112 : vector<512x64xbf16> to vector<1x512x64xbf16>
    %stack3A_125 = vector.shape_cast %slice3A_113 : vector<512x64xbf16> to vector<1x512x64xbf16>
    %stack3A_126 = vector.shape_cast %slice3A_114 : vector<512x64xbf16> to vector<1x512x64xbf16>
    %stack3A_127 = vector.shape_cast %slice3A_115 : vector<512x64xbf16> to vector<1x512x64xbf16>
    %stack3A_128 = vector.shape_cast %slice3A_116 : vector<512x64xbf16> to vector<1x512x64xbf16>
    %stack3A_129 = vector.shape_cast %slice3A_117 : vector<512x64xbf16> to vector<1x512x64xbf16>
    %stack3A_130 = vector.shape_cast %slice3A_118 : vector<512x64xbf16> to vector<1x512x64xbf16>
    %stack3A_131 = vector.shape_cast %slice3A_119 : vector<512x64xbf16> to vector<1x512x64xbf16>
    %stack3A_132 = vector.shape_cast %slice3A_120 : vector<512x64xbf16> to vector<1x512x64xbf16>
    %stack3A_133 = vector.shape_cast %slice3A_121 : vector<512x64xbf16> to vector<1x512x64xbf16>
    %stack3A_134 = vector.shape_cast %slice3A_122 : vector<512x64xbf16> to vector<1x512x64xbf16>
    %stack3A_135 = tpu.concatenate %stack3A_123, %stack3A_124, %stack3A_125, %stack3A_126, %stack3A_127, %stack3A_128, %stack3A_129, %stack3A_130, %stack3A_131, %stack3A_132, %stack3A_133, %stack3A_134 in 0 : vector<1x512x64xbf16>, vector<1x512x64xbf16>, vector<1x512x64xbf16>, vector<1x512x64xbf16>, vector<1x512x64xbf16>, vector<1x512x64xbf16>, vector<1x512x64xbf16>, vector<1x512x64xbf16>, vector<1x512x64xbf16>, vector<1x512x64xbf16>, vector<1x512x64xbf16>, vector<1x512x64xbf16> -> vector<12x512x64xbf16>
    %swap3A_136 = arith.constant 0 : index
    %swap3A_137 = arith.constant 0 : index
    %swap3A_138 = arith.constant 0 : index
    %swap3A_139 = vector.load %arg8[%swap3A_136, %swap3A_137, %swap3A_138] : memref<12x512x64xbf16, #tpu.memory_space<vmem>>, vector<12x512x64xbf16>
    tpu.vector_store %arg8[%swap3A_136, %swap3A_137, %swap3A_138], %stack3A_135 {strides = array<i32>} : memref<12x512x64xbf16, #tpu.memory_space<vmem>>, vector<12x512x64xbf16>,
    %slice3A_140 = vector.extract_strided_slice %dot_general3A_5 {offsets = [0, 2304], sizes = [512, 768], strides = [1, 1]} : vector<512x3072xf32> to vector<512x768xf32>
    %convert_element_type3A_141 = arith.truncf %slice3A_140 : vector<512x768xf32> to vector<512x768xbf16>
    %slice3A_142 = vector.extract_strided_slice %convert_element_type3A_141 {offsets = [0, 0], sizes = [512, 64], strides = [1, 1]} : vector<512x768xbf16> to vector<512x64xbf16>
    %slice3A_143 = vector.extract_strided_slice %convert_element_type3A_141 {offsets = [0, 64], sizes = [512, 64], strides = [1, 1]} : vector<512x768xbf16> to vector<512x64xbf16>
    %slice3A_144 = vector.extract_strided_slice %convert_element_type3A_141 {offsets = [0, 128], sizes = [512, 64], strides = [1, 1]} : vector<512x768xbf16> to vector<512x64xbf16>
    %slice3A_145 = vector.extract_strided_slice %convert_element_type3A_141 {offsets = [0, 192], sizes = [512, 64], strides = [1, 1]} : vector<512x768xbf16> to vector<512x64xbf16>
    %slice3A_146 = vector.extract_strided_slice %convert_element_type3A_141 {offsets = [0, 256], sizes = [512, 64], strides = [1, 1]} : vector<512x768xbf16> to vector<512x64xbf16>
    %slice3A_147 = vector.extract_strided_slice %convert_element_type3A_141 {offsets = [0, 320], sizes = [512, 64], strides = [1, 1]} : vector<512x768xbf16> to vector<512x64xbf16>
    %slice3A_148 = vector.extract_strided_slice %convert_element_type3A_141 {offsets = [0, 384], sizes = [512, 64], strides = [1, 1]} : vector<512x768xbf16> to vector<512x64xbf16>
    %slice3A_149 = vector.extract_strided_slice %convert_element_type3A_141 {offsets = [0, 448], sizes = [512, 64], strides = [1, 1]} : vector<512x768xbf16> to vector<512x64xbf16>
    %slice3A_150 = vector.extract_strided_slice %convert_element_type3A_141 {offsets = [0, 512], sizes = [512, 64], strides = [1, 1]} : vector<512x768xbf16> to vector<512x64xbf16>
    %slice3A_151 = vector.extract_strided_slice %convert_element_type3A_141 {offsets = [0, 576], sizes = [512, 64], strides = [1, 1]} : vector<512x768xbf16> to vector<512x64xbf16>
    %slice3A_152 = vector.extract_strided_slice %convert_element_type3A_141 {offsets = [0, 640], sizes = [512, 64], strides = [1, 1]} : vector<512x768xbf16> to vector<512x64xbf16>
    %slice3A_153 = vector.extract_strided_slice %convert_element_type3A_141 {offsets = [0, 704], sizes = [512, 64], strides = [1, 1]} : vector<512x768xbf16> to vector<512x64xbf16>
    %stack3A_154 = vector.shape_cast %slice3A_142 : vector<512x64xbf16> to vector<1x512x64xbf16>
    %stack3A_155 = vector.shape_cast %slice3A_143 : vector<512x64xbf16> to vector<1x512x64xbf16>
    %stack3A_156 = vector.shape_cast %slice3A_144 : vector<512x64xbf16> to vector<1x512x64xbf16>
    %stack3A_157 = vector.shape_cast %slice3A_145 : vector<512x64xbf16> to vector<1x512x64xbf16>
    %stack3A_158 = vector.shape_cast %slice3A_146 : vector<512x64xbf16> to vector<1x512x64xbf16>
    %stack3A_159 = vector.shape_cast %slice3A_147 : vector<512x64xbf16> to vector<1x512x64xbf16>
    %stack3A_160 = vector.shape_cast %slice3A_148 : vector<512x64xbf16> to vector<1x512x64xbf16>
    %stack3A_161 = vector.shape_cast %slice3A_149 : vector<512x64xbf16> to vector<1x512x64xbf16>
    %stack3A_162 = vector.shape_cast %slice3A_150 : vector<512x64xbf16> to vector<1x512x64xbf16>
    %stack3A_163 = vector.shape_cast %slice3A_151 : vector<512x64xbf16> to vector<1x512x64xbf16>
    %stack3A_164 = vector.shape_cast %slice3A_152 : vector<512x64xbf16> to vector<1x512x64xbf16>
    %stack3A_165 = vector.shape_cast %slice3A_153 : vector<512x64xbf16> to vector<1x512x64xbf16>
    %stack3A_166 = tpu.concatenate %stack3A_154, %stack3A_155, %stack3A_156, %stack3A_157, %stack3A_158, %stack3A_159, %stack3A_160, %stack3A_161, %stack3A_162, %stack3A_163, %stack3A_164, %stack3A_165 in 0 : vector<1x512x64xbf16>, vector<1x512x64xbf16>, vector<1x512x64xbf16>, vector<1x512x64xbf16>, vector<1x512x64xbf16>, vector<1x512x64xbf16>, vector<1x512x64xbf16>, vector<1x512x64xbf16>, vector<1x512x64xbf16>, vector<1x512x64xbf16>, vector<1x512x64xbf16>, vector<1x512x64xbf16> -> vector<12x512x64xbf16>
    %swap3A_167 = arith.constant 0 : index
    %swap3A_168 = arith.constant 0 : index
    %swap3A_169 = arith.constant 0 : index
    %swap3A_170 = vector.load %arg9[%swap3A_167, %swap3A_168, %swap3A_169] : memref<12x512x64xbf16, #tpu.memory_space<vmem>>, vector<12x512x64xbf16>
    tpu.vector_store %arg9[%swap3A_167, %swap3A_168, %swap3A_169], %stack3A_166 {strides = array<i32>} : memref<12x512x64xbf16, #tpu.memory_space<vmem>>, vector<12x512x64xbf16>,
    %get3A_171 = arith.constant 0 : index
    %get3A_172 = arith.constant 0 : index
    %get3A_173 = vector.load %arg3[%get3A_171, %get3A_172] : memref<8x768xf32, #tpu.memory_space<vmem>>, vector<8x768xf32>
    %dot_general3A_174 = arith.constant dense<0.000000e+00> : vector<8x512xf32>
    %dot_general3A_175 = tpu.matmul %get3A_173, %get3A_1, %dot_general3A_174 {dimension_numbers = #tpu.dot_dimension_numbers<[1], [1], [0], [0], [0, 0, 1, 0], [], []>, transpose_lhs_hint = false} : vector<8x768xf32>, vector<512x768xf32>, vector<8x512xf32> -> vector<8x512xf32>
    %swap3A_176 = arith.constant 0 : index
    %swap3A_177 = arith.constant 0 : index
    %swap3A_178 = vector.load %arg10[%swap3A_176, %swap3A_177] : memref<8x512xf32, #tpu.memory_space<vmem>>, vector<8x512xf32>
    tpu.vector_store %arg10[%swap3A_176, %swap3A_177], %dot_general3A_175 {strides = array<i32>} : memref<8x512xf32, #tpu.memory_space<vmem>>, vector<8x512xf32>,
    return
  }
  func.func @transform_0(%arg0: i32) -> (i32, i32) {
    %c0_i32 = arith.constant 0 : i32
    %c0_i32_0 = arith.constant 0 : i32
    return %arg0, %c0_i32 : i32, i32
  }
  func.func @transform_1(%arg0: i32) -> (i32, i32) {
    %c0_i32 = arith.constant 0 : i32
    %c0_i32_0 = arith.constant 0 : i32
    %c0_i32_1 = arith.constant 0 : i32
    return %c0_i32, %c0_i32_0 : i32, i32
  }
  func.func @transform_2(%arg0: i32) -> (i32, i32) {
    %c0_i32 = arith.constant 0 : i32
    %c0_i32_0 = arith.constant 0 : i32
    %c0_i32_1 = arith.constant 0 : i32
    return %c0_i32, %c0_i32_0 : i32, i32
  }
  func.func @transform_3(%arg0: i32) -> (i32, i32) {
    %c0_i32 = arith.constant 0 : i32
    %c0_i32_0 = arith.constant 0 : i32
    return %arg0, %c0_i32 : i32, i32
  }
  func.func @transform_4(%arg0: i32) -> (i32, i32) {
    %c0_i32 = arith.constant 0 : i32
    %c0_i32_0 = arith.constant 0 : i32
    return %arg0, %c0_i32 : i32, i32
  }
  func.func @transform_5(%arg0: i32) -> (i32, i32) {
    %c0_i32 = arith.constant 0 : i32
    %c0_i32_0 = arith.constant 0 : i32
    return %arg0, %c0_i32 : i32, i32
  }
  func.func @transform_6(%arg0: i32) -> (i32, i32, i32) {
    %c0_i32 = arith.constant 0 : i32
    %c0_i32_0 = arith.constant 0 : i32
    %c0_i32_1 = arith.constant 0 : i32
    return %c0_i32, %arg0, %c0_i32_0 : i32, i32, i32
  }
  func.func @transform_7(%arg0: i32) -> (i32, i32, i32) {
    %c0_i32 = arith.constant 0 : i32
    %c0_i32_0 = arith.constant 0 : i32
    %c0_i32_1 = arith.constant 0 : i32
    return %c0_i32, %arg0, %c0_i32_0 : i32, i32, i32
  }
  func.func @transform_8(%arg0: i32) -> (i32, i32, i32) {
    %c0_i32 = arith.constant 0 : i32
    %c0_i32_0 = arith.constant 0 : i32
    %c0_i32_1 = arith.constant 0 : i32
    return %c0_i32, %arg0, %c0_i32_0 : i32, i32, i32
  }
  func.func @transform_9(%arg0: i32) -> (i32, i32) {
    %c0_i32 = arith.constant 0 : i32
    %c0_i32_0 = arith.constant 0 : i32
    return %c0_i32, %arg0 : i32, i32
  }
}

module attributes {stable_mosaic.version = 14 : i64} {
  func.func @_attn_kernel(%arg0: i32, %arg1: i32, %arg2: memref<1x1024x64xbf16, #tpu.memory_space<vmem>>, %arg3: memref<1x1024x64xbf16, #tpu.memory_space<vmem>>, %arg4: memref<1x1024x64xbf16, #tpu.memory_space<vmem>>, %arg5: memref<1x1024x64xbf16, #tpu.memory_space<vmem>>) attributes {dimension_semantics = [#tpu.dimension_semantics<arbitrary>, #tpu.dimension_semantics<arbitrary>], iteration_bounds = array<i64: 12, 1>, scalar_prefetch = 0 : i64, scratch_operands = 0 : i64, tpu.core_type = #tpu.core_type<tc>, window_params = [{transform_indices = @transform_0, window_bounds = array<i64: 1, 1024, 64>}, {transform_indices = @transform_1, window_bounds = array<i64: 1, 1024, 64>}, {transform_indices = @transform_2, window_bounds = array<i64: 1, 1024, 64>}, {transform_indices = @transform_3, window_bounds = array<i64: 1, 1024, 64>}]} {
    %get3A = arith.constant 0 : index
    %get3A_0 = arith.constant 0 : index
    %get3A_1 = arith.constant 0 : index
    %get3A_2 = vector.load %arg2[%get3A, %get3A_0, %get3A_1] : memref<1x1024x64xbf16, #tpu.memory_space<vmem>>, vector<1x1024x64xbf16>
    %get3A_3 = vector.shape_cast %get3A_2 : vector<1x1024x64xbf16> to vector<1024x64xbf16>
    %get3A_4 = arith.constant 0 : index
    %get3A_5 = arith.constant 0 : index
    %get3A_6 = arith.constant 0 : index
    %get3A_7 = vector.load %arg3[%get3A_4, %get3A_5, %get3A_6] : memref<1x1024x64xbf16, #tpu.memory_space<vmem>>, vector<1x1024x64xbf16>
    %get3A_8 = vector.shape_cast %get3A_7 : vector<1x1024x64xbf16> to vector<1024x64xbf16>
    %dot_general3A = arith.constant dense<0.000000e+00> : vector<1024x1024xf32>
    %dot_general3A_9 = tpu.matmul %get3A_3, %get3A_8, %dot_general3A {dimension_numbers = #tpu.dot_dimension_numbers<[1], [1], [0], [0], [0, 0, 1, 0], [], []>, transpose_lhs_hint = false} : vector<1024x64xbf16>, vector<1024x64xbf16>, vector<1024x1024xf32> -> vector<1024x1024xf32>
    %jit3A = arith.constant -6.000000e+01 : f32
    %jit3A_10 = arith.constant 6.000000e+01 : f32
    %max3A = vector.broadcast %jit3A : f32 to vector<1024x1024xf32>
    %max3A_11 = arith.maximumf %max3A, %dot_general3A_9 : vector<1024x1024xf32>
    %min3A = vector.broadcast %jit3A_10 : f32 to vector<1024x1024xf32>
    %min3A_12 = arith.minimumf %min3A, %max3A_11 : vector<1024x1024xf32>
    %mul3A = arith.constant 1024 : i32
    %mul3A_13 = arith.muli %arg1, %mul3A : i32
    %add3A = arith.constant 0 : i32
    %add3A_14 = arith.addi %add3A, %mul3A_13 : i32
    %iota3A = tpu.iota {dimensions = array<i32: 0>} : vector<1024x1024xi32>
    %add3A_15 = vector.broadcast %add3A_14 : i32 to vector<1024x1024xi32>
    %add3A_16 = arith.addi %add3A_15, %iota3A : vector<1024x1024xi32>
    %iota3A_17 = tpu.iota {dimensions = array<i32: 1>} : vector<1024x1024xi32>
    %le3A = arith.cmpi sle, %iota3A_17, %add3A_16 : vector<1024x1024xi32>
    %exp3A = math.exp %min3A_12 : vector<1024x1024xf32>
    %jit3A_18 = arith.constant 0.000000e+00 : f32
    %broadcast_in_dim3A = vector.broadcast %jit3A_18 : f32 to vector<1024x1024xf32>
    %select_n3A = arith.select %le3A, %exp3A, %broadcast_in_dim3A : vector<1024x1024xi1>, vector<1024x1024xf32>
    %reduce_sum3A = arith.constant dense<0.000000e+00> : vector<1024xf32>
    %reduce_sum3A_19 = vector.multi_reduction <add>, %select_n3A, %reduce_sum3A [1] : vector<1024x1024xf32> to vector<1024xf32>
    %broadcast_in_dim3A_20 = vector.shape_cast %reduce_sum3A_19 : vector<1024xf32> to vector<1024x1xf32>
    %convert_element_type3A = arith.truncf %select_n3A : vector<1024x1024xf32> to vector<1024x1024xbf16>
    %get3A_21 = arith.constant 0 : index
    %get3A_22 = arith.constant 0 : index
    %get3A_23 = arith.constant 0 : index
    %get3A_24 = vector.load %arg4[%get3A_21, %get3A_22, %get3A_23] : memref<1x1024x64xbf16, #tpu.memory_space<vmem>>, vector<1x1024x64xbf16>
    %get3A_25 = vector.shape_cast %get3A_24 : vector<1x1024x64xbf16> to vector<1024x64xbf16>
    %dot_general3A_26 = arith.constant dense<0.000000e+00> : vector<1024x64xf32>
    %dot_general3A_27 = tpu.matmul %convert_element_type3A, %get3A_25, %dot_general3A_26 {dimension_numbers = #tpu.dot_dimension_numbers<[1], [0], [0], [1], [0, 0, 1, 1], [], []>, transpose_lhs_hint = false} : vector<1024x1024xbf16>, vector<1024x64xbf16>, vector<1024x64xf32> -> vector<1024x64xf32>
    %div3A = vector.broadcast %broadcast_in_dim3A_20 : vector<1024x1xf32> to vector<1024x64xf32>
    %div3A_28 = arith.divf %dot_general3A_27, %div3A : vector<1024x64xf32>
    %convert_element_type3A_29 = arith.truncf %div3A_28 : vector<1024x64xf32> to vector<1024x64xbf16>
    %swap3A = arith.constant 0 : index
    %swap3A_30 = arith.constant 0 : index
    %swap3A_31 = arith.constant 0 : index
    %swap3A_32 = vector.load %arg5[%swap3A, %swap3A_30, %swap3A_31] : memref<1x1024x64xbf16, #tpu.memory_space<vmem>>, vector<1x1024x64xbf16>
    %swap3A_33 = vector.shape_cast %swap3A_32 : vector<1x1024x64xbf16> to vector<1024x64xbf16>
    %swap3A_34 = vector.shape_cast %convert_element_type3A_29 : vector<1024x64xbf16> to vector<1x1024x64xbf16>
    tpu.vector_store %arg5[%swap3A, %swap3A_30, %swap3A_31], %swap3A_34 {strides = array<i32>} : memref<1x1024x64xbf16, #tpu.memory_space<vmem>>, vector<1x1024x64xbf16>,
    return
  }
  func.func @transform_0(%arg0: i32, %arg1: i32) -> (i32, i32, i32) {
    %c0_i32 = arith.constant 0 : i32
    %c0_i32_0 = arith.constant 0 : i32
    return %arg0, %arg1, %c0_i32 : i32, i32, i32
  }
  func.func @transform_1(%arg0: i32, %arg1: i32) -> (i32, i32, i32) {
    %c0_i32 = arith.constant 0 : i32
    %c0_i32_0 = arith.constant 0 : i32
    %c0_i32_1 = arith.constant 0 : i32
    return %arg0, %c0_i32, %c0_i32_0 : i32, i32, i32
  }
  func.func @transform_2(%arg0: i32, %arg1: i32) -> (i32, i32, i32) {
    %c0_i32 = arith.constant 0 : i32
    %c0_i32_0 = arith.constant 0 : i32
    %c0_i32_1 = arith.constant 0 : i32
    return %arg0, %c0_i32, %c0_i32_0 : i32, i32, i32
  }
  func.func @transform_3(%arg0: i32, %arg1: i32) -> (i32, i32, i32) {
    %c0_i32 = arith.constant 0 : i32
    %c0_i32_0 = arith.constant 0 : i32
    return %arg0, %arg1, %c0_i32 : i32, i32, i32
  }
}

module attributes {stable_mosaic.version = 14 : i64} {
  func.func @_moe_out_kernel(%arg0: i32, %arg1: memref<512x768xbf16, #tpu.memory_space<vmem>>, %arg2: memref<8x512xf32, #tpu.memory_space<vmem>>, %arg3: memref<12x512x64xbf16, #tpu.memory_space<vmem>>, %arg4: memref<12x512x64xbf16, #tpu.memory_space<vmem>>, %arg5: memref<12x2048x64xbf16, #tpu.memory_space<vmem>>, %arg6: memref<12x2048x64xbf16, #tpu.memory_space<vmem>>, %arg7: memref<768x1536xbf16, #tpu.memory_space<vmem>>, %arg8: memref<512x768xf32, #tpu.memory_space<vmem>>) attributes {dimension_semantics = [#tpu.dimension_semantics<arbitrary>], iteration_bounds = array<i64: 4>, scalar_prefetch = 0 : i64, scratch_operands = 0 : i64, tpu.core_type = #tpu.core_type<tc>, window_params = [{transform_indices = @transform_0, window_bounds = array<i64: 512, 768>}, {transform_indices = @transform_1, window_bounds = array<i64: 8, 512>}, {transform_indices = @transform_2, window_bounds = array<i64: 12, 512, 64>}, {transform_indices = @transform_3, window_bounds = array<i64: 12, 512, 64>}, {pipeline_mode = #tpu.pipeline_mode<synchronous>, transform_indices = @transform_4, window_bounds = array<i64: 12, 2048, 64>}, {pipeline_mode = #tpu.pipeline_mode<synchronous>, transform_indices = @transform_5, window_bounds = array<i64: 12, 2048, 64>}, {pipeline_mode = #tpu.pipeline_mode<synchronous>, transform_indices = @transform_6, window_bounds = array<i64: 768, 1536>}, {transform_indices = @transform_7, window_bounds = array<i64: 512, 768>}]} {
    %lt3A = arith.constant 2 : i32
    %lt3A_0 = arith.cmpi slt, %arg0, %lt3A : i32
    %iota3A = tpu.iota {dimensions = array<i32: 0>} : vector<8x2048xi32>
    %iota3A_1 = tpu.iota {dimensions = array<i32: 1>} : vector<8x2048xi32>
    %jit3A = arith.constant 256 : i32
    %div3A = vector.broadcast %jit3A : i32 to vector<8x2048xi32>
    %div3A_2 = arith.divsi %iota3A_1, %div3A : vector<8x2048xi32>
    %sign3A = arith.constant 0 : i32
    %sign3A_3 = vector.broadcast %sign3A : i32 to vector<8x2048xi32>
    %sign3A_4 = arith.cmpi sgt, %iota3A_1, %sign3A_3 : vector<8x2048xi32>
    %sign3A_5 = arith.extui %sign3A_4 : vector<8x2048xi1> to vector<8x2048xi32>
    %sign3A_6 = arith.constant 0 : i32
    %sign3A_7 = vector.broadcast %sign3A_6 : i32 to vector<8x2048xi32>
    %sign3A_8 = arith.cmpi slt, %iota3A_1, %sign3A_7 : vector<8x2048xi32>
    %sign3A_9 = arith.extui %sign3A_8 : vector<8x2048xi1> to vector<8x2048xi32>
    %sign3A_10 = arith.subi %sign3A_5, %sign3A_9 : vector<8x2048xi32>
    %sign3A_11 = arith.constant 0 : i32
    %sign3A_12 = arith.cmpi sgt, %jit3A, %sign3A_11 : i32
    %sign3A_13 = arith.extui %sign3A_12 : i1 to i32
    %sign3A_14 = arith.constant 0 : i32
    %sign3A_15 = arith.cmpi slt, %jit3A, %sign3A_14 : i32
    %sign3A_16 = arith.extui %sign3A_15 : i1 to i32
    %sign3A_17 = arith.subi %sign3A_13, %sign3A_16 : i32
    %ne3A = vector.broadcast %sign3A_17 : i32 to vector<8x2048xi32>
    %ne3A_18 = arith.cmpi ne, %sign3A_10, %ne3A : vector<8x2048xi32>
    %rem3A = vector.broadcast %jit3A : i32 to vector<8x2048xi32>
    %rem3A_19 = arith.remsi %iota3A_1, %rem3A : vector<8x2048xi32>
    %ne3A_20 = arith.constant 0 : i32
    %ne3A_21 = vector.broadcast %ne3A_20 : i32 to vector<8x2048xi32>
    %ne3A_22 = arith.cmpi ne, %rem3A_19, %ne3A_21 : vector<8x2048xi32>
    %and3A = arith.andi %ne3A_18, %ne3A_22 : vector<8x2048xi1>
    %sub3A = arith.constant 1 : i32
    %sub3A_23 = vector.broadcast %sub3A : i32 to vector<8x2048xi32>
    %sub3A_24 = arith.subi %div3A_2, %sub3A_23 : vector<8x2048xi32>
    %select_n3A = arith.select %and3A, %sub3A_24, %div3A_2 : vector<8x2048xi1>, vector<8x2048xi32>
    %eq3A = arith.cmpi eq, %iota3A, %select_n3A : vector<8x2048xi32>
    %get3A = arith.constant 0 : index
    %get3A_25 = arith.constant 0 : index
    %get3A_26 = vector.load %arg2[%get3A, %get3A_25] : memref<8x512xf32, #tpu.memory_space<vmem>>, vector<8x512xf32>
    %convert_element_type3A = arith.extui %eq3A : vector<8x2048xi1> to vector<8x2048xi32>
    %convert_element_type3A_27 = arith.sitofp %convert_element_type3A : vector<8x2048xi32> to vector<8x2048xf32>
    %dot_general3A = arith.constant dense<0.000000e+00> : vector<512x2048xf32>
    %dot_general3A_28 = tpu.matmul %get3A_26, %convert_element_type3A_27, %dot_general3A {dimension_numbers = #tpu.dot_dimension_numbers<[0], [0], [1], [1], [0, 1, 1, 1], [], []>, transpose_lhs_hint = false} : vector<8x512xf32>, vector<8x2048xf32>, vector<512x2048xf32> -> vector<512x2048xf32>
    %get3A_29 = arith.constant 0 : index
    %get3A_30 = arith.constant 0 : index
    %get3A_31 = vector.load %arg1[%get3A_29, %get3A_30] : memref<512x768xbf16, #tpu.memory_space<vmem>>, vector<512x64xbf16>
    %get3A_32 = arith.constant 0 : index
    %get3A_33 = arith.constant 0 : index
    %get3A_34 = arith.constant 0 : index
    %get3A_35 = vector.load %arg5[%get3A_32, %get3A_33, %get3A_34] : memref<12x2048x64xbf16, #tpu.memory_space<vmem>>, vector<1x2048x64xbf16>
    %get3A_36 = vector.shape_cast %get3A_35 : vector<1x2048x64xbf16> to vector<2048x64xbf16>
    %dot_general3A_37 = arith.constant dense<0.000000e+00> : vector<512x2048xf32>
    %dot_general3A_38 = tpu.matmul %get3A_31, %get3A_36, %dot_general3A_37 {dimension_numbers = #tpu.dot_dimension_numbers<[1], [1], [0], [0], [0, 0, 1, 0], [], []>, transpose_lhs_hint = false} : vector<512x64xbf16>, vector<2048x64xbf16>, vector<512x2048xf32> -> vector<512x2048xf32>
    %mul3A = arith.constant 5.000000e-01 : f32
    %mul3A_39 = vector.broadcast %mul3A : f32 to vector<512x2048xf32>
    %mul3A_40 = arith.mulf %mul3A_39, %dot_general3A_38 : vector<512x2048xf32>
    %mul3A_41 = arith.constant 0.707106769 : f32
    %mul3A_42 = vector.broadcast %mul3A_41 : f32 to vector<512x2048xf32>
    %mul3A_43 = arith.mulf %dot_general3A_38, %mul3A_42 : vector<512x2048xf32>
    %erf3A = math.erf %mul3A_43 : vector<512x2048xf32>
    %add3A = arith.constant 1.000000e+00 : f32
    %add3A_44 = vector.broadcast %add3A : f32 to vector<512x2048xf32>
    %add3A_45 = arith.addf %add3A_44, %erf3A : vector<512x2048xf32>
    %mul3A_46 = arith.mulf %mul3A_40, %add3A_45 : vector<512x2048xf32>
    %mul3A_47 = arith.mulf %mul3A_46, %dot_general3A_28 : vector<512x2048xf32>
    %convert_element_type3A_48 = arith.truncf %mul3A_47 : vector<512x2048xf32> to vector<512x2048xbf16>
    %get3A_49 = arith.constant 0 : index
    %get3A_50 = arith.constant 0 : index
    %get3A_51 = arith.constant 0 : index
    %get3A_52 = vector.load %arg6[%get3A_49, %get3A_50, %get3A_51] : memref<12x2048x64xbf16, #tpu.memory_space<vmem>>, vector<1x2048x64xbf16>
    %get3A_53 = vector.shape_cast %get3A_52 : vector<1x2048x64xbf16> to vector<2048x64xbf16>
    %dot_general3A_54 = arith.constant dense<0.000000e+00> : vector<512x64xf32>
    %dot_general3A_55 = tpu.matmul %convert_element_type3A_48, %get3A_53, %dot_general3A_54 {dimension_numbers = #tpu.dot_dimension_numbers<[1], [0], [0], [1], [0, 0, 1, 1], [], []>, transpose_lhs_hint = false} : vector<512x2048xbf16>, vector<2048x64xbf16>, vector<512x64xf32> -> vector<512x64xf32>
    %get3A_56 = arith.constant 0 : index
    %get3A_57 = arith.constant 64 : index
    %get3A_58 = vector.load %arg1[%get3A_56, %get3A_57] : memref<512x768xbf16, #tpu.memory_space<vmem>>, vector<512x64xbf16>
    %get3A_59 = arith.constant 1 : index
    %get3A_60 = arith.constant 0 : index
    %get3A_61 = arith.constant 0 : index
    %get3A_62 = vector.load %arg5[%get3A_59, %get3A_60, %get3A_61] : memref<12x2048x64xbf16, #tpu.memory_space<vmem>>, vector<1x2048x64xbf16>
    %get3A_63 = vector.shape_cast %get3A_62 : vector<1x2048x64xbf16> to vector<2048x64xbf16>
    %dot_general3A_64 = arith.constant dense<0.000000e+00> : vector<512x2048xf32>
    %dot_general3A_65 = tpu.matmul %get3A_58, %get3A_63, %dot_general3A_64 {dimension_numbers = #tpu.dot_dimension_numbers<[1], [1], [0], [0], [0, 0, 1, 0], [], []>, transpose_lhs_hint = false} : vector<512x64xbf16>, vector<2048x64xbf16>, vector<512x2048xf32> -> vector<512x2048xf32>
    %mul3A_66 = arith.constant 5.000000e-01 : f32
    %mul3A_67 = vector.broadcast %mul3A_66 : f32 to vector<512x2048xf32>
    %mul3A_68 = arith.mulf %mul3A_67, %dot_general3A_65 : vector<512x2048xf32>
    %mul3A_69 = arith.constant 0.707106769 : f32
    %mul3A_70 = vector.broadcast %mul3A_69 : f32 to vector<512x2048xf32>
    %mul3A_71 = arith.mulf %dot_general3A_65, %mul3A_70 : vector<512x2048xf32>
    %erf3A_72 = math.erf %mul3A_71 : vector<512x2048xf32>
    %add3A_73 = arith.constant 1.000000e+00 : f32
    %add3A_74 = vector.broadcast %add3A_73 : f32 to vector<512x2048xf32>
    %add3A_75 = arith.addf %add3A_74, %erf3A_72 : vector<512x2048xf32>
    %mul3A_76 = arith.mulf %mul3A_68, %add3A_75 : vector<512x2048xf32>
    %mul3A_77 = arith.mulf %mul3A_76, %dot_general3A_28 : vector<512x2048xf32>
    %convert_element_type3A_78 = arith.truncf %mul3A_77 : vector<512x2048xf32> to vector<512x2048xbf16>
    %get3A_79 = arith.constant 1 : index
    %get3A_80 = arith.constant 0 : index
    %get3A_81 = arith.constant 0 : index
    %get3A_82 = vector.load %arg6[%get3A_79, %get3A_80, %get3A_81] : memref<12x2048x64xbf16, #tpu.memory_space<vmem>>, vector<1x2048x64xbf16>
    %get3A_83 = vector.shape_cast %get3A_82 : vector<1x2048x64xbf16> to vector<2048x64xbf16>
    %dot_general3A_84 = arith.constant dense<0.000000e+00> : vector<512x64xf32>
    %dot_general3A_85 = tpu.matmul %convert_element_type3A_78, %get3A_83, %dot_general3A_84 {dimension_numbers = #tpu.dot_dimension_numbers<[1], [0], [0], [1], [0, 0, 1, 1], [], []>, transpose_lhs_hint = false} : vector<512x2048xbf16>, vector<2048x64xbf16>, vector<512x64xf32> -> vector<512x64xf32>
    %get3A_86 = arith.constant 0 : index
    %get3A_87 = arith.constant 128 : index
    %get3A_88 = vector.load %arg1[%get3A_86, %get3A_87] : memref<512x768xbf16, #tpu.memory_space<vmem>>, vector<512x64xbf16>
    %get3A_89 = arith.constant 2 : index
    %get3A_90 = arith.constant 0 : index
    %get3A_91 = arith.constant 0 : index
    %get3A_92 = vector.load %arg5[%get3A_89, %get3A_90, %get3A_91] : memref<12x2048x64xbf16, #tpu.memory_space<vmem>>, vector<1x2048x64xbf16>
    %get3A_93 = vector.shape_cast %get3A_92 : vector<1x2048x64xbf16> to vector<2048x64xbf16>
    %dot_general3A_94 = arith.constant dense<0.000000e+00> : vector<512x2048xf32>
    %dot_general3A_95 = tpu.matmul %get3A_88, %get3A_93, %dot_general3A_94 {dimension_numbers = #tpu.dot_dimension_numbers<[1], [1], [0], [0], [0, 0, 1, 0], [], []>, transpose_lhs_hint = false} : vector<512x64xbf16>, vector<2048x64xbf16>, vector<512x2048xf32> -> vector<512x2048xf32>
    %mul3A_96 = arith.constant 5.000000e-01 : f32
    %mul3A_97 = vector.broadcast %mul3A_96 : f32 to vector<512x2048xf32>
    %mul3A_98 = arith.mulf %mul3A_97, %dot_general3A_95 : vector<512x2048xf32>
    %mul3A_99 = arith.constant 0.707106769 : f32
    %mul3A_100 = vector.broadcast %mul3A_99 : f32 to vector<512x2048xf32>
    %mul3A_101 = arith.mulf %dot_general3A_95, %mul3A_100 : vector<512x2048xf32>
    %erf3A_102 = math.erf %mul3A_101 : vector<512x2048xf32>
    %add3A_103 = arith.constant 1.000000e+00 : f32
    %add3A_104 = vector.broadcast %add3A_103 : f32 to vector<512x2048xf32>
    %add3A_105 = arith.addf %add3A_104, %erf3A_102 : vector<512x2048xf32>
    %mul3A_106 = arith.mulf %mul3A_98, %add3A_105 : vector<512x2048xf32>
    %mul3A_107 = arith.mulf %mul3A_106, %dot_general3A_28 : vector<512x2048xf32>
    %convert_element_type3A_108 = arith.truncf %mul3A_107 : vector<512x2048xf32> to vector<512x2048xbf16>
    %get3A_109 = arith.constant 2 : index
    %get3A_110 = arith.constant 0 : index
    %get3A_111 = arith.constant 0 : index
    %get3A_112 = vector.load %arg6[%get3A_109, %get3A_110, %get3A_111] : memref<12x2048x64xbf16, #tpu.memory_space<vmem>>, vector<1x2048x64xbf16>
    %get3A_113 = vector.shape_cast %get3A_112 : vector<1x2048x64xbf16> to vector<2048x64xbf16>
    %dot_general3A_114 = arith.constant dense<0.000000e+00> : vector<512x64xf32>
    %dot_general3A_115 = tpu.matmul %convert_element_type3A_108, %get3A_113, %dot_general3A_114 {dimension_numbers = #tpu.dot_dimension_numbers<[1], [0], [0], [1], [0, 0, 1, 1], [], []>, transpose_lhs_hint = false} : vector<512x2048xbf16>, vector<2048x64xbf16>, vector<512x64xf32> -> vector<512x64xf32>
    %get3A_116 = arith.constant 0 : index
    %get3A_117 = arith.constant 192 : index
    %get3A_118 = vector.load %arg1[%get3A_116, %get3A_117] : memref<512x768xbf16, #tpu.memory_space<vmem>>, vector<512x64xbf16>
    %get3A_119 = arith.constant 3 : index
    %get3A_120 = arith.constant 0 : index
    %get3A_121 = arith.constant 0 : index
    %get3A_122 = vector.load %arg5[%get3A_119, %get3A_120, %get3A_121] : memref<12x2048x64xbf16, #tpu.memory_space<vmem>>, vector<1x2048x64xbf16>
    %get3A_123 = vector.shape_cast %get3A_122 : vector<1x2048x64xbf16> to vector<2048x64xbf16>
    %dot_general3A_124 = arith.constant dense<0.000000e+00> : vector<512x2048xf32>
    %dot_general3A_125 = tpu.matmul %get3A_118, %get3A_123, %dot_general3A_124 {dimension_numbers = #tpu.dot_dimension_numbers<[1], [1], [0], [0], [0, 0, 1, 0], [], []>, transpose_lhs_hint = false} : vector<512x64xbf16>, vector<2048x64xbf16>, vector<512x2048xf32> -> vector<512x2048xf32>
    %mul3A_126 = arith.constant 5.000000e-01 : f32
    %mul3A_127 = vector.broadcast %mul3A_126 : f32 to vector<512x2048xf32>
    %mul3A_128 = arith.mulf %mul3A_127, %dot_general3A_125 : vector<512x2048xf32>
    %mul3A_129 = arith.constant 0.707106769 : f32
    %mul3A_130 = vector.broadcast %mul3A_129 : f32 to vector<512x2048xf32>
    %mul3A_131 = arith.mulf %dot_general3A_125, %mul3A_130 : vector<512x2048xf32>
    %erf3A_132 = math.erf %mul3A_131 : vector<512x2048xf32>
    %add3A_133 = arith.constant 1.000000e+00 : f32
    %add3A_134 = vector.broadcast %add3A_133 : f32 to vector<512x2048xf32>
    %add3A_135 = arith.addf %add3A_134, %erf3A_132 : vector<512x2048xf32>
    %mul3A_136 = arith.mulf %mul3A_128, %add3A_135 : vector<512x2048xf32>
    %mul3A_137 = arith.mulf %mul3A_136, %dot_general3A_28 : vector<512x2048xf32>
    %convert_element_type3A_138 = arith.truncf %mul3A_137 : vector<512x2048xf32> to vector<512x2048xbf16>
    %get3A_139 = arith.constant 3 : index
    %get3A_140 = arith.constant 0 : index
    %get3A_141 = arith.constant 0 : index
    %get3A_142 = vector.load %arg6[%get3A_139, %get3A_140, %get3A_141] : memref<12x2048x64xbf16, #tpu.memory_space<vmem>>, vector<1x2048x64xbf16>
    %get3A_143 = vector.shape_cast %get3A_142 : vector<1x2048x64xbf16> to vector<2048x64xbf16>
    %dot_general3A_144 = arith.constant dense<0.000000e+00> : vector<512x64xf32>
    %dot_general3A_145 = tpu.matmul %convert_element_type3A_138, %get3A_143, %dot_general3A_144 {dimension_numbers = #tpu.dot_dimension_numbers<[1], [0], [0], [1], [0, 0, 1, 1], [], []>, transpose_lhs_hint = false} : vector<512x2048xbf16>, vector<2048x64xbf16>, vector<512x64xf32> -> vector<512x64xf32>
    %get3A_146 = arith.constant 0 : index
    %get3A_147 = arith.constant 256 : index
    %get3A_148 = vector.load %arg1[%get3A_146, %get3A_147] : memref<512x768xbf16, #tpu.memory_space<vmem>>, vector<512x64xbf16>
    %get3A_149 = arith.constant 4 : index
    %get3A_150 = arith.constant 0 : index
    %get3A_151 = arith.constant 0 : index
    %get3A_152 = vector.load %arg5[%get3A_149, %get3A_150, %get3A_151] : memref<12x2048x64xbf16, #tpu.memory_space<vmem>>, vector<1x2048x64xbf16>
    %get3A_153 = vector.shape_cast %get3A_152 : vector<1x2048x64xbf16> to vector<2048x64xbf16>
    %dot_general3A_154 = arith.constant dense<0.000000e+00> : vector<512x2048xf32>
    %dot_general3A_155 = tpu.matmul %get3A_148, %get3A_153, %dot_general3A_154 {dimension_numbers = #tpu.dot_dimension_numbers<[1], [1], [0], [0], [0, 0, 1, 0], [], []>, transpose_lhs_hint = false} : vector<512x64xbf16>, vector<2048x64xbf16>, vector<512x2048xf32> -> vector<512x2048xf32>
    %mul3A_156 = arith.constant 5.000000e-01 : f32
    %mul3A_157 = vector.broadcast %mul3A_156 : f32 to vector<512x2048xf32>
    %mul3A_158 = arith.mulf %mul3A_157, %dot_general3A_155 : vector<512x2048xf32>
    %mul3A_159 = arith.constant 0.707106769 : f32
    %mul3A_160 = vector.broadcast %mul3A_159 : f32 to vector<512x2048xf32>
    %mul3A_161 = arith.mulf %dot_general3A_155, %mul3A_160 : vector<512x2048xf32>
    %erf3A_162 = math.erf %mul3A_161 : vector<512x2048xf32>
    %add3A_163 = arith.constant 1.000000e+00 : f32
    %add3A_164 = vector.broadcast %add3A_163 : f32 to vector<512x2048xf32>
    %add3A_165 = arith.addf %add3A_164, %erf3A_162 : vector<512x2048xf32>
    %mul3A_166 = arith.mulf %mul3A_158, %add3A_165 : vector<512x2048xf32>
    %mul3A_167 = arith.mulf %mul3A_166, %dot_general3A_28 : vector<512x2048xf32>
    %convert_element_type3A_168 = arith.truncf %mul3A_167 : vector<512x2048xf32> to vector<512x2048xbf16>
    %get3A_169 = arith.constant 4 : index
    %get3A_170 = arith.constant 0 : index
    %get3A_171 = arith.constant 0 : index
    %get3A_172 = vector.load %arg6[%get3A_169, %get3A_170, %get3A_171] : memref<12x2048x64xbf16, #tpu.memory_space<vmem>>, vector<1x2048x64xbf16>
    %get3A_173 = vector.shape_cast %get3A_172 : vector<1x2048x64xbf16> to vector<2048x64xbf16>
    %dot_general3A_174 = arith.constant dense<0.000000e+00> : vector<512x64xf32>
    %dot_general3A_175 = tpu.matmul %convert_element_type3A_168, %get3A_173, %dot_general3A_174 {dimension_numbers = #tpu.dot_dimension_numbers<[1], [0], [0], [1], [0, 0, 1, 1], [], []>, transpose_lhs_hint = false} : vector<512x2048xbf16>, vector<2048x64xbf16>, vector<512x64xf32> -> vector<512x64xf32>
    %get3A_176 = arith.constant 0 : index
    %get3A_177 = arith.constant 320 : index
    %get3A_178 = vector.load %arg1[%get3A_176, %get3A_177] : memref<512x768xbf16, #tpu.memory_space<vmem>>, vector<512x64xbf16>
    %get3A_179 = arith.constant 5 : index
    %get3A_180 = arith.constant 0 : index
    %get3A_181 = arith.constant 0 : index
    %get3A_182 = vector.load %arg5[%get3A_179, %get3A_180, %get3A_181] : memref<12x2048x64xbf16, #tpu.memory_space<vmem>>, vector<1x2048x64xbf16>
    %get3A_183 = vector.shape_cast %get3A_182 : vector<1x2048x64xbf16> to vector<2048x64xbf16>
    %dot_general3A_184 = arith.constant dense<0.000000e+00> : vector<512x2048xf32>
    %dot_general3A_185 = tpu.matmul %get3A_178, %get3A_183, %dot_general3A_184 {dimension_numbers = #tpu.dot_dimension_numbers<[1], [1], [0], [0], [0, 0, 1, 0], [], []>, transpose_lhs_hint = false} : vector<512x64xbf16>, vector<2048x64xbf16>, vector<512x2048xf32> -> vector<512x2048xf32>
    %mul3A_186 = arith.constant 5.000000e-01 : f32
    %mul3A_187 = vector.broadcast %mul3A_186 : f32 to vector<512x2048xf32>
    %mul3A_188 = arith.mulf %mul3A_187, %dot_general3A_185 : vector<512x2048xf32>
    %mul3A_189 = arith.constant 0.707106769 : f32
    %mul3A_190 = vector.broadcast %mul3A_189 : f32 to vector<512x2048xf32>
    %mul3A_191 = arith.mulf %dot_general3A_185, %mul3A_190 : vector<512x2048xf32>
    %erf3A_192 = math.erf %mul3A_191 : vector<512x2048xf32>
    %add3A_193 = arith.constant 1.000000e+00 : f32
    %add3A_194 = vector.broadcast %add3A_193 : f32 to vector<512x2048xf32>
    %add3A_195 = arith.addf %add3A_194, %erf3A_192 : vector<512x2048xf32>
    %mul3A_196 = arith.mulf %mul3A_188, %add3A_195 : vector<512x2048xf32>
    %mul3A_197 = arith.mulf %mul3A_196, %dot_general3A_28 : vector<512x2048xf32>
    %convert_element_type3A_198 = arith.truncf %mul3A_197 : vector<512x2048xf32> to vector<512x2048xbf16>
    %get3A_199 = arith.constant 5 : index
    %get3A_200 = arith.constant 0 : index
    %get3A_201 = arith.constant 0 : index
    %get3A_202 = vector.load %arg6[%get3A_199, %get3A_200, %get3A_201] : memref<12x2048x64xbf16, #tpu.memory_space<vmem>>, vector<1x2048x64xbf16>
    %get3A_203 = vector.shape_cast %get3A_202 : vector<1x2048x64xbf16> to vector<2048x64xbf16>
    %dot_general3A_204 = arith.constant dense<0.000000e+00> : vector<512x64xf32>
    %dot_general3A_205 = tpu.matmul %convert_element_type3A_198, %get3A_203, %dot_general3A_204 {dimension_numbers = #tpu.dot_dimension_numbers<[1], [0], [0], [1], [0, 0, 1, 1], [], []>, transpose_lhs_hint = false} : vector<512x2048xbf16>, vector<2048x64xbf16>, vector<512x64xf32> -> vector<512x64xf32>
    %get3A_206 = arith.constant 0 : index
    %get3A_207 = arith.constant 384 : index
    %get3A_208 = vector.load %arg1[%get3A_206, %get3A_207] : memref<512x768xbf16, #tpu.memory_space<vmem>>, vector<512x64xbf16>
    %get3A_209 = arith.constant 6 : index
    %get3A_210 = arith.constant 0 : index
    %get3A_211 = arith.constant 0 : index
    %get3A_212 = vector.load %arg5[%get3A_209, %get3A_210, %get3A_211] : memref<12x2048x64xbf16, #tpu.memory_space<vmem>>, vector<1x2048x64xbf16>
    %get3A_213 = vector.shape_cast %get3A_212 : vector<1x2048x64xbf16> to vector<2048x64xbf16>
    %dot_general3A_214 = arith.constant dense<0.000000e+00> : vector<512x2048xf32>
    %dot_general3A_215 = tpu.matmul %get3A_208, %get3A_213, %dot_general3A_214 {dimension_numbers = #tpu.dot_dimension_numbers<[1], [1], [0], [0], [0, 0, 1, 0], [], []>, transpose_lhs_hint = false} : vector<512x64xbf16>, vector<2048x64xbf16>, vector<512x2048xf32> -> vector<512x2048xf32>
    %mul3A_216 = arith.constant 5.000000e-01 : f32
    %mul3A_217 = vector.broadcast %mul3A_216 : f32 to vector<512x2048xf32>
    %mul3A_218 = arith.mulf %mul3A_217, %dot_general3A_215 : vector<512x2048xf32>
    %mul3A_219 = arith.constant 0.707106769 : f32
    %mul3A_220 = vector.broadcast %mul3A_219 : f32 to vector<512x2048xf32>
    %mul3A_221 = arith.mulf %dot_general3A_215, %mul3A_220 : vector<512x2048xf32>
    %erf3A_222 = math.erf %mul3A_221 : vector<512x2048xf32>
    %add3A_223 = arith.constant 1.000000e+00 : f32
    %add3A_224 = vector.broadcast %add3A_223 : f32 to vector<512x2048xf32>
    %add3A_225 = arith.addf %add3A_224, %erf3A_222 : vector<512x2048xf32>
    %mul3A_226 = arith.mulf %mul3A_218, %add3A_225 : vector<512x2048xf32>
    %mul3A_227 = arith.mulf %mul3A_226, %dot_general3A_28 : vector<512x2048xf32>
    %convert_element_type3A_228 = arith.truncf %mul3A_227 : vector<512x2048xf32> to vector<512x2048xbf16>
    %get3A_229 = arith.constant 6 : index
    %get3A_230 = arith.constant 0 : index
    %get3A_231 = arith.constant 0 : index
    %get3A_232 = vector.load %arg6[%get3A_229, %get3A_230, %get3A_231] : memref<12x2048x64xbf16, #tpu.memory_space<vmem>>, vector<1x2048x64xbf16>
    %get3A_233 = vector.shape_cast %get3A_232 : vector<1x2048x64xbf16> to vector<2048x64xbf16>
    %dot_general3A_234 = arith.constant dense<0.000000e+00> : vector<512x64xf32>
    %dot_general3A_235 = tpu.matmul %convert_element_type3A_228, %get3A_233, %dot_general3A_234 {dimension_numbers = #tpu.dot_dimension_numbers<[1], [0], [0], [1], [0, 0, 1, 1], [], []>, transpose_lhs_hint = false} : vector<512x2048xbf16>, vector<2048x64xbf16>, vector<512x64xf32> -> vector<512x64xf32>
    %get3A_236 = arith.constant 0 : index
    %get3A_237 = arith.constant 448 : index
    %get3A_238 = vector.load %arg1[%get3A_236, %get3A_237] : memref<512x768xbf16, #tpu.memory_space<vmem>>, vector<512x64xbf16>
    %get3A_239 = arith.constant 7 : index
    %get3A_240 = arith.constant 0 : index
    %get3A_241 = arith.constant 0 : index
    %get3A_242 = vector.load %arg5[%get3A_239, %get3A_240, %get3A_241] : memref<12x2048x64xbf16, #tpu.memory_space<vmem>>, vector<1x2048x64xbf16>
    %get3A_243 = vector.shape_cast %get3A_242 : vector<1x2048x64xbf16> to vector<2048x64xbf16>
    %dot_general3A_244 = arith.constant dense<0.000000e+00> : vector<512x2048xf32>
    %dot_general3A_245 = tpu.matmul %get3A_238, %get3A_243, %dot_general3A_244 {dimension_numbers = #tpu.dot_dimension_numbers<[1], [1], [0], [0], [0, 0, 1, 0], [], []>, transpose_lhs_hint = false} : vector<512x64xbf16>, vector<2048x64xbf16>, vector<512x2048xf32> -> vector<512x2048xf32>
    %mul3A_246 = arith.constant 5.000000e-01 : f32
    %mul3A_247 = vector.broadcast %mul3A_246 : f32 to vector<512x2048xf32>
    %mul3A_248 = arith.mulf %mul3A_247, %dot_general3A_245 : vector<512x2048xf32>
    %mul3A_249 = arith.constant 0.707106769 : f32
    %mul3A_250 = vector.broadcast %mul3A_249 : f32 to vector<512x2048xf32>
    %mul3A_251 = arith.mulf %dot_general3A_245, %mul3A_250 : vector<512x2048xf32>
    %erf3A_252 = math.erf %mul3A_251 : vector<512x2048xf32>
    %add3A_253 = arith.constant 1.000000e+00 : f32
    %add3A_254 = vector.broadcast %add3A_253 : f32 to vector<512x2048xf32>
    %add3A_255 = arith.addf %add3A_254, %erf3A_252 : vector<512x2048xf32>
    %mul3A_256 = arith.mulf %mul3A_248, %add3A_255 : vector<512x2048xf32>
    %mul3A_257 = arith.mulf %mul3A_256, %dot_general3A_28 : vector<512x2048xf32>
    %convert_element_type3A_258 = arith.truncf %mul3A_257 : vector<512x2048xf32> to vector<512x2048xbf16>
    %get3A_259 = arith.constant 7 : index
    %get3A_260 = arith.constant 0 : index
    %get3A_261 = arith.constant 0 : index
    %get3A_262 = vector.load %arg6[%get3A_259, %get3A_260, %get3A_261] : memref<12x2048x64xbf16, #tpu.memory_space<vmem>>, vector<1x2048x64xbf16>
    %get3A_263 = vector.shape_cast %get3A_262 : vector<1x2048x64xbf16> to vector<2048x64xbf16>
    %dot_general3A_264 = arith.constant dense<0.000000e+00> : vector<512x64xf32>
    %dot_general3A_265 = tpu.matmul %convert_element_type3A_258, %get3A_263, %dot_general3A_264 {dimension_numbers = #tpu.dot_dimension_numbers<[1], [0], [0], [1], [0, 0, 1, 1], [], []>, transpose_lhs_hint = false} : vector<512x2048xbf16>, vector<2048x64xbf16>, vector<512x64xf32> -> vector<512x64xf32>
    %get3A_266 = arith.constant 0 : index
    %get3A_267 = arith.constant 512 : index
    %get3A_268 = vector.load %arg1[%get3A_266, %get3A_267] : memref<512x768xbf16, #tpu.memory_space<vmem>>, vector<512x64xbf16>
    %get3A_269 = arith.constant 8 : index
    %get3A_270 = arith.constant 0 : index
    %get3A_271 = arith.constant 0 : index
    %get3A_272 = vector.load %arg5[%get3A_269, %get3A_270, %get3A_271] : memref<12x2048x64xbf16, #tpu.memory_space<vmem>>, vector<1x2048x64xbf16>
    %get3A_273 = vector.shape_cast %get3A_272 : vector<1x2048x64xbf16> to vector<2048x64xbf16>
    %dot_general3A_274 = arith.constant dense<0.000000e+00> : vector<512x2048xf32>
    %dot_general3A_275 = tpu.matmul %get3A_268, %get3A_273, %dot_general3A_274 {dimension_numbers = #tpu.dot_dimension_numbers<[1], [1], [0], [0], [0, 0, 1, 0], [], []>, transpose_lhs_hint = false} : vector<512x64xbf16>, vector<2048x64xbf16>, vector<512x2048xf32> -> vector<512x2048xf32>
    %mul3A_276 = arith.constant 5.000000e-01 : f32
    %mul3A_277 = vector.broadcast %mul3A_276 : f32 to vector<512x2048xf32>
    %mul3A_278 = arith.mulf %mul3A_277, %dot_general3A_275 : vector<512x2048xf32>
    %mul3A_279 = arith.constant 0.707106769 : f32
    %mul3A_280 = vector.broadcast %mul3A_279 : f32 to vector<512x2048xf32>
    %mul3A_281 = arith.mulf %dot_general3A_275, %mul3A_280 : vector<512x2048xf32>
    %erf3A_282 = math.erf %mul3A_281 : vector<512x2048xf32>
    %add3A_283 = arith.constant 1.000000e+00 : f32
    %add3A_284 = vector.broadcast %add3A_283 : f32 to vector<512x2048xf32>
    %add3A_285 = arith.addf %add3A_284, %erf3A_282 : vector<512x2048xf32>
    %mul3A_286 = arith.mulf %mul3A_278, %add3A_285 : vector<512x2048xf32>
    %mul3A_287 = arith.mulf %mul3A_286, %dot_general3A_28 : vector<512x2048xf32>
    %convert_element_type3A_288 = arith.truncf %mul3A_287 : vector<512x2048xf32> to vector<512x2048xbf16>
    %get3A_289 = arith.constant 8 : index
    %get3A_290 = arith.constant 0 : index
    %get3A_291 = arith.constant 0 : index
    %get3A_292 = vector.load %arg6[%get3A_289, %get3A_290, %get3A_291] : memref<12x2048x64xbf16, #tpu.memory_space<vmem>>, vector<1x2048x64xbf16>
    %get3A_293 = vector.shape_cast %get3A_292 : vector<1x2048x64xbf16> to vector<2048x64xbf16>
    %dot_general3A_294 = arith.constant dense<0.000000e+00> : vector<512x64xf32>
    %dot_general3A_295 = tpu.matmul %convert_element_type3A_288, %get3A_293, %dot_general3A_294 {dimension_numbers = #tpu.dot_dimension_numbers<[1], [0], [0], [1], [0, 0, 1, 1], [], []>, transpose_lhs_hint = false} : vector<512x2048xbf16>, vector<2048x64xbf16>, vector<512x64xf32> -> vector<512x64xf32>
    %get3A_296 = arith.constant 0 : index
    %get3A_297 = arith.constant 576 : index
    %get3A_298 = vector.load %arg1[%get3A_296, %get3A_297] : memref<512x768xbf16, #tpu.memory_space<vmem>>, vector<512x64xbf16>
    %get3A_299 = arith.constant 9 : index
    %get3A_300 = arith.constant 0 : index
    %get3A_301 = arith.constant 0 : index
    %get3A_302 = vector.load %arg5[%get3A_299, %get3A_300, %get3A_301] : memref<12x2048x64xbf16, #tpu.memory_space<vmem>>, vector<1x2048x64xbf16>
    %get3A_303 = vector.shape_cast %get3A_302 : vector<1x2048x64xbf16> to vector<2048x64xbf16>
    %dot_general3A_304 = arith.constant dense<0.000000e+00> : vector<512x2048xf32>
    %dot_general3A_305 = tpu.matmul %get3A_298, %get3A_303, %dot_general3A_304 {dimension_numbers = #tpu.dot_dimension_numbers<[1], [1], [0], [0], [0, 0, 1, 0], [], []>, transpose_lhs_hint = false} : vector<512x64xbf16>, vector<2048x64xbf16>, vector<512x2048xf32> -> vector<512x2048xf32>
    %mul3A_306 = arith.constant 5.000000e-01 : f32
    %mul3A_307 = vector.broadcast %mul3A_306 : f32 to vector<512x2048xf32>
    %mul3A_308 = arith.mulf %mul3A_307, %dot_general3A_305 : vector<512x2048xf32>
    %mul3A_309 = arith.constant 0.707106769 : f32
    %mul3A_310 = vector.broadcast %mul3A_309 : f32 to vector<512x2048xf32>
    %mul3A_311 = arith.mulf %dot_general3A_305, %mul3A_310 : vector<512x2048xf32>
    %erf3A_312 = math.erf %mul3A_311 : vector<512x2048xf32>
    %add3A_313 = arith.constant 1.000000e+00 : f32
    %add3A_314 = vector.broadcast %add3A_313 : f32 to vector<512x2048xf32>
    %add3A_315 = arith.addf %add3A_314, %erf3A_312 : vector<512x2048xf32>
    %mul3A_316 = arith.mulf %mul3A_308, %add3A_315 : vector<512x2048xf32>
    %mul3A_317 = arith.mulf %mul3A_316, %dot_general3A_28 : vector<512x2048xf32>
    %convert_element_type3A_318 = arith.truncf %mul3A_317 : vector<512x2048xf32> to vector<512x2048xbf16>
    %get3A_319 = arith.constant 9 : index
    %get3A_320 = arith.constant 0 : index
    %get3A_321 = arith.constant 0 : index
    %get3A_322 = vector.load %arg6[%get3A_319, %get3A_320, %get3A_321] : memref<12x2048x64xbf16, #tpu.memory_space<vmem>>, vector<1x2048x64xbf16>
    %get3A_323 = vector.shape_cast %get3A_322 : vector<1x2048x64xbf16> to vector<2048x64xbf16>
    %dot_general3A_324 = arith.constant dense<0.000000e+00> : vector<512x64xf32>
    %dot_general3A_325 = tpu.matmul %convert_element_type3A_318, %get3A_323, %dot_general3A_324 {dimension_numbers = #tpu.dot_dimension_numbers<[1], [0], [0], [1], [0, 0, 1, 1], [], []>, transpose_lhs_hint = false} : vector<512x2048xbf16>, vector<2048x64xbf16>, vector<512x64xf32> -> vector<512x64xf32>
    %get3A_326 = arith.constant 0 : index
    %get3A_327 = arith.constant 640 : index
    %get3A_328 = vector.load %arg1[%get3A_326, %get3A_327] : memref<512x768xbf16, #tpu.memory_space<vmem>>, vector<512x64xbf16>
    %get3A_329 = arith.constant 10 : index
    %get3A_330 = arith.constant 0 : index
    %get3A_331 = arith.constant 0 : index
    %get3A_332 = vector.load %arg5[%get3A_329, %get3A_330, %get3A_331] : memref<12x2048x64xbf16, #tpu.memory_space<vmem>>, vector<1x2048x64xbf16>
    %get3A_333 = vector.shape_cast %get3A_332 : vector<1x2048x64xbf16> to vector<2048x64xbf16>
    %dot_general3A_334 = arith.constant dense<0.000000e+00> : vector<512x2048xf32>
    %dot_general3A_335 = tpu.matmul %get3A_328, %get3A_333, %dot_general3A_334 {dimension_numbers = #tpu.dot_dimension_numbers<[1], [1], [0], [0], [0, 0, 1, 0], [], []>, transpose_lhs_hint = false} : vector<512x64xbf16>, vector<2048x64xbf16>, vector<512x2048xf32> -> vector<512x2048xf32>
    %mul3A_336 = arith.constant 5.000000e-01 : f32
    %mul3A_337 = vector.broadcast %mul3A_336 : f32 to vector<512x2048xf32>
    %mul3A_338 = arith.mulf %mul3A_337, %dot_general3A_335 : vector<512x2048xf32>
    %mul3A_339 = arith.constant 0.707106769 : f32
    %mul3A_340 = vector.broadcast %mul3A_339 : f32 to vector<512x2048xf32>
    %mul3A_341 = arith.mulf %dot_general3A_335, %mul3A_340 : vector<512x2048xf32>
    %erf3A_342 = math.erf %mul3A_341 : vector<512x2048xf32>
    %add3A_343 = arith.constant 1.000000e+00 : f32
    %add3A_344 = vector.broadcast %add3A_343 : f32 to vector<512x2048xf32>
    %add3A_345 = arith.addf %add3A_344, %erf3A_342 : vector<512x2048xf32>
    %mul3A_346 = arith.mulf %mul3A_338, %add3A_345 : vector<512x2048xf32>
    %mul3A_347 = arith.mulf %mul3A_346, %dot_general3A_28 : vector<512x2048xf32>
    %convert_element_type3A_348 = arith.truncf %mul3A_347 : vector<512x2048xf32> to vector<512x2048xbf16>
    %get3A_349 = arith.constant 10 : index
    %get3A_350 = arith.constant 0 : index
    %get3A_351 = arith.constant 0 : index
    %get3A_352 = vector.load %arg6[%get3A_349, %get3A_350, %get3A_351] : memref<12x2048x64xbf16, #tpu.memory_space<vmem>>, vector<1x2048x64xbf16>
    %get3A_353 = vector.shape_cast %get3A_352 : vector<1x2048x64xbf16> to vector<2048x64xbf16>
    %dot_general3A_354 = arith.constant dense<0.000000e+00> : vector<512x64xf32>
    %dot_general3A_355 = tpu.matmul %convert_element_type3A_348, %get3A_353, %dot_general3A_354 {dimension_numbers = #tpu.dot_dimension_numbers<[1], [0], [0], [1], [0, 0, 1, 1], [], []>, transpose_lhs_hint = false} : vector<512x2048xbf16>, vector<2048x64xbf16>, vector<512x64xf32> -> vector<512x64xf32>
    %get3A_356 = arith.constant 0 : index
    %get3A_357 = arith.constant 704 : index
    %get3A_358 = vector.load %arg1[%get3A_356, %get3A_357] : memref<512x768xbf16, #tpu.memory_space<vmem>>, vector<512x64xbf16>
    %get3A_359 = arith.constant 11 : index
    %get3A_360 = arith.constant 0 : index
    %get3A_361 = arith.constant 0 : index
    %get3A_362 = vector.load %arg5[%get3A_359, %get3A_360, %get3A_361] : memref<12x2048x64xbf16, #tpu.memory_space<vmem>>, vector<1x2048x64xbf16>
    %get3A_363 = vector.shape_cast %get3A_362 : vector<1x2048x64xbf16> to vector<2048x64xbf16>
    %dot_general3A_364 = arith.constant dense<0.000000e+00> : vector<512x2048xf32>
    %dot_general3A_365 = tpu.matmul %get3A_358, %get3A_363, %dot_general3A_364 {dimension_numbers = #tpu.dot_dimension_numbers<[1], [1], [0], [0], [0, 0, 1, 0], [], []>, transpose_lhs_hint = false} : vector<512x64xbf16>, vector<2048x64xbf16>, vector<512x2048xf32> -> vector<512x2048xf32>
    %mul3A_366 = arith.constant 5.000000e-01 : f32
    %mul3A_367 = vector.broadcast %mul3A_366 : f32 to vector<512x2048xf32>
    %mul3A_368 = arith.mulf %mul3A_367, %dot_general3A_365 : vector<512x2048xf32>
    %mul3A_369 = arith.constant 0.707106769 : f32
    %mul3A_370 = vector.broadcast %mul3A_369 : f32 to vector<512x2048xf32>
    %mul3A_371 = arith.mulf %dot_general3A_365, %mul3A_370 : vector<512x2048xf32>
    %erf3A_372 = math.erf %mul3A_371 : vector<512x2048xf32>
    %add3A_373 = arith.constant 1.000000e+00 : f32
    %add3A_374 = vector.broadcast %add3A_373 : f32 to vector<512x2048xf32>
    %add3A_375 = arith.addf %add3A_374, %erf3A_372 : vector<512x2048xf32>
    %mul3A_376 = arith.mulf %mul3A_368, %add3A_375 : vector<512x2048xf32>
    %mul3A_377 = arith.mulf %mul3A_376, %dot_general3A_28 : vector<512x2048xf32>
    %convert_element_type3A_378 = arith.truncf %mul3A_377 : vector<512x2048xf32> to vector<512x2048xbf16>
    %get3A_379 = arith.constant 11 : index
    %get3A_380 = arith.constant 0 : index
    %get3A_381 = arith.constant 0 : index
    %get3A_382 = vector.load %arg6[%get3A_379, %get3A_380, %get3A_381] : memref<12x2048x64xbf16, #tpu.memory_space<vmem>>, vector<1x2048x64xbf16>
    %get3A_383 = vector.shape_cast %get3A_382 : vector<1x2048x64xbf16> to vector<2048x64xbf16>
    %dot_general3A_384 = arith.constant dense<0.000000e+00> : vector<512x64xf32>
    %dot_general3A_385 = tpu.matmul %convert_element_type3A_378, %get3A_383, %dot_general3A_384 {dimension_numbers = #tpu.dot_dimension_numbers<[1], [0], [0], [1], [0, 0, 1, 1], [], []>, transpose_lhs_hint = false} : vector<512x2048xbf16>, vector<2048x64xbf16>, vector<512x64xf32> -> vector<512x64xf32>
    %concatenate3A = tpu.concatenate %dot_general3A_55, %dot_general3A_85, %dot_general3A_115, %dot_general3A_145, %dot_general3A_175, %dot_general3A_205, %dot_general3A_235, %dot_general3A_265, %dot_general3A_295, %dot_general3A_325, %dot_general3A_355, %dot_general3A_385 in 1 : vector<512x64xf32>, vector<512x64xf32>, vector<512x64xf32>, vector<512x64xf32>, vector<512x64xf32>, vector<512x64xf32>, vector<512x64xf32>, vector<512x64xf32>, vector<512x64xf32>, vector<512x64xf32>, vector<512x64xf32>, vector<512x64xf32> -> vector<512x768xf32>
    %convert_element_type3A_386 = arith.truncf %concatenate3A : vector<512x768xf32> to vector<512x768xbf16>
    %get3A_387 = arith.constant 0 : index
    %get3A_388 = arith.constant 0 : index
    %get3A_389 = arith.constant 0 : index
    %get3A_390 = vector.load %arg3[%get3A_387, %get3A_388, %get3A_389] : memref<12x512x64xbf16, #tpu.memory_space<vmem>>, vector<1x512x64xbf16>
    %get3A_391 = vector.shape_cast %get3A_390 : vector<1x512x64xbf16> to vector<512x64xbf16>
    %get3A_392 = arith.constant 0 : index
    %get3A_393 = arith.constant 0 : index
    %get3A_394 = arith.constant 0 : index
    %get3A_395 = vector.load %arg4[%get3A_392, %get3A_393, %get3A_394] : memref<12x512x64xbf16, #tpu.memory_space<vmem>>, vector<1x512x64xbf16>
    %get3A_396 = vector.shape_cast %get3A_395 : vector<1x512x64xbf16> to vector<512x64xbf16>
    %select_n3A_397 = arith.select %lt3A_0, %get3A_391, %get3A_396 : vector<512x64xbf16>
    %get3A_398 = arith.constant 1 : index
    %get3A_399 = arith.constant 0 : index
    %get3A_400 = arith.constant 0 : index
    %get3A_401 = vector.load %arg3[%get3A_398, %get3A_399, %get3A_400] : memref<12x512x64xbf16, #tpu.memory_space<vmem>>, vector<1x512x64xbf16>
    %get3A_402 = vector.shape_cast %get3A_401 : vector<1x512x64xbf16> to vector<512x64xbf16>
    %get3A_403 = arith.constant 1 : index
    %get3A_404 = arith.constant 0 : index
    %get3A_405 = arith.constant 0 : index
    %get3A_406 = vector.load %arg4[%get3A_403, %get3A_404, %get3A_405] : memref<12x512x64xbf16, #tpu.memory_space<vmem>>, vector<1x512x64xbf16>
    %get3A_407 = vector.shape_cast %get3A_406 : vector<1x512x64xbf16> to vector<512x64xbf16>
    %select_n3A_408 = arith.select %lt3A_0, %get3A_402, %get3A_407 : vector<512x64xbf16>
    %get3A_409 = arith.constant 2 : index
    %get3A_410 = arith.constant 0 : index
    %get3A_411 = arith.constant 0 : index
    %get3A_412 = vector.load %arg3[%get3A_409, %get3A_410, %get3A_411] : memref<12x512x64xbf16, #tpu.memory_space<vmem>>, vector<1x512x64xbf16>
    %get3A_413 = vector.shape_cast %get3A_412 : vector<1x512x64xbf16> to vector<512x64xbf16>
    %get3A_414 = arith.constant 2 : index
    %get3A_415 = arith.constant 0 : index
    %get3A_416 = arith.constant 0 : index
    %get3A_417 = vector.load %arg4[%get3A_414, %get3A_415, %get3A_416] : memref<12x512x64xbf16, #tpu.memory_space<vmem>>, vector<1x512x64xbf16>
    %get3A_418 = vector.shape_cast %get3A_417 : vector<1x512x64xbf16> to vector<512x64xbf16>
    %select_n3A_419 = arith.select %lt3A_0, %get3A_413, %get3A_418 : vector<512x64xbf16>
    %get3A_420 = arith.constant 3 : index
    %get3A_421 = arith.constant 0 : index
    %get3A_422 = arith.constant 0 : index
    %get3A_423 = vector.load %arg3[%get3A_420, %get3A_421, %get3A_422] : memref<12x512x64xbf16, #tpu.memory_space<vmem>>, vector<1x512x64xbf16>
    %get3A_424 = vector.shape_cast %get3A_423 : vector<1x512x64xbf16> to vector<512x64xbf16>
    %get3A_425 = arith.constant 3 : index
    %get3A_426 = arith.constant 0 : index
    %get3A_427 = arith.constant 0 : index
    %get3A_428 = vector.load %arg4[%get3A_425, %get3A_426, %get3A_427] : memref<12x512x64xbf16, #tpu.memory_space<vmem>>, vector<1x512x64xbf16>
    %get3A_429 = vector.shape_cast %get3A_428 : vector<1x512x64xbf16> to vector<512x64xbf16>
    %select_n3A_430 = arith.select %lt3A_0, %get3A_424, %get3A_429 : vector<512x64xbf16>
    %get3A_431 = arith.constant 4 : index
    %get3A_432 = arith.constant 0 : index
    %get3A_433 = arith.constant 0 : index
    %get3A_434 = vector.load %arg3[%get3A_431, %get3A_432, %get3A_433] : memref<12x512x64xbf16, #tpu.memory_space<vmem>>, vector<1x512x64xbf16>
    %get3A_435 = vector.shape_cast %get3A_434 : vector<1x512x64xbf16> to vector<512x64xbf16>
    %get3A_436 = arith.constant 4 : index
    %get3A_437 = arith.constant 0 : index
    %get3A_438 = arith.constant 0 : index
    %get3A_439 = vector.load %arg4[%get3A_436, %get3A_437, %get3A_438] : memref<12x512x64xbf16, #tpu.memory_space<vmem>>, vector<1x512x64xbf16>
    %get3A_440 = vector.shape_cast %get3A_439 : vector<1x512x64xbf16> to vector<512x64xbf16>
    %select_n3A_441 = arith.select %lt3A_0, %get3A_435, %get3A_440 : vector<512x64xbf16>
    %get3A_442 = arith.constant 5 : index
    %get3A_443 = arith.constant 0 : index
    %get3A_444 = arith.constant 0 : index
    %get3A_445 = vector.load %arg3[%get3A_442, %get3A_443, %get3A_444] : memref<12x512x64xbf16, #tpu.memory_space<vmem>>, vector<1x512x64xbf16>
    %get3A_446 = vector.shape_cast %get3A_445 : vector<1x512x64xbf16> to vector<512x64xbf16>
    %get3A_447 = arith.constant 5 : index
    %get3A_448 = arith.constant 0 : index
    %get3A_449 = arith.constant 0 : index
    %get3A_450 = vector.load %arg4[%get3A_447, %get3A_448, %get3A_449] : memref<12x512x64xbf16, #tpu.memory_space<vmem>>, vector<1x512x64xbf16>
    %get3A_451 = vector.shape_cast %get3A_450 : vector<1x512x64xbf16> to vector<512x64xbf16>
    %select_n3A_452 = arith.select %lt3A_0, %get3A_446, %get3A_451 : vector<512x64xbf16>
    %get3A_453 = arith.constant 6 : index
    %get3A_454 = arith.constant 0 : index
    %get3A_455 = arith.constant 0 : index
    %get3A_456 = vector.load %arg3[%get3A_453, %get3A_454, %get3A_455] : memref<12x512x64xbf16, #tpu.memory_space<vmem>>, vector<1x512x64xbf16>
    %get3A_457 = vector.shape_cast %get3A_456 : vector<1x512x64xbf16> to vector<512x64xbf16>
    %get3A_458 = arith.constant 6 : index
    %get3A_459 = arith.constant 0 : index
    %get3A_460 = arith.constant 0 : index
    %get3A_461 = vector.load %arg4[%get3A_458, %get3A_459, %get3A_460] : memref<12x512x64xbf16, #tpu.memory_space<vmem>>, vector<1x512x64xbf16>
    %get3A_462 = vector.shape_cast %get3A_461 : vector<1x512x64xbf16> to vector<512x64xbf16>
    %select_n3A_463 = arith.select %lt3A_0, %get3A_457, %get3A_462 : vector<512x64xbf16>
    %get3A_464 = arith.constant 7 : index
    %get3A_465 = arith.constant 0 : index
    %get3A_466 = arith.constant 0 : index
    %get3A_467 = vector.load %arg3[%get3A_464, %get3A_465, %get3A_466] : memref<12x512x64xbf16, #tpu.memory_space<vmem>>, vector<1x512x64xbf16>
    %get3A_468 = vector.shape_cast %get3A_467 : vector<1x512x64xbf16> to vector<512x64xbf16>
    %get3A_469 = arith.constant 7 : index
    %get3A_470 = arith.constant 0 : index
    %get3A_471 = arith.constant 0 : index
    %get3A_472 = vector.load %arg4[%get3A_469, %get3A_470, %get3A_471] : memref<12x512x64xbf16, #tpu.memory_space<vmem>>, vector<1x512x64xbf16>
    %get3A_473 = vector.shape_cast %get3A_472 : vector<1x512x64xbf16> to vector<512x64xbf16>
    %select_n3A_474 = arith.select %lt3A_0, %get3A_468, %get3A_473 : vector<512x64xbf16>
    %get3A_475 = arith.constant 8 : index
    %get3A_476 = arith.constant 0 : index
    %get3A_477 = arith.constant 0 : index
    %get3A_478 = vector.load %arg3[%get3A_475, %get3A_476, %get3A_477] : memref<12x512x64xbf16, #tpu.memory_space<vmem>>, vector<1x512x64xbf16>
    %get3A_479 = vector.shape_cast %get3A_478 : vector<1x512x64xbf16> to vector<512x64xbf16>
    %get3A_480 = arith.constant 8 : index
    %get3A_481 = arith.constant 0 : index
    %get3A_482 = arith.constant 0 : index
    %get3A_483 = vector.load %arg4[%get3A_480, %get3A_481, %get3A_482] : memref<12x512x64xbf16, #tpu.memory_space<vmem>>, vector<1x512x64xbf16>
    %get3A_484 = vector.shape_cast %get3A_483 : vector<1x512x64xbf16> to vector<512x64xbf16>
    %select_n3A_485 = arith.select %lt3A_0, %get3A_479, %get3A_484 : vector<512x64xbf16>
    %get3A_486 = arith.constant 9 : index
    %get3A_487 = arith.constant 0 : index
    %get3A_488 = arith.constant 0 : index
    %get3A_489 = vector.load %arg3[%get3A_486, %get3A_487, %get3A_488] : memref<12x512x64xbf16, #tpu.memory_space<vmem>>, vector<1x512x64xbf16>
    %get3A_490 = vector.shape_cast %get3A_489 : vector<1x512x64xbf16> to vector<512x64xbf16>
    %get3A_491 = arith.constant 9 : index
    %get3A_492 = arith.constant 0 : index
    %get3A_493 = arith.constant 0 : index
    %get3A_494 = vector.load %arg4[%get3A_491, %get3A_492, %get3A_493] : memref<12x512x64xbf16, #tpu.memory_space<vmem>>, vector<1x512x64xbf16>
    %get3A_495 = vector.shape_cast %get3A_494 : vector<1x512x64xbf16> to vector<512x64xbf16>
    %select_n3A_496 = arith.select %lt3A_0, %get3A_490, %get3A_495 : vector<512x64xbf16>
    %get3A_497 = arith.constant 10 : index
    %get3A_498 = arith.constant 0 : index
    %get3A_499 = arith.constant 0 : index
    %get3A_500 = vector.load %arg3[%get3A_497, %get3A_498, %get3A_499] : memref<12x512x64xbf16, #tpu.memory_space<vmem>>, vector<1x512x64xbf16>
    %get3A_501 = vector.shape_cast %get3A_500 : vector<1x512x64xbf16> to vector<512x64xbf16>
    %get3A_502 = arith.constant 10 : index
    %get3A_503 = arith.constant 0 : index
    %get3A_504 = arith.constant 0 : index
    %get3A_505 = vector.load %arg4[%get3A_502, %get3A_503, %get3A_504] : memref<12x512x64xbf16, #tpu.memory_space<vmem>>, vector<1x512x64xbf16>
    %get3A_506 = vector.shape_cast %get3A_505 : vector<1x512x64xbf16> to vector<512x64xbf16>
    %select_n3A_507 = arith.select %lt3A_0, %get3A_501, %get3A_506 : vector<512x64xbf16>
    %get3A_508 = arith.constant 11 : index
    %get3A_509 = arith.constant 0 : index
    %get3A_510 = arith.constant 0 : index
    %get3A_511 = vector.load %arg3[%get3A_508, %get3A_509, %get3A_510] : memref<12x512x64xbf16, #tpu.memory_space<vmem>>, vector<1x512x64xbf16>
    %get3A_512 = vector.shape_cast %get3A_511 : vector<1x512x64xbf16> to vector<512x64xbf16>
    %get3A_513 = arith.constant 11 : index
    %get3A_514 = arith.constant 0 : index
    %get3A_515 = arith.constant 0 : index
    %get3A_516 = vector.load %arg4[%get3A_513, %get3A_514, %get3A_515] : memref<12x512x64xbf16, #tpu.memory_space<vmem>>, vector<1x512x64xbf16>
    %get3A_517 = vector.shape_cast %get3A_516 : vector<1x512x64xbf16> to vector<512x64xbf16>
    %select_n3A_518 = arith.select %lt3A_0, %get3A_512, %get3A_517 : vector<512x64xbf16>
    %concatenate3A_519 = tpu.concatenate %select_n3A_397, %select_n3A_408, %select_n3A_419, %select_n3A_430, %select_n3A_441, %select_n3A_452, %select_n3A_463, %select_n3A_474, %select_n3A_485, %select_n3A_496, %select_n3A_507, %select_n3A_518 in 1 : vector<512x64xbf16>, vector<512x64xbf16>, vector<512x64xbf16>, vector<512x64xbf16>, vector<512x64xbf16>, vector<512x64xbf16>, vector<512x64xbf16>, vector<512x64xbf16>, vector<512x64xbf16>, vector<512x64xbf16>, vector<512x64xbf16>, vector<512x64xbf16> -> vector<512x768xbf16>
    %get3A_520 = arith.constant 0 : index
    %get3A_521 = arith.constant 0 : index
    %get3A_522 = vector.load %arg7[%get3A_520, %get3A_521] : memref<768x1536xbf16, #tpu.memory_space<vmem>>, vector<768x1536xbf16>
    %slice3A = vector.extract_strided_slice %get3A_522 {offsets = [0, 0], sizes = [768, 768], strides = [1, 1]} : vector<768x1536xbf16> to vector<768x768xbf16>
    %dot_general3A_523 = arith.constant dense<0.000000e+00> : vector<512x768xf32>
    %dot_general3A_524 = tpu.matmul %concatenate3A_519, %slice3A, %dot_general3A_523 {dimension_numbers = #tpu.dot_dimension_numbers<[1], [1], [0], [0], [0, 0, 1, 0], [], []>, transpose_lhs_hint = false} : vector<512x768xbf16>, vector<768x768xbf16>, vector<512x768xf32> -> vector<512x768xf32>
    %slice3A_525 = vector.extract_strided_slice %get3A_522 {offsets = [0, 768], sizes = [768, 768], strides = [1, 1]} : vector<768x1536xbf16> to vector<768x768xbf16>
    %dot_general3A_526 = arith.constant dense<0.000000e+00> : vector<512x768xf32>
    %dot_general3A_527 = tpu.matmul %convert_element_type3A_386, %slice3A_525, %dot_general3A_526 {dimension_numbers = #tpu.dot_dimension_numbers<[1], [1], [0], [0], [0, 0, 1, 0], [], []>, transpose_lhs_hint = false} : vector<512x768xbf16>, vector<768x768xbf16>, vector<512x768xf32> -> vector<512x768xf32>
    %add3A_528 = arith.addf %dot_general3A_524, %dot_general3A_527 : vector<512x768xf32>
    %swap3A = arith.constant 0 : index
    %swap3A_529 = arith.constant 0 : index
    %swap3A_530 = vector.load %arg8[%swap3A, %swap3A_529] : memref<512x768xf32, #tpu.memory_space<vmem>>, vector<512x768xf32>
    tpu.vector_store %arg8[%swap3A, %swap3A_529], %add3A_528 {strides = array<i32>} : memref<512x768xf32, #tpu.memory_space<vmem>>, vector<512x768xf32>,
    return
  }
  func.func @transform_0(%arg0: i32) -> (i32, i32) {
    %c0_i32 = arith.constant 0 : i32
    %c0_i32_0 = arith.constant 0 : i32
    return %arg0, %c0_i32 : i32, i32
  }
  func.func @transform_1(%arg0: i32) -> (i32, i32) {
    %c0_i32 = arith.constant 0 : i32
    %c0_i32_0 = arith.constant 0 : i32
    return %c0_i32, %arg0 : i32, i32
  }
  func.func @transform_2(%arg0: i32) -> (i32, i32, i32) {
    %min3A = arith.constant 1 : i32
    %min3A_0 = arith.minsi %arg0, %min3A : i32
    %c0_i32 = arith.constant 0 : i32
    %c0_i32_1 = arith.constant 0 : i32
    %c0_i32_2 = arith.constant 0 : i32
    return %c0_i32, %min3A_0, %c0_i32_1 : i32, i32, i32
  }
  func.func @transform_3(%arg0: i32) -> (i32, i32, i32) {
    %sub3A = arith.constant 2 : i32
    %sub3A_0 = arith.subi %arg0, %sub3A : i32
    %max3A = arith.constant 0 : i32
    %max3A_1 = arith.maxsi %sub3A_0, %max3A : i32
    %c0_i32 = arith.constant 0 : i32
    %c0_i32_2 = arith.constant 0 : i32
    %c0_i32_3 = arith.constant 0 : i32
    return %c0_i32, %max3A_1, %c0_i32_2 : i32, i32, i32
  }
  func.func @transform_4(%arg0: i32) -> (i32, i32, i32) {
    %c0_i32 = arith.constant 0 : i32
    %c0_i32_0 = arith.constant 0 : i32
    %c0_i32_1 = arith.constant 0 : i32
    %c0_i32_2 = arith.constant 0 : i32
    return %c0_i32, %c0_i32_0, %c0_i32_1 : i32, i32, i32
  }
  func.func @transform_5(%arg0: i32) -> (i32, i32, i32) {
    %c0_i32 = arith.constant 0 : i32
    %c0_i32_0 = arith.constant 0 : i32
    %c0_i32_1 = arith.constant 0 : i32
    %c0_i32_2 = arith.constant 0 : i32
    return %c0_i32, %c0_i32_0, %c0_i32_1 : i32, i32, i32
  }
  func.func @transform_6(%arg0: i32) -> (i32, i32) {
    %c0_i32 = arith.constant 0 : i32
    %c0_i32_0 = arith.constant 0 : i32
    %c0_i32_1 = arith.constant 0 : i32
    return %c0_i32, %c0_i32_0 : i32, i32
  }
  func.func @transform_7(%arg0: i32) -> (i32, i32) {
    %c0_i32 = arith.constant 0 : i32
    %c0_i32_0 = arith.constant 0 : i32
    return %arg0, %c0_i32 : i32, i32
  }
}

</mosaic_0001>

<sc_bundles>
// kernel: kernel.7.cloned.1.call-start
scs
__scs_entry_jumppad:
0x0: {  	(pc) =	sbr.rel $0x88, $3  }
0x1: {  	(tag) =	ssettag $0x0;
	lr =	simm.s32 $0x1  }
0x2: {  	[smem:$0x3F9C] =	sst lr;
	_ =	strace $0xD0000000  }
0x3: {  	_ = 	snop  }
0x4: {  	_ = 	snop  }
0x5: {  	_ = 	snop  }
0x6: {  	_ = 	snop  }
0x7: {  	_ = 	snop  }
__scs_overlays_trampoline_lowered:
0x8: {  	[smem:$0x3FAB] =	sst s0  }
0x9: {  	[smem:$0x3FAC] =	sst s1  }
0xa: {  	[smem:$0x3FAD] =	sst s2  }
0xb: {  	[smem:$0x3FAE] =	sst s3  }
0xc: {  	[smem:$0x3FAF] =	sst s4  }
0xd: {  	[smem:$0x3FB0] =	sst s5  }
0xe: {  	[smem:$0x3FB1] =	sst s6  }
0xf: {  	[smem:$0x3FB2] =	sst s7  }
0x10: {  	[smem:$0x3FB3] =	sst s8  }
0x11: {  	[smem:$0x3FB4] =	sst s9;
	s0 =	simm.s32 @!p0 $0x0  }
0x12: {  	s1 =	sld [smem:$0x3F9A];
	s0 =	simm.s32 @p0 $0x1  }
0x13: {  	[smem:$0x3FB5] =	sst s0;
	s0 =	simm.s32 @!p1 $0x0  }
0x14: {  	s2 =	sld [smem:$0x3F99];
	s0 =	simm.s32 @p1 $0x1  }
0x15: {  	[smem:$0x3FB6] =	sst s0;
	s0 =	simm.s32 @!p2 $0x0  }
0x16: {  	s3 =	sld [smem:$0x3FDB];
	s0 =	simm.s32 @p2 $0x1  }
0x17: {  	s4 =	simm.s32 $0x1BF5;
	[smem:$0x3FB8] =	sst s0  }
0x18: {  	s0 =	sld [smem:$0x3F9B];
	_ =	swait.ge [sflag:s4], $0x0  }
0x19: {  	s7 =	sld [smem:$0x3F9C]  }
0x1a: {  	s8 =	sadd.s32 $0xFFFFE003, lr  }
0x1b: {  	s9 =	sadd.s32 $0xFFFFFEF7, lr;
	s5 =	simm.s32 $0xFFFFFFFF;
	p2 =	slt.u32 s8, $0xFFFFF086  }
0x1c: {  	p1 =	slt.u32 s9, $0xF7A;
	s5 =	simm.s32 @!p2 $0x0  }
0x1d: {  	s5 =	simm.s32 @p1 $0x1;
	p0 =	seq.s32 s7, s2  }
0x1e: {  	s7 =	smul.u32 @!p0 $0xF7A, s2;
	p2 =	seq.s32 @!p0 s5, $0x0  }
0x1f: {  	s9 =	smul.u32 $0xF7A, s1;
	s8 =	simm.s32 @!p0 $0x1BF5;
	p2 =	por !p2, p0  }
0x20: {  	[sflag:s8] =	ssyncset.s32 @!p0 $0xFFFFF086;
	s6 =	sadd.s32 @!p0 s3, s7;
	s7 =	simm.s32 @!p0 $0x108  }
0x21: {  	s3 =	sadd.s32 s3, s9;
	s6 =	sadd.s32 @!p0 $0x88, s6;
	s7 =	simm.s32 @p2 $0x1082  }
0x22: {  	[simem:s7], [sflag:s8] =	dma.local @!p0 [hbm:s6], $0xF7A  }
0x23: {  	s9 =	sor.u32 $0xD0000000, s2;
	s6 =	simm.s32 $0x108;
	_ =	swait.ge @!p0 [sflag:s8], $0x0  }
0x24: {  	s3 =	sadd.s32 $0x88, s3;
	s6 =	simm.s32 @!p1 $0x1082;
	[sflag:s4] =	ssyncset.s32 $0xFFFFF086  }
0x25: {  	[simem:s6], [sflag:s4] =	dma.local [hbm:s3], $0xF7A  }
0x26: {  	[smem:$0x3F9C] =	sst s1;
	(tag) =	ssettag s2;
	_ =	strace s9  }
0x27: {  	s1 =	sld [smem:$0x3FAC]  }
0x28: {  	s2 =	sld [smem:$0x3FAD]  }
0x29: {  	s4 =	sld [smem:$0x3FAF]  }
0x2a: {  	p0 =	seq.s32 s5, $0x0;
	s5 =	sld [smem:$0x3FB0]  }
0x2b: {  	s6 =	sld [smem:$0x3FB1]  }
0x2c: {  	s7 =	sld [smem:$0x3FB2]  }
0x2d: {  	s3 =	simm.s32 $0x108;
	s8 =	sld [smem:$0x3FB3]  }
0x2e: {  	s3 =	simm.s32 @!p0 $0x1082;
	s9 =	sld [smem:$0x3FB4]  }
0x2f: {  	lr =	sadd.s32 s0, s3;
	s0 =	sld [smem:$0x3FAB]  }
0x30: {  	s3 =	sld [smem:$0x3FAE]  }
0x31: {  	[smem:$0x3FB7] =	sst s10  }
0x32: {  	s10 =	sld [smem:$0x3FB5];
	_ =	sdelay $0x3  }
0x33: {  	p0 =	seq.s32 s10, $0x1;
	s10 =	sld [smem:$0x3FB7];
	_ =	sdelay $0x3  }
0x34: {  	[smem:$0x3FB7] =	sst s10  }
0x35: {  	s10 =	sld [smem:$0x3FB6];
	_ =	sdelay $0x3  }
0x36: {  	p1 =	seq.s32 s10, $0x1;
	s10 =	sld [smem:$0x3FB7];
	_ =	sdelay $0x3  }
0x37: {  	[smem:$0x3FB7] =	sst s10  }
0x38: {  	s10 =	sld [smem:$0x3FB8]  }
0x39: {  	_ = 	snop;
	(pc) =	sbr.ind lr, $3  }
0x3a: {  	_ = 	snop  }
0x3b: {  	_ = 	snop  }
0x3c: {  	p2 =	seq.s32 s10, $0x1;
	s10 =	sld [smem:$0x3FB7]  }
0x3d: {  	_ =	shalt  }
0x3e: {  	_ =	shalt  }
0x3f: {  	_ =	shalt  }
0x40: {  	_ =	shalt  }
0x41: {  	_ =	shalt  }
0x42: {  	_ =	shalt  }
0x43: {  	_ =	shalt  }
0x44: {  	_ =	shalt  }
0x45: {  	_ =	shalt  }
0x46: {  	_ =	shalt  }
0x47: {  	_ =	shalt  }
0x48: {  	_ =	shalt  }
0x49: {  	_ =	shalt  }
0x4a: {  	_ =	shalt  }
0x4b: {  	_ =	shalt  }
0x4c: {  	_ =	shalt  }
0x4d: {  	_ =	shalt  }
0x4e: {  	_ =	shalt  }
0x4f: {  	_ =	shalt  }
0x50: {  	_ =	shalt  }
0x51: {  	_ =	shalt  }
0x52: {  	_ =	shalt  }
0x53: {  	_ =	shalt  }
0x54: {  	_ =	shalt  }
0x55: {  	_ =	shalt  }
0x56: {  	_ =	shalt  }
0x57: {  	_ =	shalt  }
0x58: {  	_ =	shalt  }
0x59: {  	_ =	shalt  }
0x5a: {  	_ =	shalt  }
0x5b: {  	_ =	shalt  }
0x5c: {  	_ =	shalt  }
0x5d: {  	_ =	shalt  }
0x5e: {  	_ =	shalt  }
0x5f: {  	_ =	shalt  }
0x60: {  	_ =	shalt  }
0x61: {  	_ =	shalt  }
0x62: {  	_ =	shalt  }
0x63: {  	_ =	shalt  }
0x64: {  	_ =	shalt  }
0x65: {  	_ =	shalt  }
0x66: {  	_ =	shalt  }
0x67: {  	_ =	shalt  }
0x68: {  	_ =	shalt  }
0x69: {  	_ =	shalt  }
0x6a: {  	_ =	shalt  }
0x6b: {  	_ =	shalt  }
0x6c: {  	_ =	shalt  }
0x6d: {  	_ =	shalt  }
0x6e: {  	_ =	shalt  }
0x6f: {  	_ =	shalt  }
0x70: {  	_ =	shalt  }
0x71: {  	_ =	shalt  }
0x72: {  	_ =	shalt  }
0x73: {  	_ =	shalt  }
0x74: {  	_ =	shalt  }
0x75: {  	_ =	shalt  }
0x76: {  	_ =	shalt  }
0x77: {  	_ =	shalt  }
0x78: {  	_ =	shalt  }
0x79: {  	_ =	shalt  }
0x7a: {  	_ =	shalt  }
0x7b: {  	_ =	shalt  }
0x7c: {  	_ =	shalt  }
0x7d: {  	_ =	shalt  }
0x7e: {  	_ =	shalt  }
0x7f: {  	_ =	shalt  }
0x80: {  	_ =	shalt  }
0x81: {  	_ =	shalt  }
0x82: {  	_ =	shalt  }
0x83: {  	_ =	shalt  }
0x84: {  	_ =	shalt  }
0x85: {  	_ =	shalt  }
0x86: {  	_ =	shalt  }
0x87: {  	_ =	shalt  }
.Lfunc_end0:
.L_simem_size_0:
called_computation_lowered:
.L_overlay_start_0:
0x88: {  	s2 =	sld [smem:$0x3FD9]  }
0x89: {  	s3 =	sld [smem:$0x3FFE];
	_ =	sdelay $0x1  }
0x8a: {  	s1 =	srdreg.scid  }
0x8b: {  	s0 =	sand.u32 $0x1, s1  }
0x8c: {  	s16 =	sshll.u32 s0, $0xA;
	s2 =	sadd.s32 s3, s2  }
0x8d: {  	s2 =	sadd.s32 s2, s16  }
0x8e: {  	[smem:$0x3FC3] =	sst s2  }
0x8f: {  	_ = 	snop  }
0x90: {  	(tm) =	ssettm $0x1  }
0x91: {  	s17 =	sld [smem:$0x3FFB];
	_ =	sdelay $0x3  }
0x92: {  	_ =	strace s17  }
0x93: {  	s2 =	sld [smem:$0x3FFC];
	_ =	sdelay $0x3  }
0x94: {  	_ =	strace s2  }
0x95: {  	s2 =	sld [smem:$0x3FFD];
	_ =	sdelay $0x3  }
0x96: {  	_ =	strace s2  }
0x97: {  	_ =	strace $0x8FFFFFFF  }
0x98: {  	s18 =	sld [smem:$0x3FDB];
	_ =	sdelay $0x1  }
0x99: {  	s19 =	simm.s32 $_scs_section_size  }
0x9a: {  	s4 =	simm.s32 $_size__tile_overlayer_lowered;
	s5 =	simm.s32 $_tile_overlayer_lowered  }
0x9b: {  	s22 =	simm.s32 $0x1BFF;
	s21 =	sshll.u32 s5, $0x1;
	s2 =	sadd.s32 s19, s18  }
0x9c: {  	s6 =	simm.s32 $0x0;
	s20 =	sshll.u32 s4, $0x1;
	s4 =	sadd.s32 s21, s2  }
0x9d: {  	[timem:s6], [sflag:s22] =	dma.local [hbm:s4], s20  }
0x9e: {  	_ =	swait.ge [sflag:s22], s20  }
0x9f: {  	s3 =	ssub.s32 $0x0, s20;
	[sflag:s22] =	ssyncset.done $0x0  }
0xa0: {  	[sflag:s22] =	ssyncadd.s32 s3;
	_ =	sdelay $0x1  }
0xa1: {  	s23 =	simm.s32 $0x1B8B  }
0xa2: {  	_ =	swait.ge [sflag:s23], $0x1  }
0xa3: {  	[sflag:s23] =	ssyncset.done $0x0  }
0xa4: {  	s25 =	simm.s32 $0x1B8E;
	s24 =	sld [smem:$0x3FFE];
	[sflag:s23] =	ssyncadd.s32 $0xFFFFFFFF  }
0xa5: {  	s26 =	simm.s32 $execute0_lowered;
	[smem:$0x3FD2] =	sst s25  }
0xa6: {  	s4 =	sshll.u32 s26, $0x1;
	_ =	strace $0x80000046;
	[dreg:$0x1] =	wrdreg $0xFFFFFFFF  }
0xa7: {  	s28 =	simm.s32 $_size_execute0_lowered;
	s2 =	sadd.s32 s2, s4;
	[dreg:$0x0] =	wrdreg $0x0  }
0xa8: {  	s4 =	sshll.u32 s28, $0x1;
	[dreg:$0x2] =	wrdreg s2  }
0xa9: {  	[dreg:$0x3] =	wrdreg s4  }
0xaa: {  	[dreg:$0x4] =	wrdreg $0xC0  }
0xab: {  	_ =	task [dreg:s6], $0x5FFFF  }
0xac: {  	[dreg:$0x1] =	wrdreg $0xFFFFFFFF  }
0xad: {  	[dreg:$0x0] =	wrdreg $0x60  }
0xae: {  	[dreg:$0x2] =	wrdreg s24  }
0xaf: {  	[dreg:$0x3] =	wrdreg $0x9  }
0xb0: {  	_ =	task.clear_ibuf [dreg:s6], $0x4FFFF;
	_ =	strace $0x90000046  }
0xb1: {  	s29 =	simm.s32 $0x9;
	_ =	strace $0x80000048  }
0xb2: {  	_ =	swait.ge [sflag:s29], $0x1  }
0xb3: {  	[sflag:s29] =	ssyncadd.s32 $0xFFFFFFFF  }
0xb4: {  	_ =	strace $0x90000048  }
0xb5: {  	_ =	sfence  }
0xb6: {  	s30 =	sld [smem:$0x0];
	_ =	sdelay $0x2  }
0xb7: {  	s31 =	sshll.u32 s1, $0xD;
	s1 =	sshrl.u32 s1, $0x2  }
0xb8: {  	s3 =	sand.u32 $0x4000, s31;
	s1 =	sadd.s32 s1, s30  }
0xb9: {  	s0 =	sor.u32 s3, s0;
	s1 =	sshll.u32 s1, $0x11  }
0xba: {  	s0 =	sor.u32 s1, s0  }
0xbb: {  	s0 =	sadd.s32 $0x8F2B, s0  }
0xbc: {  	[sflag:s0] =	ssyncadd.remote.s32 $0x1  }
0xbd: {  	_ =	sfence.sel $0xFFFF  }
0xbe: {  	[dreg:$0x0] =	wrdreg $0xFFFFFFFF;
	(pc) =	sbr.abs _section_cstart, $3  }
0xbf: {  	[dreg:$0x1] =	wrdreg $0xFFFFFFFF  }
0xc0: {  	_ =	task.clear_ibuf [dreg:s6], $0x2FFFF;
	_ =	strace $0x9FFFFFFF  }
0xc1: {  	(tm) =	ssettm $0x7FFFFFFF  }
tec
execute0_lowered:
.L_overlay_start_1:
0x0: {  	(tag) =	ssettag $0x1  }
0x1: {  	s0 =	rddreg [dreg:$0x0];
	s1 =	simm.s32 $0x0  }
0x2: {  	s3 =	srdreg.scid;
	s2 =	stileid.u32;
	s17 =	simm.s32 $0x40  }
0x3: {  	s18 =	simm.s32 $0x80;
	s19 =	simm.s32 $0xC0;
	s20 =	simm.s32 $0x100  }
0x4: {  	s21 =	simm.s32 $0x140;
	s22 =	simm.s32 $0x180;
	s23 =	simm.s32 $0x1C0  }
0x5: {  	s28 =	simm.s32 $0x2C0;
	s29 =	simm.s32 $0x300;
	s30 =	simm.s32 $0x340  }
0x6: {  	s31 =	simm.s32 $0x380;
	[smem:$0x7FF] =	sst s1;
	s3 =	sand.u32 $0x1, s3  }
0x7: {  	s6 =	sadd.s32 $0x4A800, s0;
	s5 =	sshll.u32 s2, $0x4;
	s4 =	ssub.s32 $0x2, s3  }
0x8: {  	s0 =	sadd.s32 $0x4B000, s0;
	s3 =	sshll.u32 s3, $0x3;
	s7 =	sshrl.u32 s4, $0x1  }
0x9: {  	_ =	strace $0x80000047;
	s8 =	sor.u32 s3, s5;
	s15 =	ssub.s32 s4, s7  }
0xa: {  	s3 =	sadd.s32 s6, s8;
	s9 =	sor.u32 $0x100, s8;
	s10 =	sor.u32 $0x200, s8  }
0xb: {  	s11 =	sor.u32 $0x300, s8;
	s12 =	sor.u32 $0x400, s8;
	s13 =	sor.u32 $0x500, s8  }
0xc: {  	s14 =	sor.u32 $0x600, s8;
	s16 =	sor.u32 $0x700, s8;
	s7 =	sadd.s32 s0, s8  }
0xd: {  	[dreg:$0x2] =	wrdreg s3;
	s24 =	sadd.s32 s6, s9;
	s25 =	sadd.s32 s6, s10  }
0xe: {  	s26 =	sadd.s32 s6, s11;
	s3 =	sadd.s32 s6, s12;
	s4 =	sadd.s32 s6, s13  }
0xf: {  	s5 =	sadd.s32 s6, s14;
	s6 =	sadd.s32 s6, s16;
	s8 =	sadd.s32 s0, s9  }
0x10: {  	s9 =	sadd.s32 s0, s10;
	s10 =	sadd.s32 s0, s11;
	s11 =	sadd.s32 s0, s12  }
0x11: {  	s12 =	sadd.s32 s0, s13;
	s13 =	sadd.s32 s0, s14;
	[dreg:$0x3] =	wrdreg s24  }
0x12: {  	s14 =	sadd.s32 s0, s16;
	s15 =	smax.u32 s15, $0x1;
	[dreg:$0x4] =	wrdreg s25  }
0x13: {  	s16 =	simm.s32 $0x1;
	s0 =	simm.s32 $0x3C0;
	[dreg:$0x5] =	wrdreg s26  }
0x14: {  	v0 =	vimm.s32 $0x0;
	s24 =	simm.s32 $0x200;
	s25 =	simm.s32 $0x240;
	s26 =	simm.s32 $0x280  }
.LBB2_1:
0x15: {  	s2 =	rddreg [dreg:$0x2]  }
0x16: {  	[tilespmem:s1], [sflag:$0x1] =	stream.linear.gather [hbm4b:s2+s1], $0x40, $0x38;
	[tilespmem:$0x400] =	vst v63  }
0x17: {  	_ =	swait.ge [sflag:s16], $0x40  }
0x18: {  	[sflag:s16] =	ssyncset.done $0x0  }
0x19: {  	s2 =	rddreg [dreg:$0x3];
	[sflag:s16] =	ssyncadd.s32 $0xFFFFFFC0  }
0x1a: {  	[tilespmem:s17], [sflag:$0x1] =	stream.linear.gather [hbm4b:s2+s1], $0x40, $0x38;
	[tilespmem:$0x400] =	vst v63  }
0x1b: {  	_ =	swait.ge [sflag:s16], $0x40  }
0x1c: {  	[sflag:s16] =	ssyncset.done $0x0  }
0x1d: {  	s2 =	rddreg [dreg:$0x4];
	[sflag:s16] =	ssyncadd.s32 $0xFFFFFFC0  }
0x1e: {  	[tilespmem:s18], [sflag:$0x1] =	stream.linear.gather [hbm4b:s2+s1], $0x40, $0x38;
	[tilespmem:$0x400] =	vst v63  }
0x1f: {  	_ =	swait.ge [sflag:s16], $0x40  }
0x20: {  	[sflag:s16] =	ssyncset.done $0x0  }
0x21: {  	s2 =	rddreg [dreg:$0x5];
	[sflag:s16] =	ssyncadd.s32 $0xFFFFFFC0  }
0x22: {  	[tilespmem:s19], [sflag:$0x1] =	stream.linear.gather [hbm4b:s2+s1], $0x40, $0x38;
	[tilespmem:$0x400] =	vst v63  }
0x23: {  	_ =	swait.ge [sflag:s16], $0x40  }
0x24: {  	[sflag:s16] =	ssyncset.done $0x0  }
0x25: {  	[sflag:s16] =	ssyncadd.s32 $0xFFFFFFC0  }
0x26: {  	[tilespmem:s20], [sflag:$0x1] =	stream.linear.gather [hbm4b:s3+s1], $0x40, $0x38;
	[tilespmem:$0x400] =	vst v63  }
0x27: {  	_ =	swait.ge [sflag:s16], $0x40  }
0x28: {  	[sflag:s16] =	ssyncset.done $0x0  }
0x29: {  	[sflag:s16] =	ssyncadd.s32 $0xFFFFFFC0  }
0x2a: {  	[tilespmem:s21], [sflag:$0x1] =	stream.linear.gather [hbm4b:s4+s1], $0x40, $0x38;
	[tilespmem:$0x400] =	vst v63  }
0x2b: {  	_ =	swait.ge [sflag:s16], $0x40  }
0x2c: {  	[sflag:s16] =	ssyncset.done $0x0  }
0x2d: {  	[sflag:s16] =	ssyncadd.s32 $0xFFFFFFC0  }
0x2e: {  	[tilespmem:s22], [sflag:$0x1] =	stream.linear.gather [hbm4b:s5+s1], $0x40, $0x38;
	[tilespmem:$0x400] =	vst v63  }
0x2f: {  	_ =	swait.ge [sflag:s16], $0x40  }
0x30: {  	[sflag:s16] =	ssyncset.done $0x0  }
0x31: {  	[sflag:s16] =	ssyncadd.s32 $0xFFFFFFC0  }
0x32: {  	[tilespmem:s23], [sflag:$0x1] =	stream.linear.gather [hbm4b:s6+s1], $0x40, $0x38;
	[tilespmem:$0x400] =	vst v63  }
0x33: {  	_ =	swait.ge [sflag:s16], $0x40  }
0x34: {  	[sflag:s16] =	ssyncset.done $0x0  }
0x35: {  	[sflag:s16] =	ssyncadd.s32 $0xFFFFFFC0  }
0x36: {  	v7 =	vld [tilespmem:$0x0];
	_ =	sdelay $0x4  }
0x37: {  	v1 =	vsub.f32 $0.0e+00, v7;
	_ =	sdelay $0x1  }
0x38: {  	v1 =	vmul.f32 $1.442695020e+00, v1;
	_ =	sdelay $0x1  }
0x39: {  	(erf) = vpow2.f32 v1;
	_ =	sdelay $0x3  }
0x3a: {  	v8 =	vld [tilespmem:$0x40];
	_ =	sdelay $0x4  }
0x3b: {  	v2 =	vsub.f32 $0.0e+00, v8;
	v1 =	vpop (erf)  }
0x3c: {  	v1 =	vadd.f32 $1.000000000e+00, v1  }
0x3d: {  	v2 =	vmul.f32 $1.442695020e+00, v2  }
0x3e: {  	(erf) = vrcp.f32 v1  }
0x3f: {  	(erf) = vpow2.f32 v2;
	_ =	sdelay $0x3  }
0x40: {  	v14 =	vld [tilespmem:$0x80];
	_ =	sdelay $0x3  }
0x41: {  	v1 =	vpop (erf)  }
0x42: {  	v3 =	vsub.f32 $0.0e+00, v14;
	v2 =	vpop (erf)  }
0x43: {  	v2 =	vadd.f32 $1.000000000e+00, v2  }
0x44: {  	v3 =	vmul.f32 $1.442695020e+00, v3  }
0x45: {  	(erf) = vrcp.f32 v2  }
0x46: {  	(erf) = vpow2.f32 v3;
	_ =	sdelay $0x3  }
0x47: {  	v23 =	vld [tilespmem:$0xC0];
	_ =	sdelay $0x3  }
0x48: {  	v2 =	vpop (erf)  }
0x49: {  	v4 =	vsub.f32 $0.0e+00, v23;
	v3 =	vpop (erf)  }
0x4a: {  	v3 =	vadd.f32 $1.000000000e+00, v3  }
0x4b: {  	v4 =	vmul.f32 $1.442695020e+00, v4  }
0x4c: {  	(erf) = vrcp.f32 v3  }
0x4d: {  	(erf) = vpow2.f32 v4;
	_ =	sdelay $0x3  }
0x4e: {  	v25 =	vld [tilespmem:$0x100];
	_ =	sdelay $0x3  }
0x4f: {  	v3 =	vpop (erf)  }
0x50: {  	v5 =	vsub.f32 $0.0e+00, v25;
	v4 =	vpop (erf)  }
0x51: {  	v4 =	vadd.f32 $1.000000000e+00, v4  }
0x52: {  	v5 =	vmul.f32 $1.442695020e+00, v5  }
0x53: {  	(erf) = vrcp.f32 v4  }
0x54: {  	(erf) = vpow2.f32 v5;
	_ =	sdelay $0x3  }
0x55: {  	v27 =	vld [tilespmem:$0x140];
	_ =	sdelay $0x3  }
0x56: {  	v11 =	vpop (erf)  }
0x57: {  	v35 =	vsub.f32 $0.0e+00, v27;
	v34 =	vpop (erf)  }
0x58: {  	v4 =	vadd.f32 $1.000000000e+00, v34  }
0x59: {  	v5 =	vmul.f32 $1.442695020e+00, v35  }
0x5a: {  	(erf) = vrcp.f32 v4  }
0x5b: {  	(erf) = vpow2.f32 v5;
	_ =	sdelay $0x3  }
0x5c: {  	v28 =	vld [tilespmem:$0x180];
	_ =	sdelay $0x3  }
0x5d: {  	v5 =	vpop (erf)  }
0x5e: {  	v6 =	vsub.f32 $0.0e+00, v28;
	v36 =	vpop (erf)  }
0x5f: {  	v4 =	vadd.f32 $1.000000000e+00, v36  }
0x60: {  	v6 =	vmul.f32 $1.442695020e+00, v6  }
0x61: {  	(erf) = vrcp.f32 v4  }
0x62: {  	(erf) = vpow2.f32 v6;
	_ =	sdelay $0x3  }
0x63: {  	v32 =	vld [tilespmem:$0x1C0];
	_ =	sdelay $0x3  }
0x64: {  	v6 =	vpop (erf)  }
0x65: {  	v9 =	vsub.f32 $0.0e+00, v32;
	v37 =	vpop (erf)  }
0x66: {  	v4 =	vadd.f32 $1.000000000e+00, v37  }
0x67: {  	v9 =	vmul.f32 $1.442695020e+00, v9  }
0x68: {  	(erf) = vrcp.f32 v4  }
0x69: {  	(erf) = vpow2.f32 v9;
	_ =	sdelay $0x3  }
0x6a: {  	v16 =	vld [tilespmem:$0x10];
	_ =	sdelay $0x3  }
0x6b: {  	v34 =	vpop (erf)  }
0x6c: {  	v39 =	vsub.f32 $0.0e+00, v16;
	v38 =	vpop (erf)  }
0x6d: {  	v4 =	vadd.f32 $1.000000000e+00, v38  }
0x6e: {  	v9 =	vmul.f32 $1.442695020e+00, v39  }
0x6f: {  	(erf) = vrcp.f32 v4  }
0x70: {  	(erf) = vpow2.f32 v9;
	_ =	sdelay $0x3  }
0x71: {  	v17 =	vld [tilespmem:$0x50];
	_ =	sdelay $0x3  }
0x72: {  	v33 =	vpop (erf)  }
0x73: {  	v41 =	vsub.f32 $0.0e+00, v17;
	v40 =	vpop (erf)  }
0x74: {  	v4 =	vadd.f32 $1.000000000e+00, v40  }
0x75: {  	v9 =	vmul.f32 $1.442695020e+00, v41  }
0x76: {  	(erf) = vrcp.f32 v4  }
0x77: {  	(erf) = vpow2.f32 v9;
	_ =	sdelay $0x3  }
0x78: {  	v18 =	vld [tilespmem:$0x90];
	_ =	sdelay $0x3  }
0x79: {  	v9 =	vpop (erf)  }
0x7a: {  	v10 =	vsub.f32 $0.0e+00, v18;
	v42 =	vpop (erf)  }
0x7b: {  	v4 =	vadd.f32 $1.000000000e+00, v42  }
0x7c: {  	v10 =	vmul.f32 $1.442695020e+00, v10  }
0x7d: {  	(erf) = vrcp.f32 v4  }
0x7e: {  	(erf) = vpow2.f32 v10;
	_ =	sdelay $0x3  }
0x7f: {  	v19 =	vld [tilespmem:$0xD0];
	_ =	sdelay $0x3  }
0x80: {  	v10 =	vpop (erf)  }
0x81: {  	v12 =	vsub.f32 $0.0e+00, v19;
	v43 =	vpop (erf)  }
0x82: {  	v4 =	vadd.f32 $1.000000000e+00, v43  }
0x83: {  	v12 =	vmul.f32 $1.442695020e+00, v12  }
0x84: {  	(erf) = vrcp.f32 v4  }
0x85: {  	(erf) = vpow2.f32 v12;
	_ =	sdelay $0x3  }
0x86: {  	v21 =	vld [tilespmem:$0x110];
	_ =	sdelay $0x3  }
0x87: {  	v12 =	vpop (erf)  }
0x88: {  	v13 =	vsub.f32 $0.0e+00, v21;
	v44 =	vpop (erf)  }
0x89: {  	v4 =	vadd.f32 $1.000000000e+00, v44  }
0x8a: {  	v22 =	vld [tilespmem:$0x150];
	v13 =	vmul.f32 $1.442695020e+00, v13  }
0x8b: {  	(erf) = vrcp.f32 v4  }
0x8c: {  	(erf) = vpow2.f32 v13  }
0x8d: {  	vm0 =	vgt.f32 v8, v7;
	vm1 =	vgt.f32 v14, v7  }
0x8e: {  	vm15 =	vgt.f32 v23, v7;
	vm4 =	vgt.f32 v25, v7;
	vm5 =	vgt.f32 v27, v7  }
0x8f: {  	vm6 =	vgt.f32 v28, v7;
	vm7 =	vgt.f32 v32, v7;
	v24 =	vsub.f32 $0.0e+00, v22  }
0x90: {  	vm8 =	vge.f32 v7, v8;
	vm9 =	vgt.f32 v14, v8;
	vm10 =	vgt.f32 v23, v8  }
0x91: {  	vm11 =	vgt.f32 v25, v8;
	vm12 =	vgt.f32 v27, v8;
	vm13 =	vgt.f32 v28, v8  }
0x92: {  	v45 =	vsel vm0, $0x1, v0;
	v46 =	vsel vm1, $0x1, v0;
	v47 =	vsel vm15, $0x1, v0  }
0x93: {  	v48 =	vsel vm4, $0x1, v0;
	v49 =	vsel vm5, $0x1, v0;
	v15 =	vsel vm6, $0x1, v0  }
0x94: {  	v50 =	vsel vm7, $0x1, v0;
	v52 =	vsel vm8, $0x1, v0;
	v53 =	vsel vm9, $0x1, v0;
	v13 =	vpop (erf)  }
0x95: {  	v55 =	vsel vm10, $0x1, v0;
	v56 =	vsel vm11, $0x1, v0;
	v57 =	vsel vm12, $0x1, v0;
	v20 =	vpop (erf)  }
0x96: {  	v59 =	vsel vm13, $0x1, v0;
	vm15 =	vgt.f32 v32, v8;
	v20 =	vadd.f32 $1.000000000e+00, v20  }
0x97: {  	vm4 =	vge.f32 v7, v14;
	vm5 =	vge.f32 v8, v14;
	v51 =	vmul.f32 $1.442695020e+00, v24  }
0x98: {  	vm7 =	vgt.f32 v23, v14;
	vm8 =	vgt.f32 v25, v14;
	v24 =	vld [tilespmem:$0x190];
	(erf) = vrcp.f32 v20  }
0x99: {  	vm9 =	vgt.f32 v27, v14;
	vm10 =	vgt.f32 v28, v14;
	(erf) = vpow2.f32 v51  }
0x9a: {  	vm11 =	vgt.f32 v32, v14;
	vm12 =	vge.f32 v7, v23;
	vm13 =	vge.f32 v8, v23  }
0x9b: {  	v54 =	vadd.s32 v52, v53;
	v60 =	vsel vm15, $0x1, v0;
	v61 =	vsel vm4, $0x1, v0  }
0x9c: {  	v62 =	vsel vm5, $0x1, v0;
	vm15 =	vgt.f32 v25, v23;
	vm4 =	vgt.f32 v27, v23  }
0x9d: {  	vm5 =	vgt.f32 v28, v23;
	v63 =	vadd.s32 v62, v61;
	v29 =	vsub.f32 $0.0e+00, v24  }
0x9e: {  	v35 =	vsel vm7, $0x1, v0;
	v39 =	vsel vm10, $0x1, v0;
	vm10 =	vge.f32 v8, v25  }
0x9f: {  	v36 =	vsel vm8, $0x1, v0;
	v37 =	vmul.f32 $1.442695020e+00, v29;
	v52 =	vsel vm10, $0x1, v0  }
0xa0: {  	vm10 =	vgt.f32 v28, v27;
	v38 =	vsel vm9, $0x1, v0;
	v4 =	vadd.s32 v45, v46  }
0xa1: {  	vm9 =	vge.f32 v7, v25;
	v41 =	vsel vm12, $0x1, v0;
	v4 =	vadd.s32 v47, v4;
	v20 =	vpop (erf)  }
0xa2: {  	vm12 =	vge.f32 v23, v25;
	v40 =	vsel vm11, $0x1, v0;
	v4 =	vadd.s32 v48, v4;
	v26 =	vpop (erf)  }
0xa3: {  	vm11 =	vge.f32 v14, v25;
	v4 =	vadd.s32 v49, v4;
	v26 =	vadd.f32 $1.000000000e+00, v26  }
0xa4: {  	v42 =	vsel vm13, $0x1, v0;
	vm13 =	vgt.f32 v27, v25;
	v4 =	vadd.s32 v15, v4  }
0xa5: {  	v29 =	vadd.s32 v42, v41;
	v4 =	vadd.s32 v50, v4;
	(erf) = vrcp.f32 v26  }
0xa6: {  	v43 =	vsel vm15, $0x1, v0;
	vm14 =	vlt.u32 v4, $0x2;
	(erf) = vpow2.f32 v37  }
0xa7: {  	vm15 =	vgt.f32 v32, v25;
	v1 =	vnsel vm14, $0x0, v1;
	vm14 =	vge.f32 v14, v23  }
0xa8: {  	v44 =	vsel vm4, $0x1, v0;
	vm4 =	vge.f32 v7, v27;
	v30 =	vsel vm14, $0x1, v0  }
0xa9: {  	v45 =	vsel vm5, $0x1, v0;
	v15 =	vadd.s32 v55, v54;
	v29 =	vadd.s32 v30, v29  }
0xaa: {  	vm5 =	vge.f32 v8, v27;
	v15 =	vadd.s32 v56, v15;
	v29 =	vadd.s32 v43, v29;
	v26 =	vld [tilespmem:$0x1D0]  }
0xab: {  	v54 =	vsel vm11, $0x1, v0;
	v58 =	vadd.s32 v57, v15;
	v29 =	vadd.s32 v44, v29  }
0xac: {  	v55 =	vsel vm12, $0x1, v0;
	vm11 =	vgt.f32 v32, v27;
	v4 =	vadd.s32 v59, v58  }
0xad: {  	vm12 =	vge.f32 v7, v28;
	v56 =	vsel vm13, $0x1, v0;
	v4 =	vadd.s32 v60, v4  }
0xae: {  	vm6 =	vlt.u32 v4, $0x2;
	v4 =	vadd.s32 v35, v63;
	v46 =	vadd.s32 v45, v29;
	v29 =	vpop (erf)  }
0xaf: {  	vm13 =	vge.f32 v8, v28;
	v4 =	vadd.s32 v36, v4;
	v31 =	vsub.f32 $0.0e+00, v26;
	v48 =	vpop (erf)  }
0xb0: {  	v2 =	vnsel vm6, $0x0, v2;
	v4 =	vadd.s32 v38, v4;
	v49 =	vadd.f32 $1.000000000e+00, v48  }
0xb1: {  	vm6 =	vgt.f32 v32, v23;
	v4 =	vadd.s32 v39, v4;
	v50 =	vmul.f32 $1.442695020e+00, v31  }
0xb2: {  	v47 =	vsel vm6, $0x1, v0;
	v4 =	vadd.s32 v40, v4;
	(erf) = vrcp.f32 v49  }
0xb3: {  	v15 =	vadd.s32 v47, v46;
	v51 =	vsel vm9, $0x1, v0;
	(erf) = vpow2.f32 v50  }
0xb4: {  	vm7 =	vlt.u32 v4, $0x2;
	vm8 =	vlt.u32 v15, $0x2;
	v53 =	vadd.s32 v52, v51  }
0xb5: {  	v4 =	vnsel vm7, $0x0, v3;
	v3 =	vnsel vm8, $0x0, v11;
	v11 =	vadd.s32 v54, v53  }
0xb6: {  	v41 =	vsel vm13, $0x1, v0;
	vm13 =	vge.f32 v25, v32;
	v11 =	vadd.s32 v55, v11  }
0xb7: {  	v58 =	vsel vm15, $0x1, v0;
	v59 =	vsel vm4, $0x1, v0;
	v15 =	vadd.s32 v56, v11;
	v11 =	vld [tilespmem:$0x20]  }
0xb8: {  	vm15 =	vge.f32 v14, v28;
	vm4 =	vge.f32 v23, v28;
	vm14 =	vgt.f32 v28, v25  }
0xb9: {  	v60 =	vsel vm5, $0x1, v0;
	v42 =	vsel vm15, $0x1, v0;
	vm5 =	vge.f32 v25, v28  }
0xba: {  	vm15 =	vge.f32 v28, v32;
	v57 =	vsel vm14, $0x1, v0;
	v43 =	vsel vm4, $0x1, v0  }
0xbb: {  	vm4 =	vgt.f32 v17, v16;
	vm9 =	vge.f32 v25, v27;
	vm7 =	vge.f32 v14, v27;
	v30 =	vpop (erf)  }
0xbc: {  	vm8 =	vge.f32 v23, v27;
	v15 =	vadd.s32 v57, v15;
	v35 =	vsub.f32 $0.0e+00, v11;
	v62 =	vpop (erf)  }
0xbd: {  	v61 =	vsel vm7, $0x1, v0;
	v15 =	vadd.s32 v58, v15;
	v31 =	vadd.f32 $1.000000000e+00, v62  }
0xbe: {  	vm6 =	vlt.u32 v15, $0x2;
	v15 =	vadd.s32 v60, v59;
	v35 =	vmul.f32 $1.442695020e+00, v35  }
0xbf: {  	v36 =	vsel vm8, $0x1, v0;
	v15 =	vadd.s32 v61, v15;
	(erf) = vrcp.f32 v31  }
0xc0: {  	v63 =	vsel vm9, $0x1, v0;
	v15 =	vadd.s32 v36, v15;
	(erf) = vpow2.f32 v35  }
0xc1: {  	v38 =	vsel vm10, $0x1, v0;
	v40 =	vsel vm12, $0x1, v0;
	v15 =	vadd.s32 v63, v15  }
0xc2: {  	v39 =	vsel vm11, $0x1, v0;
	v15 =	vadd.s32 v38, v15;
	v31 =	vadd.s32 v41, v40  }
0xc3: {  	v44 =	vsel vm5, $0x1, v0;
	v15 =	vadd.s32 v39, v15;
	v31 =	vadd.s32 v42, v31  }
0xc4: {  	vm5 =	vgt.f32 v18, v16;
	vm14 =	vlt.u32 v15, $0x2;
	v15 =	vld [tilespmem:$0x60];
	v31 =	vadd.s32 v43, v31  }
0xc5: {  	vm11 =	vge.f32 v14, v32;
	vm12 =	vge.f32 v23, v32;
	v31 =	vadd.s32 v44, v31  }
0xc6: {  	vm9 =	vge.f32 v8, v32;
	v5 =	vnsel vm6, $0x0, v5;
	vm6 =	vge.f32 v27, v28  }
0xc7: {  	v51 =	vsel vm12, $0x1, v0;
	v52 =	vsel vm13, $0x1, v0;
	v45 =	vsel vm6, $0x1, v0  }
0xc8: {  	vm12 =	vge.f32 v16, v17;
	vm13 =	vgt.f32 v18, v17;
	v35 =	vadd.s32 v45, v31;
	v31 =	vpop (erf)  }
0xc9: {  	vm7 =	vgt.f32 v32, v28;
	vm8 =	vge.f32 v7, v32;
	v48 =	vsub.f32 $0.0e+00, v15;
	v47 =	vpop (erf)  }
0xca: {  	v8 =	vsel vm9, $0x1, v0;
	v54 =	vsel vm15, $0x1, v0;
	v7 =	vadd.f32 $1.000000000e+00, v47  }
0xcb: {  	vm9 =	vgt.f32 v22, v16;
	vm15 =	vgt.f32 v21, v17;
	v49 =	vmul.f32 $1.442695020e+00, v48  }
0xcc: {  	v23 =	vld [tilespmem:$0xA0];
	v46 =	vsel vm7, $0x1, v0;
	v55 =	vsel vm4, $0x1, v0;
	(erf) = vrcp.f32 v7  }
0xcd: {  	vm4 =	vgt.f32 v22, v17;
	v37 =	vsel vm8, $0x1, v0;
	(erf) = vpow2.f32 v49  }
0xce: {  	v56 =	vsel vm5, $0x1, v0;
	v8 =	vadd.s32 v8, v37;
	v50 =	vsel vm11, $0x1, v0  }
0xcf: {  	vm5 =	vgt.f32 v24, v17;
	v14 =	vadd.s32 v55, v56;
	v7 =	vadd.s32 v50, v8  }
0xd0: {  	v6 =	vnsel vm14, $0x0, v6;
	vm14 =	vge.f32 v27, v32;
	v7 =	vadd.s32 v51, v7  }
0xd1: {  	v60 =	vsub.f32 $0.0e+00, v23;
	v53 =	vsel vm14, $0x1, v0;
	v8 =	vadd.s32 v52, v7  }
0xd2: {  	v61 =	vsel vm9, $0x1, v0;
	vm6 =	vgt.f32 v19, v16;
	v8 =	vadd.s32 v53, v8  }
0xd3: {  	vm9 =	vge.f32 v17, v18;
	v57 =	vsel vm6, $0x1, v0;
	v8 =	vadd.s32 v54, v8  }
0xd4: {  	v14 =	vadd.s32 v57, v14;
	v38 =	vsel vm4, $0x1, v0;
	vm7 =	vlt.u32 v8, $0x2  }
0xd5: {  	vm4 =	vge.f32 v16, v19;
	vm8 =	vgt.f32 v21, v16;
	v8 =	vnsel vm7, $0x0, v33;
	v33 =	vpop (erf)  }
0xd6: {  	v39 =	vsel vm5, $0x1, v0;
	vm5 =	vge.f32 v17, v19;
	v58 =	vsel vm8, $0x1, v0;
	v59 =	vpop (erf)  }
0xd7: {  	v37 =	vsel vm15, $0x1, v0;
	vm8 =	vge.f32 v16, v18;
	v27 =	vadd.f32 $1.000000000e+00, v59  }
0xd8: {  	v14 =	vadd.s32 v58, v14;
	vm14 =	vgt.f32 v19, v17;
	v62 =	vmul.f32 $1.442695020e+00, v60  }
0xd9: {  	v14 =	vadd.s32 v61, v14;
	v36 =	vsel vm14, $0x1, v0;
	(erf) = vrcp.f32 v27  }
0xda: {  	vm6 =	vgt.f32 v26, v17;
	v35 =	vadd.s32 v46, v35;
	(erf) = vpow2.f32 v62  }
0xdb: {  	vm15 =	vgt.f32 v26, v18;
	vm11 =	vgt.f32 v26, v16;
	vm10 =	vlt.u32 v35, $0x2  }
0xdc: {  	v35 =	vsel vm13, $0x1, v0;
	v7 =	vnsel vm10, $0x0, v34;
	v34 =	vsel vm12, $0x1, v0  }
0xdd: {  	v32 =	vsel vm11, $0x1, v0;
	vm11 =	vgt.f32 v21, v18;
	v25 =	vadd.s32 v34, v35  }
0xde: {  	v41 =	vsel vm6, $0x1, v0;
	v42 =	vsel vm8, $0x1, v0;
	v27 =	vadd.s32 v36, v25;
	v25 =	vld [tilespmem:$0xE0]  }
0xdf: {  	vm8 =	vgt.f32 v22, v19;
	v45 =	vsel vm9, $0x1, v0;
	vm9 =	vgt.f32 v24, v19  }
0xe0: {  	vm6 =	vge.f32 v18, v19;
	v56 =	vsel vm8, $0x1, v0;
	v57 =	vsel vm9, $0x1, v0  }
0xe1: {  	vm9 =	vge.f32 v16, v22;
	v47 =	vsel vm11, $0x1, v0;
	vm11 =	vge.f32 v16, v21  }
0xe2: {  	vm13 =	vgt.f32 v24, v18;
	v61 =	vsel vm11, $0x1, v0;
	vm10 =	vgt.f32 v24, v16;
	v34 =	vpop (erf)  }
0xe3: {  	vm11 =	vge.f32 v18, v22;
	v63 =	vsel vm10, $0x1, v0;
	v44 =	vsub.f32 $0.0e+00, v25;
	v43 =	vpop (erf)  }
0xe4: {  	v50 =	vsel vm13, $0x1, v0;
	v14 =	vadd.s32 v63, v14;
	v28 =	vadd.f32 $1.000000000e+00, v43  }
0xe5: {  	vm13 =	vge.f32 v18, v21;
	v14 =	vadd.s32 v32, v14;
	v32 =	vmul.f32 $1.442695020e+00, v44  }
0xe6: {  	v51 =	vsel vm15, $0x1, v0;
	v27 =	vadd.s32 v37, v27;
	(erf) = vrcp.f32 v28  }
0xe7: {  	vm10 =	vgt.f32 v19, v18;
	v27 =	vadd.s32 v38, v27;
	(erf) = vpow2.f32 v32  }
0xe8: {  	v46 =	vsel vm10, $0x1, v0;
	v40 =	vadd.s32 v39, v27;
	v27 =	vadd.s32 v45, v42  }
0xe9: {  	vm15 =	vgt.f32 v22, v21;
	vm12 =	vgt.f32 v22, v18;
	v27 =	vadd.s32 v46, v27  }
0xea: {  	v52 =	vsel vm4, $0x1, v0;
	v48 =	vsel vm12, $0x1, v0;
	v27 =	vadd.s32 v47, v27  }
0xeb: {  	vm4 =	vgt.f32 v24, v21;
	v53 =	vsel vm5, $0x1, v0;
	v49 =	vadd.s32 v48, v27;
	v27 =	vld [tilespmem:$0x120]  }
0xec: {  	vm12 =	vge.f32 v17, v21;
	vm5 =	vgt.f32 v26, v21;
	v54 =	vsel vm6, $0x1, v0  }
0xed: {  	vm10 =	vgt.f32 v26, v19;
	v63 =	vsel vm13, $0x1, v0;
	vm7 =	vlt.u32 v14, $0x2  }
0xee: {  	vm13 =	vge.f32 v21, v22;
	v9 =	vnsel vm7, $0x0, v9;
	vm7 =	vgt.f32 v21, v19  }
0xef: {  	v55 =	vsel vm7, $0x1, v0;
	v62 =	vsel vm12, $0x1, v0;
	vm12 =	vge.f32 v19, v22;
	v35 =	vpop (erf)  }
0xf0: {  	v42 =	vsel vm4, $0x1, v0;
	v45 =	vsel vm9, $0x1, v0;
	v38 =	vsub.f32 $0.0e+00, v27;
	v58 =	vpop (erf)  }
0xf1: {  	vm4 =	vge.f32 v16, v24;
	vm9 =	vge.f32 v21, v24;
	v59 =	vadd.f32 $1.000000000e+00, v58  }
0xf2: {  	v14 =	vadd.s32 v41, v40;
	v41 =	vsel vm15, $0x1, v0;
	v60 =	vmul.f32 $1.442695020e+00, v38  }
0xf3: {  	vm15 =	vgt.f32 v26, v22;
	vm14 =	vlt.u32 v14, $0x2;
	(erf) = vrcp.f32 v59  }
0xf4: {  	v10 =	vnsel vm14, $0x0, v10;
	vm14 =	vge.f32 v19, v21;
	(erf) = vpow2.f32 v60  }
0xf5: {  	v14 =	vadd.s32 v50, v49;
	v40 =	vsel vm14, $0x1, v0;
	v28 =	vadd.s32 v62, v61  }
0xf6: {  	v44 =	vsel vm5, $0x1, v0;
	v49 =	vsel vm11, $0x1, v0;
	v28 =	vadd.s32 v63, v28  }
0xf7: {  	v50 =	vsel vm12, $0x1, v0;
	vm14 =	vgt.f32 v24, v22;
	v28 =	vadd.s32 v40, v28  }
0xf8: {  	vm5 =	vge.f32 v17, v24;
	v32 =	vadd.s32 v53, v52;
	v36 =	vadd.s32 v41, v28;
	v28 =	vld [tilespmem:$0x160]  }
0xf9: {  	vm11 =	vgt.f32 v26, v24;
	vm12 =	vge.f32 v16, v26;
	v32 =	vadd.s32 v54, v32  }
0xfa: {  	v14 =	vadd.s32 v51, v14;
	v51 =	vsel vm13, $0x1, v0;
	v32 =	vadd.s32 v55, v32  }
0xfb: {  	v16 =	vsel vm12, $0x1, v0;
	vm13 =	vge.f32 v17, v26;
	v32 =	vadd.s32 v56, v32  }
0xfc: {  	vm6 =	vlt.u32 v14, $0x2;
	v43 =	vsel vm10, $0x1, v0;
	v32 =	vadd.s32 v57, v32;
	v37 =	vpop (erf)  }
0xfd: {  	v36 =	vadd.s32 v42, v36;
	v32 =	vadd.s32 v43, v32;
	v47 =	vsub.f32 $0.0e+00, v28;
	v46 =	vpop (erf)  }
0xfe: {  	v36 =	vadd.s32 v44, v36;
	vm7 =	vlt.u32 v32, $0x2;
	v32 =	vadd.f32 $1.000000000e+00, v46  }
0xff: {  	v14 =	vnsel vm6, $0x0, v12;
	vm8 =	vlt.u32 v36, $0x2;
	v36 =	vmul.f32 $1.442695020e+00, v47  }
0x100: {  	vm10 =	vge.f32 v17, v22;
	v17 =	vsel vm13, $0x1, v0;
	(erf) = vrcp.f32 v32  }
0x101: {  	vm12 =	vgt.f32 v27, v11;
	v48 =	vsel vm10, $0x1, v0;
	(erf) = vpow2.f32 v36  }
0x102: {  	vm10 =	vge.f32 v22, v24;
	v12 =	vnsel vm8, $0x0, v20;
	v20 =	vadd.s32 v48, v45  }
0x103: {  	v16 =	vadd.s32 v17, v16;
	v52 =	vsel vm14, $0x1, v0;
	v20 =	vadd.s32 v49, v20  }
0x104: {  	v53 =	vsel vm15, $0x1, v0;
	vm15 =	vge.f32 v18, v26;
	v20 =	vadd.s32 v50, v20  }
0x105: {  	v54 =	vsel vm4, $0x1, v0;
	v40 =	vsel vm10, $0x1, v0;
	v20 =	vadd.s32 v51, v20;
	v32 =	vld [tilespmem:$0x1A0]  }
0x106: {  	v61 =	vsel vm15, $0x1, v0;
	v55 =	vsel vm5, $0x1, v0;
	v20 =	vadd.s32 v52, v20  }
0x107: {  	v13 =	vnsel vm7, $0x0, v13;
	vm7 =	vge.f32 v18, v24;
	v20 =	vadd.s32 v53, v20  }
0x108: {  	v56 =	vsel vm7, $0x1, v0;
	vm6 =	vlt.u32 v20, $0x2;
	v20 =	vadd.s32 v55, v54  }
0x109: {  	vm4 =	vge.f32 v19, v26;
	v36 =	vadd.s32 v56, v20;
	v20 =	vnsel vm6, $0x0, v29;
	v29 =	vpop (erf)  }
0x10a: {  	v16 =	vadd.s32 v61, v16;
	v62 =	vsel vm4, $0x1, v0;
	v39 =	vsub.f32 $0.0e+00, v32;
	v59 =	vpop (erf)  }
0x10b: {  	vm5 =	vge.f32 v21, v26;
	v41 =	vsel vm12, $0x1, v0;
	v38 =	vadd.f32 $1.000000000e+00, v59  }
0x10c: {  	vm4 =	vge.f32 v11, v15;
	vm8 =	vge.f32 v19, v24;
	v39 =	vmul.f32 $1.442695020e+00, v39  }
0x10d: {  	vm12 =	vge.f32 v11, v23;
	v57 =	vsel vm8, $0x1, v0;
	(erf) = vrcp.f32 v38  }
0x10e: {  	v58 =	vsel vm9, $0x1, v0;
	v36 =	vadd.s32 v57, v36;
	(erf) = vpow2.f32 v39  }
0x10f: {  	v16 =	vadd.s32 v62, v16;
	v63 =	vsel vm5, $0x1, v0;
	v36 =	vadd.s32 v58, v36  }
0x110: {  	vm5 =	vgt.f32 v23, v15;
	v60 =	vsel vm11, $0x1, v0;
	v36 =	vadd.s32 v40, v36  }
0x111: {  	v17 =	vadd.s32 v63, v16;
	v45 =	vsel vm4, $0x1, v0;
	v36 =	vadd.s32 v60, v36  }
0x112: {  	vm8 =	vgt.f32 v15, v11;
	vm13 =	vgt.f32 v28, v11;
	vm14 =	vlt.u32 v36, $0x2;
	v36 =	vld [tilespmem:$0x1E0]  }
0x113: {  	vm4 =	vgt.f32 v28, v23;
	vm7 =	vge.f32 v24, v26;
	v24 =	vsel vm8, $0x1, v0  }
0x114: {  	v42 =	vsel vm13, $0x1, v0;
	vm8 =	vgt.f32 v28, v15;
	vm13 =	vge.f32 v15, v23  }
0x115: {  	v49 =	vsel vm8, $0x1, v0;
	vm8 =	vge.f32 v11, v25;
	vm9 =	vgt.f32 v23, v11  }
0x116: {  	vm11 =	vgt.f32 v25, v11;
	vm6 =	vge.f32 v22, v26;
	v22 =	vsel vm7, $0x1, v0;
	v38 =	vpop (erf)  }
0x117: {  	v21 =	vsel vm6, $0x1, v0;
	v16 =	vnsel vm14, $0x0, v30;
	v39 =	vsub.f32 $0.0e+00, v36;
	v30 =	vpop (erf)  }
0x118: {  	v26 =	vsel vm9, $0x1, v0;
	v17 =	vadd.s32 v21, v17;
	v18 =	vadd.f32 $1.000000000e+00, v30  }
0x119: {  	v17 =	vadd.s32 v22, v17;
	v40 =	vsel vm11, $0x1, v0;
	v19 =	vmul.f32 $1.442695020e+00, v39  }
0x11a: {  	vm10 =	vlt.u32 v17, $0x2;
	v17 =	vadd.s32 v24, v26;
	(erf) = vrcp.f32 v18  }
0x11b: {  	v63 =	vsel vm8, $0x1, v0;
	v17 =	vadd.s32 v40, v17;
	(erf) = vpow2.f32 v19  }
0x11c: {  	vm8 =	vgt.f32 v28, v27;
	v17 =	vadd.s32 v41, v17;
	vm14 =	vgt.f32 v32, v11  }
0x11d: {  	v17 =	vadd.s32 v42, v17;
	v43 =	vsel vm14, $0x1, v0;
	vm15 =	vgt.f32 v36, v11  }
0x11e: {  	v55 =	vsel vm12, $0x1, v0;
	v17 =	vadd.s32 v43, v17;
	v44 =	vsel vm15, $0x1, v0  }
0x11f: {  	vm12 =	vgt.f32 v27, v25;
	v46 =	vsel vm5, $0x1, v0;
	v19 =	vadd.s32 v44, v17;
	v17 =	vld [tilespmem:$0x30]  }
0x120: {  	vm7 =	vgt.f32 v27, v15;
	v56 =	vsel vm13, $0x1, v0;
	vm6 =	vgt.f32 v25, v15  }
0x121: {  	vm13 =	vgt.f32 v28, v25;
	v21 =	vadd.s32 v45, v46;
	v47 =	vsel vm6, $0x1, v0  }
0x122: {  	v48 =	vsel vm7, $0x1, v0;
	v57 =	vadd.s32 v56, v55;
	v21 =	vadd.s32 v47, v21  }
0x123: {  	v46 =	vsel vm13, $0x1, v0;
	vm13 =	vge.f32 v11, v28;
	v21 =	vadd.s32 v48, v21;
	v39 =	vpop (erf)  }
0x124: {  	v60 =	vsel vm4, $0x1, v0;
	vm5 =	vgt.f32 v32, v23;
	v52 =	vsub.f32 $0.0e+00, v17;
	v51 =	vpop (erf)  }
0x125: {  	vm4 =	vge.f32 v11, v27;
	v21 =	vadd.s32 v49, v21;
	v24 =	vadd.f32 $1.000000000e+00, v51  }
0x126: {  	v61 =	vsel vm5, $0x1, v0;
	vm14 =	vgt.f32 v25, v23;
	v54 =	vmul.f32 $1.442695020e+00, v52  }
0x127: {  	vm5 =	vge.f32 v15, v27;
	v58 =	vsel vm14, $0x1, v0;
	(erf) = vrcp.f32 v24  }
0x128: {  	v18 =	vnsel vm10, $0x0, v31;
	vm10 =	vgt.f32 v32, v15;
	(erf) = vpow2.f32 v54  }
0x129: {  	vm14 =	vgt.f32 v32, v25;
	vm11 =	vgt.f32 v36, v15;
	v50 =	vsel vm10, $0x1, v0  }
0x12a: {  	v26 =	vld [tilespmem:$0xB0];
	v22 =	vadd.s32 v58, v57;
	v53 =	vsel vm11, $0x1, v0;
	v21 =	vadd.s32 v50, v21  }
0x12b: {  	v48 =	vsel vm14, $0x1, v0;
	vm14 =	vge.f32 v15, v28;
	v21 =	vadd.s32 v53, v21  }
0x12c: {  	vm7 =	vgt.f32 v36, v23;
	vm15 =	vgt.f32 v27, v23;
	vm6 =	vlt.u32 v21, $0x2;
	v21 =	vld [tilespmem:$0x70]  }
0x12d: {  	v62 =	vsel vm7, $0x1, v0;
	vm11 =	vge.f32 v23, v25;
	vm7 =	vge.f32 v25, v27  }
0x12e: {  	v59 =	vsel vm15, $0x1, v0;
	v41 =	vsel vm11, $0x1, v0;
	vm15 =	vgt.f32 v36, v25  }
0x12f: {  	v22 =	vadd.s32 v59, v22;
	v49 =	vsel vm15, $0x1, v0;
	v59 =	vsub.f32 $0.0e+00, v26  }
0x130: {  	vm15 =	vge.f32 v23, v28;
	v44 =	vsel vm12, $0x1, v0;
	vm9 =	vlt.u32 v19, $0x2;
	v40 =	vpop (erf)  }
0x131: {  	v50 =	vsel vm4, $0x1, v0;
	vm4 =	vge.f32 v25, v28;
	v43 =	vsub.f32 $0.0e+00, v21;
	v42 =	vpop (erf)  }
0x132: {  	v19 =	vnsel vm9, $0x0, v33;
	vm9 =	vge.f32 v15, v25;
	v30 =	vadd.f32 $1.000000000e+00, v42  }
0x133: {  	v53 =	vsel vm7, $0x1, v0;
	vm7 =	vgt.f32 v36, v28;
	v45 =	vmul.f32 $1.442695020e+00, v43  }
0x134: {  	v33 =	vsel vm9, $0x1, v0;
	vm9 =	vgt.f32 v32, v27;
	(erf) = vrcp.f32 v30  }
0x135: {  	v55 =	vsel vm9, $0x1, v0;
	vm9 =	vge.f32 v15, v32;
	(erf) = vpow2.f32 v45  }
0x136: {  	v51 =	vsel vm5, $0x1, v0;
	vm5 =	vge.f32 v27, v28;
	v24 =	vadd.s32 v60, v22  }
0x137: {  	v22 =	vnsel vm6, $0x0, v34;
	v34 =	vadd.s32 v33, v63;
	vm6 =	vge.f32 v23, v27  }
0x138: {  	v33 =	vadd.s32 v51, v50;
	v63 =	vsel vm14, $0x1, v0;
	vm14 =	vge.f32 v28, v32  }
0x139: {  	v24 =	vadd.s32 v61, v24;
	v52 =	vsel vm6, $0x1, v0;
	v54 =	vsel vm8, $0x1, v0  }
0x13a: {  	v61 =	vmul.f32 $1.442695020e+00, v59;
	vm6 =	vgt.f32 v32, v28;
	vm8 =	vge.f32 v11, v32  }
0x13b: {  	v50 =	vsel vm14, $0x1, v0;
	v24 =	vadd.s32 v62, v24;
	v33 =	vadd.s32 v52, v33  }
0x13c: {  	v62 =	vsel vm13, $0x1, v0;
	vm10 =	vlt.u32 v24, $0x2;
	v24 =	vadd.s32 v41, v34  }
0x13d: {  	v33 =	vadd.s32 v53, v33;
	v41 =	vsel vm4, $0x1, v0;
	v24 =	vadd.s32 v44, v24;
	v34 =	vpop (erf)  }
0x13e: {  	vm4 =	vge.f32 v11, v36;
	v33 =	vadd.s32 v54, v33;
	v47 =	vadd.s32 v46, v24;
	v58 =	vpop (erf)  }
0x13f: {  	v24 =	vnsel vm10, $0x0, v35;
	vm10 =	vgt.f32 v36, v27;
	v60 =	vadd.f32 $1.000000000e+00, v58  }
0x140: {  	v56 =	vadd.s32 v55, v33;
	v57 =	vsel vm10, $0x1, v0;
	v30 =	vadd.s32 v48, v47  }
0x141: {  	v31 =	vadd.s32 v57, v56;
	v30 =	vadd.s32 v49, v30;
	(erf) = vrcp.f32 v60  }
0x142: {  	vm12 =	vlt.u32 v31, $0x2;
	vm11 =	vlt.u32 v30, $0x2;
	(erf) = vpow2.f32 v61  }
0x143: {  	v11 =	vld [tilespmem:$0x130];
	v31 =	vadd.s32 v63, v62;
	v30 =	vnsel vm11, $0x0, v37;
	v37 =	vsel vm15, $0x1, v0  }
0x144: {  	v43 =	vsel vm6, $0x1, v0;
	vm13 =	vge.f32 v27, v32;
	v31 =	vadd.s32 v37, v31  }
0x145: {  	v44 =	vsel vm7, $0x1, v0;
	v42 =	vsel vm5, $0x1, v0;
	v31 =	vadd.s32 v41, v31  }
0x146: {  	v46 =	vsel vm9, $0x1, v0;
	vm9 =	vge.f32 v27, v36;
	v33 =	vadd.s32 v42, v31;
	v31 =	vld [tilespmem:$0xF0]  }
0x147: {  	v53 =	vsel vm4, $0x1, v0;
	vm7 =	vge.f32 v23, v36;
	v57 =	vsel vm9, $0x1, v0  }
0x148: {  	vm9 =	vgt.f32 v26, v21;
	v62 =	vsub.f32 $0.0e+00, v11;
	vm4 =	vgt.f32 v11, v17  }
0x149: {  	v29 =	vnsel vm12, $0x0, v29;
	vm5 =	vge.f32 v15, v36;
	v33 =	vadd.s32 v43, v33  }
0x14a: {  	vm12 =	vge.f32 v25, v32;
	v54 =	vsel vm5, $0x1, v0;
	v33 =	vadd.s32 v44, v33;
	v35 =	vpop (erf)  }
0x14b: {  	v27 =	vld [tilespmem:$0x1F0];
	v55 =	vadd.s32 v54, v53;
	vm10 =	vlt.u32 v33, $0x2;
	v41 =	vsub.f32 $0.0e+00, v31;
	v48 =	vpop (erf)  }
0x14c: {  	v45 =	vsel vm8, $0x1, v0;
	v33 =	vnsel vm10, $0x0, v38;
	v38 =	vadd.f32 $1.000000000e+00, v48  }
0x14d: {  	v49 =	vsel vm13, $0x1, v0;
	vm8 =	vge.f32 v25, v36;
	v41 =	vmul.f32 $1.442695020e+00, v41  }
0x14e: {  	vm13 =	vgt.f32 v26, v17;
	v56 =	vsel vm8, $0x1, v0;
	(erf) = vrcp.f32 v38  }
0x14f: {  	vm8 =	vge.f32 v17, v21;
	vm11 =	vge.f32 v23, v32;
	(erf) = vpow2.f32 v41  }
0x150: {  	v25 =	vld [tilespmem:$0x170];
	vm15 =	vgt.f32 v36, v32;
	v23 =	vsel vm7, $0x1, v0;
	vm7 =	vgt.f32 v27, v17  }
0x151: {  	v37 =	vadd.s32 v46, v45;
	v47 =	vsel vm11, $0x1, v0;
	v51 =	vsel vm15, $0x1, v0  }
0x152: {  	v15 =	vadd.s32 v23, v55;
	vm11 =	vge.f32 v32, v36;
	v46 =	vsel vm7, $0x1, v0  }
0x153: {  	v37 =	vadd.s32 v47, v37;
	v15 =	vadd.s32 v56, v15;
	v59 =	vsel vm11, $0x1, v0  }
0x154: {  	v47 =	vsel vm8, $0x1, v0;
	vm11 =	vgt.f32 v11, v21;
	v42 =	vsel vm12, $0x1, v0  }
0x155: {  	v23 =	vadd.s32 v57, v15;
	vm12 =	vgt.f32 v21, v17;
	vm5 =	vgt.f32 v25, v17  }
0x156: {  	v53 =	vsub.f32 $0.0e+00, v25;
	vm7 =	vgt.f32 v25, v26;
	v37 =	vadd.s32 v42, v37  }
0x157: {  	v63 =	vsel vm12, $0x1, v0;
	v43 =	vsel vm4, $0x1, v0;
	vm12 =	vgt.f32 v25, v21;
	v32 =	vpop (erf)  }
0x158: {  	vm4 =	vge.f32 v21, v26;
	v37 =	vadd.s32 v49, v37;
	v44 =	vsel vm5, $0x1, v0;
	v61 =	vpop (erf)  }
0x159: {  	v55 =	vsel vm4, $0x1, v0;
	vm10 =	vge.f32 v28, v36;
	v28 =	vadd.f32 $1.000000000e+00, v61  }
0x15a: {  	v37 =	vadd.s32 v50, v37;
	v50 =	vsel vm11, $0x1, v0;
	v36 =	vmul.f32 $1.442695020e+00, v62  }
0x15b: {  	v52 =	vadd.s32 v51, v37;
	v51 =	vsel vm12, $0x1, v0;
	(erf) = vrcp.f32 v28  }
0x15c: {  	vm6 =	vlt.u32 v52, $0x2;
	v58 =	vsel vm10, $0x1, v0;
	(erf) = vpow2.f32 v36  }
0x15d: {  	vm15 =	vgt.f32 v31, v17;
	vm10 =	vgt.f32 v31, v21;
	vm5 =	vgt.f32 v31, v26  }
0x15e: {  	vm11 =	vge.f32 v21, v31;
	vm12 =	vge.f32 v26, v31;
	v23 =	vadd.s32 v58, v23  }
0x15f: {  	v15 =	vnsel vm6, $0x0, v39;
	v42 =	vsel vm15, $0x1, v0;
	v60 =	vadd.s32 v59, v23;
	v23 =	vld [tilespmem:$0x1B0]  }
0x160: {  	v49 =	vsel vm10, $0x1, v0;
	vm15 =	vge.f32 v17, v26;
	v56 =	vsel vm5, $0x1, v0  }
0x161: {  	v58 =	vsel vm7, $0x1, v0;
	vm10 =	vge.f32 v17, v31;
	v62 =	vsel vm11, $0x1, v0  }
0x162: {  	vm5 =	vge.f32 v17, v11;
	vm7 =	vgt.f32 v27, v31;
	v54 =	vsel vm15, $0x1, v0  }
0x163: {  	[tilespmem:$0x200] =	vst v1;
	vm15 =	vgt.f32 v25, v31;
	v1 =	vsel vm7, $0x1, v0;
	vm7 =	vge.f32 v31, v25  }
0x164: {  	vm14 =	vlt.u32 v60, $0x2;
	vm6 =	vgt.f32 v23, v17;
	vm8 =	vgt.f32 v23, v26;
	v39 =	vpop (erf)  }
0x165: {  	vm4 =	vgt.f32 v23, v31;
	vm11 =	vgt.f32 v23, v11;
	v41 =	vsel vm13, $0x1, v0;
	v52 =	vpop (erf)  }
0x166: {  	v45 =	vsel vm6, $0x1, v0;
	v37 =	vadd.s32 v63, v41;
	v41 =	vadd.f32 $1.000000000e+00, v52  }
0x167: {  	vm6 =	vgt.f32 v11, v26;
	v28 =	vadd.s32 v42, v37;
	v42 =	vmul.f32 $1.442695020e+00, v53  }
0x168: {  	v59 =	vsel vm8, $0x1, v0;
	vm8 =	vge.f32 v26, v11;
	(erf) = vrcp.f32 v41  }
0x169: {  	v57 =	vsel vm6, $0x1, v0;
	v28 =	vadd.s32 v43, v28;
	(erf) = vpow2.f32 v42  }
0x16a: {  	v48 =	vsel vm9, $0x1, v0;
	vm9 =	vgt.f32 v27, v26;
	v36 =	vadd.s32 v44, v28  }
0x16b: {  	vm6 =	vge.f32 v21, v11;
	v60 =	vsel vm9, $0x1, v0;
	v36 =	vadd.s32 v45, v36  }
0x16c: {  	v37 =	vadd.s32 v47, v48;
	v28 =	vnsel vm14, $0x0, v40;
	v36 =	vadd.s32 v46, v36  }
0x16d: {  	vm14 =	vgt.f32 v27, v21;
	vm0 =	vlt.u32 v36, $0x2;
	v36 =	vadd.s32 v49, v37  }
0x16e: {  	vm13 =	vgt.f32 v23, v21;
	v44 =	vsel vm14, $0x1, v0;
	v36 =	vadd.s32 v50, v36  }
0x16f: {  	v43 =	vsel vm13, $0x1, v0;
	v36 =	vadd.s32 v51, v36;
	v41 =	vadd.s32 v55, v54  }
0x170: {  	vm9 =	vge.f32 v31, v11;
	v36 =	vadd.s32 v43, v36;
	v37 =	vadd.s32 v56, v41  }
0x171: {  	v63 =	vsel vm12, $0x1, v0;
	v36 =	vadd.s32 v44, v36;
	v37 =	vadd.s32 v57, v37;
	v44 =	vpop (erf)  }
0x172: {  	vm12 =	vgt.f32 v27, v11;
	v50 =	vsub.f32 $0.0e+00, v23;
	v37 =	vadd.s32 v58, v37;
	v49 =	vpop (erf)  }
0x173: {  	[tilespmem:$0x2C0] =	vst v3;
	v3 =	vsel vm12, $0x1, v0;
	v48 =	vadd.s32 v59, v37;
	v37 =	vadd.f32 $1.000000000e+00, v49  }
0x174: {  	vm12 =	vge.f32 v21, v23;
	v61 =	vsel vm10, $0x1, v0;
	v51 =	vmul.f32 $1.442695020e+00, v50  }
0x175: {  	vm10 =	vgt.f32 v25, v11;
	v38 =	vadd.s32 v62, v61;
	(erf) = vrcp.f32 v37  }
0x176: {  	v62 =	vsub.f32 $0.0e+00, v27;
	v38 =	vadd.s32 v63, v38;
	(erf) = vpow2.f32 v51  }
0x177: {  	v53 =	vsel vm15, $0x1, v0;
	vm14 =	vgt.f32 v11, v31;
	v46 =	vsel vm12, $0x1, v0  }
0x178: {  	vm12 =	vge.f32 v23, v27;
	vm13 =	vlt.u32 v36, $0x2;
	v52 =	vsel vm14, $0x1, v0  }
0x179: {  	v34 =	vnsel vm0, $0x0, v34;
	v35 =	vnsel vm13, $0x0, v35;
	v37 =	vadd.s32 v52, v38  }
0x17a: {  	v54 =	vsel vm4, $0x1, v0;
	v55 =	vsel vm5, $0x1, v0;
	v37 =	vadd.s32 v53, v37  }
0x17b: {  	vm4 =	vge.f32 v17, v25;
	vm5 =	vge.f32 v21, v25;
	v37 =	vadd.s32 v54, v37  }
0x17c: {  	v56 =	vsel vm6, $0x1, v0;
	vm6 =	vge.f32 v26, v25;
	v41 =	vsel vm7, $0x1, v0  }
0x17d: {  	[tilespmem:$0x240] =	vst v2;
	vm7 =	vge.f32 v21, v27;
	v57 =	vsel vm8, $0x1, v0;
	v38 =	vadd.s32 v56, v55  }
0x17e: {  	[tilespmem:$0x280] =	vst v4;
	v58 =	vsel vm9, $0x1, v0;
	v38 =	vadd.s32 v57, v38;
	v1 =	vadd.s32 v1, v37;
	v37 =	vpop (erf)  }
0x17f: {  	[tilespmem:$0x300] =	vst v5;
	v59 =	vsel vm10, $0x1, v0;
	v36 =	vadd.s32 v60, v48;
	v38 =	vadd.s32 v58, v38;
	v61 =	vpop (erf)  }
0x180: {  	[tilespmem:$0x340] =	vst v6;
	v60 =	vsel vm11, $0x1, v0;
	v2 =	vadd.s32 v59, v38;
	v63 =	vadd.f32 $1.000000000e+00, v61  }
0x181: {  	[tilespmem:$0x380] =	vst v7;
	vm14 =	vlt.u32 v1, $0x2;
	v1 =	vadd.s32 v60, v2;
	v2 =	vmul.f32 $1.442695020e+00, v62  }
0x182: {  	[tilespmem:$0x3C0] =	vst v8;
	v40 =	vsel vm6, $0x1, v0;
	vm8 =	vge.f32 v11, v25;
	(erf) = vrcp.f32 v63  }
0x183: {  	[tilespmem:$0x210] =	vst v9;
	vm6 =	vge.f32 v17, v27;
	vm9 =	vgt.f32 v23, v25;
	(erf) = vpow2.f32 v2  }
0x184: {  	[tilespmem:$0x250] =	vst v10;
	v42 =	vsel vm8, $0x1, v0;
	vm8 =	vge.f32 v26, v27;
	v43 =	vsel vm9, $0x1, v0  }
0x185: {  	[tilespmem:$0x290] =	vst v14;
	vm10 =	vgt.f32 v27, v25;
	vm9 =	vge.f32 v31, v27;
	vm11 =	vge.f32 v17, v23  }
0x186: {  	[tilespmem:$0x310] =	vst v12;
	vm13 =	vlt.u32 v36, $0x2;
	v45 =	vsel vm11, $0x1, v0;
	vm11 =	vge.f32 v25, v27  }
0x187: {  	[tilespmem:$0x2D0] =	vst v13;
	v55 =	vsel vm7, $0x1, v0;
	v56 =	vsel vm8, $0x1, v0;
	v57 =	vsel vm9, $0x1, v0  }
0x188: {  	[tilespmem:$0x350] =	vst v20;
	v54 =	vsel vm6, $0x1, v0;
	v59 =	vsel vm11, $0x1, v0;
	v60 =	vadd.s32 v46, v45  }
0x189: {  	[tilespmem:$0x390] =	vst v16;
	v1 =	vadd.s32 v3, v1;
	v3 =	vnsel vm13, $0x0, v32;
	v38 =	vnsel vm14, $0x0, v39  }
0x18a: {  	[tilespmem:$0x3D0] =	vst v18;
	v39 =	vsel vm5, $0x1, v0;
	vm13 =	vge.f32 v26, v23;
	vm14 =	vge.f32 v31, v23  }
0x18b: {  	[tilespmem:$0x220] =	vst v19;
	vm5 =	vgt.f32 v27, v23;
	vm15 =	vlt.u32 v1, $0x2;
	v48 =	vsel vm13, $0x1, v0;
	v47 =	vpop (erf)  }
0x18c: {  	[tilespmem:$0x260] =	vst v22;
	v49 =	vsel vm14, $0x1, v0;
	v53 =	vsel vm5, $0x1, v0;
	v1 =	vnsel vm15, $0x0, v44;
	v51 =	vpop (erf)  }
0x18d: {  	[tilespmem:$0x2A0] =	vst v24;
	v44 =	vsel vm10, $0x1, v0;
	vm15 =	vge.f32 v11, v23;
	v20 =	vadd.f32 $1.000000000e+00, v51  }
0x18e: {  	[tilespmem:$0x320] =	vst v29;
	vm10 =	vge.f32 v11, v27;
	v6 =	vadd.s32 v48, v60;
	v2 =	vsel vm4, $0x1, v0  }
0x18f: {  	[tilespmem:$0x2E0] =	vst v30;
	v50 =	vsel vm15, $0x1, v0;
	v2 =	vadd.s32 v39, v2;
	(erf) = vrcp.f32 v20  }
0x190: {  	[tilespmem:$0x360] =	vst v33;
	v58 =	vsel vm10, $0x1, v0;
	v6 =	vadd.s32 v49, v6;
	v2 =	vadd.s32 v40, v2  }
0x191: {  	[tilespmem:$0x3A0] =	vst v15;
	v6 =	vadd.s32 v50, v6;
	v61 =	vadd.s32 v55, v54;
	v2 =	vadd.s32 v41, v2  }
0x192: {  	[tilespmem:$0x3E0] =	vst v28;
	v7 =	vadd.s32 v56, v61;
	vm4 =	vge.f32 v25, v23;
	v2 =	vadd.s32 v42, v2  }
0x193: {  	[tilespmem:$0x230] =	vst v34;
	v7 =	vadd.s32 v57, v7;
	v52 =	vsel vm4, $0x1, v0;
	v2 =	vadd.s32 v43, v2  }
0x194: {  	[tilespmem:$0x2B0] =	vst v3;
	v62 =	vadd.s32 v58, v7;
	v3 =	vadd.s32 v52, v6;
	v2 =	vadd.s32 v44, v2  }
0x195: {  	[tilespmem:$0x270] =	vst v35;
	vm13 =	vlt.u32 v2, $0x2;
	v2 =	vadd.s32 v53, v3;
	v3 =	vadd.s32 v59, v62  }
0x196: {  	[tilespmem:$0x2F0] =	vst v38;
	v63 =	vsel vm12, $0x1, v0  }
0x197: {  	[tilespmem:$0x330] =	vst v1;
	v1 =	vnsel vm13, $0x0, v37;
	vm14 =	vlt.u32 v2, $0x2;
	v2 =	vadd.s32 v63, v3  }
0x198: {  	[tilespmem:$0x370] =	vst v1;
	v1 =	vnsel vm14, $0x0, v47;
	vm15 =	vlt.u32 v2, $0x2;
	v3 =	vpop (erf)  }
0x199: {  	[tilespmem:$0x3B0] =	vst v1;
	v1 =	vnsel vm15, $0x0, v3  }
0x19a: {  	[tilespmem:$0x3F0] =	vst v1  }
0x19b: {  	[hbm4b:s7+s1] =	stream.linear.scatter [tilespmem:s24], [sflag:$0x1], $0x40, $0x38;
	[tilespmem:$0x400] =	vst v63  }
0x19c: {  	_ =	swait.ge [sflag:s16], $0x40  }
0x19d: {  	[sflag:s16] =	ssyncset.done $0x0  }
0x19e: {  	[sflag:s16] =	ssyncadd.s32 $0xFFFFFFC0  }
0x19f: {  	[hbm4b:s8+s1] =	stream.linear.scatter [tilespmem:s25], [sflag:$0x1], $0x40, $0x38;
	[tilespmem:$0x400] =	vst v63  }
0x1a0: {  	_ =	swait.ge [sflag:s16], $0x40  }
0x1a1: {  	[sflag:s16] =	ssyncset.done $0x0  }
0x1a2: {  	[sflag:s16] =	ssyncadd.s32 $0xFFFFFFC0  }
0x1a3: {  	[hbm4b:s9+s1] =	stream.linear.scatter [tilespmem:s26], [sflag:$0x1], $0x40, $0x38;
	[tilespmem:$0x400] =	vst v63  }
0x1a4: {  	_ =	swait.ge [sflag:s16], $0x40  }
0x1a5: {  	[sflag:s16] =	ssyncset.done $0x0  }
0x1a6: {  	[sflag:s16] =	ssyncadd.s32 $0xFFFFFFC0  }
0x1a7: {  	[hbm4b:s10+s1] =	stream.linear.scatter [tilespmem:s28], [sflag:$0x1], $0x40, $0x38;
	[tilespmem:$0x400] =	vst v63  }
0x1a8: {  	_ =	swait.ge [sflag:s16], $0x40  }
0x1a9: {  	[sflag:s16] =	ssyncset.done $0x0  }
0x1aa: {  	[sflag:s16] =	ssyncadd.s32 $0xFFFFFFC0  }
0x1ab: {  	[hbm4b:s11+s1] =	stream.linear.scatter [tilespmem:s29], [sflag:$0x1], $0x40, $0x38;
	[tilespmem:$0x400] =	vst v63  }
0x1ac: {  	_ =	swait.ge [sflag:s16], $0x40  }
0x1ad: {  	[sflag:s16] =	ssyncset.done $0x0  }
0x1ae: {  	[sflag:s16] =	ssyncadd.s32 $0xFFFFFFC0  }
0x1af: {  	[hbm4b:s12+s1] =	stream.linear.scatter [tilespmem:s30], [sflag:$0x1], $0x40, $0x38;
	[tilespmem:$0x400] =	vst v63  }
0x1b0: {  	_ =	swait.ge [sflag:s16], $0x40  }
0x1b1: {  	[sflag:s16] =	ssyncset.done $0x0  }
0x1b2: {  	[sflag:s16] =	ssyncadd.s32 $0xFFFFFFC0  }
0x1b3: {  	[hbm4b:s13+s1] =	stream.linear.scatter [tilespmem:s31], [sflag:$0x1], $0x40, $0x38;
	[tilespmem:$0x400] =	vst v63  }
0x1b4: {  	_ =	swait.ge [sflag:s16], $0x40  }
0x1b5: {  	p0 =	sne.s32 s15, $0x1;
	[sflag:s16] =	ssyncset.done $0x0  }
.Ltmp0:
0x1b6: {  	[sflag:s16] =	ssyncadd.s32 $0xFFFFFFC0;
	(pc) =	sbr.rel @p0 .LBB2_1-.Ltmp0, $4  }
0x1b7: {  	[hbm4b:s14+s1] =	stream.linear.scatter [tilespmem:s0], [sflag:$0x1], $0x40, $0x38;
	[tilespmem:$0x400] =	vst v63  }
0x1b8: {  	_ =	swait.ge [sflag:s16], $0x40  }
0x1b9: {  	[sflag:s16] =	ssyncset.done $0x0  }
0x1ba: {  	s15 =	sadd.s32 $0xFFFFFFFF, s15;
	[sflag:s16] =	ssyncadd.s32 $0xFFFFFFC0  }
0x1bb: {  	_ =	sfence.sel $0x180000  }
0x1bc: {  	[bflag:$0x0] =	sbarrier.arrive $0xFFFF  }
0x1bd: {  	_ =	strace $0x90000047  }
0x1be: {  	s0 =	stileid.u32;
	[bflag:$0x2] =	sbarrier.arrive $0xFFFF  }
0x1bf: {  	p0 =	sne.s32 s0, $0x0;
	s0 =	rddreg [dreg:$0x1]  }
0x1c0: {  	s0 =	sadd.s32 @!p0 $0x100000, s0  }
0x1c1: {  	[sflag:s0] =	ssyncadd.tile.s32 @!p0 $0x1;
	_ =	shalt  }
.Lfunc_end2:
_tile_overlayer_lowered:
.L_overlay_start_2:
0x1c2: {  	(tag) =	ssettag $0x2  }
0x1c3: {  	s0 =	rddreg [dreg:$0x0];
	s2 =	stileid.u32  }
0x1c4: {  	s1 =	rddreg [dreg:$0x1];
	p0 =	sne.s32 s2, $0x0  }
0x1c5: {  	s3 =	rddreg [dreg:$0x2];
	[bflag:$0x3] =	sbarrier.arrive $0xFFFF;
	s2 =	simm.s32 @!p0 $0x1C01  }
0x1c6: {  	[timem:s3], [sflag:s2] =	dma.local @!p0 [hbm:s0], s1  }
0x1c7: {  	s0 =	simm.s32 @!p0 $0x1  }
0x1c8: {  	_ =	swait.ge @!p0 [sflag:s0], s1  }
0x1c9: {  	s1 =	ssub.s32 @!p0 $0x0, s1;
	[sflag:s0] =	ssyncset.done @!p0 $0x0  }
0x1ca: {  	[sflag:s0] =	ssyncadd.s32 @!p0 s1  }
0x1cb: {  	[bflag:$0x3] =	sbarrier.arrive $0xFFFF  }
0x1cc: {  	_ =	shalt  }

</sc_bundles>
